<compile_context>
chip_gen: v7x
topology: tpu7x:2x2x1
jax: 0.10.2.dev20260603
libtpu: 0.0.44.dev20260713+nightly
codegen_flags: <defaults>
</compile_context>

<pallas_src>
import jax
import jax.numpy as jnp
from jax import lax
from jax.experimental import pallas as pl
from jax.experimental.pallas import tpu as pltpu
from jax.experimental.pallas import tpu_sc as plsc

H = 128
NB = 4
BLK = H // NB
L = 16
NC = 2
NS = 16
NW = NC * NS
C = 80


def _matmul_body(x_ref, w_ref, y_ref):
    y_ref[0] = jnp.dot(x_ref[...], w_ref[0], preferred_element_type=jnp.float32)


def _epilogue_body(p_ref, ys_ref, prm_ref, o_ref):
    agg = p_ref[0] + p_ref[1]
    mu = jnp.mean(agg, axis=-1, keepdims=True)
    var = jnp.mean((agg - mu) ** 2, axis=-1, keepdims=True)
    ln = (agg - mu) * lax.rsqrt(var + 1e-5)
    o_ref[...] = (ln * prm_ref[0, :] + prm_ref[1, :] + prm_ref[2, :]
                  + ys_ref[...])


def _make_sc_body(n_nodes, n_pad, n_edges):
    ept = n_edges // NW
    n_chunks = ept // C
    rpt = n_pad // NS
    assert ept % C == 0 and n_pad % (NS * C) == 0 and rpt % 8 == 0

    def body(y_ref, src_ref, dst_ref, r_ref, norm_ref, out_ref,
             src_v, dst_v, r_v, norm_v, gidx, rows, sh_agg, sem):
        c = lax.axis_index("c")
        s = lax.axis_index("s")
        wid = s * NC + c

        zero16 = jnp.zeros((L,), jnp.float32)

        def zrow(i, carry):
            for j in range(H // L):
                rows[i, pl.ds(j * L, L)] = zero16
            return carry

        lax.fori_loop(0, C, zrow, 0)
        for k in range(rpt // C):
            pltpu.sync_copy(rows, sh_agg.at[pl.ds(s * rpt + k * C, C)])
        plsc.subcore_barrier()

        def chunk(i, carry):
            base = pl.multiple_of(wid * ept + i * C, 8)
            pltpu.sync_copy(src_ref.at[pl.ds(base, C)], src_v)
            pltpu.sync_copy(dst_ref.at[pl.ds(base, C)], dst_v)
            pltpu.sync_copy(r_ref.at[pl.ds(base, C)], r_v)
            pltpu.sync_copy(norm_ref.at[pl.ds(base, C)], norm_v)
            for j in range(C // L):
                sl = pl.ds(j * L, L)
                gidx[sl] = r_v[sl] * n_nodes + src_v[sl]
            pltpu.async_copy(y_ref.at[gidx], rows, sem).wait()

            def scale(gi, carry2):
                nvec = norm_v[pl.ds(gi * L, L)]
                for lane in range(L):
                    nv = jnp.full((L,), nvec[lane], jnp.float32)
                    e = gi * L + lane
                    for j in range(H // L):
                        sl = pl.ds(j * L, L)
                        rows[e, sl] = rows[e, sl] * nv
                return carry2

            lax.fori_loop(0, C // L, scale, 0)
            pltpu.sync_copy(rows, sh_agg.at[dst_v], add=True)
            return carry

        lax.fori_loop(0, n_chunks, chunk, 0)
        plsc.subcore_barrier()

        pltpu.sync_copy(sh_agg.at[pl.ds(s * rpt, rpt)],
                        out_ref.at[c, pl.ds(s * rpt, rpt)])

    return body


def kernel(g, h, r, norm, embedding, W_rel, loop_weight, h_bias, ln_gamma,
           ln_beta):
    n_nodes, hdim = embedding.shape
    n_edges = g.shape[1]
    t_rel = W_rel.shape[0]
    assert hdim == H

    x = jnp.take(embedding, h, axis=0)
    src = g[0]
    dst = g[1]
    norm_flat = norm.reshape(-1)

    w_bd = jnp.zeros((t_rel, H, H), jnp.float32)
    for b in range(NB):
        w_bd = w_bd.at[:, b * BLK:(b + 1) * BLK, b * BLK:(b + 1) * BLK].set(
            W_rel[:, b])
    w_all = jnp.concatenate([w_bd, loop_weight[None]], axis=0)

    bm = 1000
    y = pl.pallas_call(
        _matmul_body,
        grid=(t_rel + 1, n_nodes // bm),
        in_specs=[
            pl.BlockSpec((bm, H), lambda t, i: (i, 0)),
            pl.BlockSpec((1, H, H), lambda t, i: (t, 0, 0)),
        ],
        out_specs=pl.BlockSpec((1, bm, H), lambda t, i: (t, i, 0)),
        out_shape=jax.ShapeDtypeStruct((t_rel + 1, n_nodes, H), jnp.float32),
    )(x, w_all)

    y_flat = y.reshape((t_rel + 1) * n_nodes, H)

    n_pad = ((n_nodes + NS * C - 1) // (NS * C)) * (NS * C)
    mesh = plsc.VectorSubcoreMesh(core_axis_name="c", subcore_axis_name="s",
                                  num_cores=NC, num_subcores=NS)
    partials = pl.kernel(
        _make_sc_body(n_nodes, n_pad, n_edges),
        out_type=jax.ShapeDtypeStruct((NC, n_pad, H), jnp.float32),
        mesh=mesh,
        scratch_types=[
            pltpu.VMEM((C,), jnp.int32),
            pltpu.VMEM((C,), jnp.int32),
            pltpu.VMEM((C,), jnp.int32),
            pltpu.VMEM((C,), jnp.float32),
            pltpu.VMEM((C,), jnp.int32),
            pltpu.VMEM((C, H), jnp.float32),
            pltpu.VMEM_SHARED((n_pad, H), jnp.float32),
            pltpu.SemaphoreType.DMA,
        ],
    )(y_flat, src, dst, r, norm_flat)

    params = jnp.stack([ln_gamma, ln_beta, h_bias])
    bm2 = 2000
    out = pl.pallas_call(
        _epilogue_body,
        grid=(n_nodes // bm2,),
        in_specs=[
            pl.BlockSpec((NC, bm2, H), lambda i: (0, i, 0)),
            pl.BlockSpec((bm2, H), lambda i: (i, 0)),
            pl.BlockSpec((3, H), lambda i: (0, 0)),
        ],
        out_specs=pl.BlockSpec((bm2, H), lambda i: (i, 0)),
        out_shape=jax.ShapeDtypeStruct((n_nodes, H), jnp.float32),
    )(partials, y[t_rel], params)

    return out

# --- scband reference (transcript-rebuilt; emitter-appended) ---
"""Pipeline reference for scband-link-predict-22359599743029 (READ-ONLY COPY).

The authoritative reference and input builder live on the scoring server;
editing this copy changes nothing except your own understanding.
"""

import jax, jax.numpy as jnp
import numpy as np

N_NODES = 10000
N_EDGES = 320000
H_DIM = 128
NUM_RELS = 8          # doubled inside RGCN -> 16 relation types
NUM_REL_TYPES = 2 * NUM_RELS
NUM_BASES = 4         # bdd blocks
BLK = H_DIM // NUM_BASES


def setup_inputs(seed: int = 0) -> dict:
    key = jax.random.key(seed)
    ks = jax.random.split(key, 10)
    g = jax.random.randint(ks[0], (2, N_EDGES), 0, N_NODES, dtype=jnp.int32)
    h = jnp.arange(N_NODES, dtype=jnp.int32)
    r = jax.random.randint(ks[1], (N_EDGES,), 0, NUM_REL_TYPES, dtype=jnp.int32)
    norm = jax.random.uniform(ks[2], (N_EDGES, 1), dtype=jnp.float32)
    # learned parameters
    embedding = jax.random.normal(ks[3], (N_NODES, H_DIM), dtype=jnp.float32) * 0.05
    W_rel = jax.random.normal(ks[4], (NUM_REL_TYPES, NUM_BASES, BLK, BLK), dtype=jnp.float32) * (1.0 / np.sqrt(BLK))
    loop_weight = jax.random.normal(ks[5], (H_DIM, H_DIM), dtype=jnp.float32) * (1.0 / np.sqrt(H_DIM))
    h_bias = jnp.zeros((H_DIM,), dtype=jnp.float32)
    ln_gamma = jnp.ones((H_DIM,), dtype=jnp.float32)
    ln_beta = jnp.zeros((H_DIM,), dtype=jnp.float32)
    return {"g": g, "h": h, "r": r, "norm": norm,
            "embedding": embedding, "W_rel": W_rel, "loop_weight": loop_weight,
            "h_bias": h_bias, "ln_gamma": ln_gamma, "ln_beta": ln_beta}


def reference(g, h, r, norm, embedding, W_rel, loop_weight, h_bias, ln_gamma, ln_beta):
    # EmbeddingLayer: x = embedding(h)
    x = jnp.take(embedding, h, axis=0)                      # [N, H]
    src, dst = g[0], g[1]
    # RelGraphConv with 'bdd' regularizer: block-diagonal per-relation transform
    h_src = jnp.take(x, src, axis=0).reshape(N_EDGES, NUM_BASES, 1, BLK)
    W = jnp.take(W_rel, r, axis=0)                          # [E, nb, blk, blk]
    msg = jnp.matmul(h_src, W).reshape(N_EDGES, H_DIM)      # [E, H]
    msg = msg * norm                                        # edge norm
    agg = jax.ops.segment_sum(msg, dst, num_segments=N_NODES)  # scatter-add to dst
    # layer_norm, then bias, then self-loop (DGL RelGraphConv order); activation=None (last layer)
    mu = jnp.mean(agg, axis=-1, keepdims=True)
    var = jnp.var(agg, axis=-1, keepdims=True)
    node_repr = (agg - mu) / jnp.sqrt(var + 1e-5) * ln_gamma + ln_beta
    node_repr = node_repr + h_bias
    node_repr = node_repr + x @ loop_weight
    return node_repr

if __name__ == "__main__":
    import jax
    _d = setup_inputs()
    print(jax.jit(kernel)(*tuple(_d.values())))

</pallas_src>

<mosaic_0001>
#map = affine_map<(d0, d1) -> (0, 0)>
#map1 = affine_map<(d0, d1) -> (0)>
#map2 = affine_map<(d0, d1) -> (0, 0, 0)>
module attributes {stable_mosaic.version = 14 : i64} {
  func.func @body(%arg0: i32, %arg1: i32, %arg2: memref<170000x128xf32, #tpu.memory_space<hbm>>, %arg3: memref<320000xi32, #tpu.memory_space<hbm>>, %arg4: memref<320000xi32, #tpu.memory_space<hbm>>, %arg5: memref<320000xi32, #tpu.memory_space<hbm>>, %arg6: memref<320000xf32, #tpu.memory_space<hbm>>, %arg7: memref<2x10240x128xf32, #tpu.memory_space<hbm>>, %arg8: memref<80xi32, #tpu.memory_space<vmem>>, %arg9: memref<80xi32, #tpu.memory_space<vmem>>, %arg10: memref<80xi32, #tpu.memory_space<vmem>>, %arg11: memref<80xf32, #tpu.memory_space<vmem>>, %arg12: memref<80xi32, #tpu.memory_space<vmem>>, %arg13: memref<80x128xf32, #tpu.memory_space<vmem>>, %arg14: memref<10240x128xf32, #tpu.memory_space<vmem_shared>>, %arg15: memref<!tpu.dma_semaphore, #tpu.memory_space<semaphore_mem>>) attributes {dimension_semantics = [#tpu.dimension_semantics<core_parallel>, #tpu.dimension_semantics<subcore_parallel>], iteration_bounds = array<i64: 2, 16>, scalar_prefetch = 0 : i64, scratch_operands = 8 : i64, tpu.core_type = #tpu.core_type<sc_vector_subcore>, window_params = [{transform_indices = #map}, {transform_indices = #map1}, {transform_indices = #map1}, {transform_indices = #map1}, {transform_indices = #map1}, {transform_indices = #map2}]} {
    %mul3A = arith.constant 2 : i32
    %mul3A_0 = arith.muli %arg1, %mul3A : i32
    %add3A = arith.addi %mul3A_0, %arg0 : i32
    %broadcast_in_dim3A = arith.constant 0.000000e+00 : f32
    %broadcast_in_dim3A_1 = vector.broadcast %broadcast_in_dim3A : f32 to vector<16xf32>
    %scan3A = arith.constant 0 : i32
    %scan3A_2 = arith.constant 0 : i32
    %scan3A_3 = arith.constant 80 : i32
    %scan3A_4 = arith.addi %scan3A_2, %scan3A_3 : i32
    %scan3A_5 = arith.constant 1 : i32
    scf.for %scan3A_50 = %scan3A_2 to %scan3A_4 step %scan3A_5  : i32 {
      %swap3A = arith.index_cast %scan3A_50 : i32 to index
      %swap3A_51 = arith.constant 0 : index
      %swap3A_52 = tpu.vector_load %arg13[%swap3A, %swap3A_51] {strides = array<i32>} : memref<80x128xf32, #tpu.memory_space<vmem>>, vector<1x16xf32>,
      %swap3A_53 = vector.shape_cast %swap3A_52 : vector<1x16xf32> to vector<16xf32>
      %swap3A_54 = vector.shape_cast %broadcast_in_dim3A_1 : vector<16xf32> to vector<1x16xf32>
      tpu.vector_store %arg13[%swap3A, %swap3A_51], %swap3A_54 {strides = array<i32>} : memref<80x128xf32, #tpu.memory_space<vmem>>, vector<1x16xf32>,
      %swap3A_55 = arith.index_cast %scan3A_50 : i32 to index
      %swap3A_56 = arith.constant 16 : index
      %swap3A_57 = tpu.vector_load %arg13[%swap3A_55, %swap3A_56] {strides = array<i32>} : memref<80x128xf32, #tpu.memory_space<vmem>>, vector<1x16xf32>,
      %swap3A_58 = vector.shape_cast %swap3A_57 : vector<1x16xf32> to vector<16xf32>
      %swap3A_59 = vector.shape_cast %broadcast_in_dim3A_1 : vector<16xf32> to vector<1x16xf32>
      tpu.vector_store %arg13[%swap3A_55, %swap3A_56], %swap3A_59 {strides = array<i32>} : memref<80x128xf32, #tpu.memory_space<vmem>>, vector<1x16xf32>,
      %swap3A_60 = arith.index_cast %scan3A_50 : i32 to index
      %swap3A_61 = arith.constant 32 : index
      %swap3A_62 = tpu.vector_load %arg13[%swap3A_60, %swap3A_61] {strides = array<i32>} : memref<80x128xf32, #tpu.memory_space<vmem>>, vector<1x16xf32>,
      %swap3A_63 = vector.shape_cast %swap3A_62 : vector<1x16xf32> to vector<16xf32>
      %swap3A_64 = vector.shape_cast %broadcast_in_dim3A_1 : vector<16xf32> to vector<1x16xf32>
      tpu.vector_store %arg13[%swap3A_60, %swap3A_61], %swap3A_64 {strides = array<i32>} : memref<80x128xf32, #tpu.memory_space<vmem>>, vector<1x16xf32>,
      %swap3A_65 = arith.index_cast %scan3A_50 : i32 to index
      %swap3A_66 = arith.constant 48 : index
      %swap3A_67 = tpu.vector_load %arg13[%swap3A_65, %swap3A_66] {strides = array<i32>} : memref<80x128xf32, #tpu.memory_space<vmem>>, vector<1x16xf32>,
      %swap3A_68 = vector.shape_cast %swap3A_67 : vector<1x16xf32> to vector<16xf32>
      %swap3A_69 = vector.shape_cast %broadcast_in_dim3A_1 : vector<16xf32> to vector<1x16xf32>
      tpu.vector_store %arg13[%swap3A_65, %swap3A_66], %swap3A_69 {strides = array<i32>} : memref<80x128xf32, #tpu.memory_space<vmem>>, vector<1x16xf32>,
      %swap3A_70 = arith.index_cast %scan3A_50 : i32 to index
      %swap3A_71 = arith.constant 64 : index
      %swap3A_72 = tpu.vector_load %arg13[%swap3A_70, %swap3A_71] {strides = array<i32>} : memref<80x128xf32, #tpu.memory_space<vmem>>, vector<1x16xf32>,
      %swap3A_73 = vector.shape_cast %swap3A_72 : vector<1x16xf32> to vector<16xf32>
      %swap3A_74 = vector.shape_cast %broadcast_in_dim3A_1 : vector<16xf32> to vector<1x16xf32>
      tpu.vector_store %arg13[%swap3A_70, %swap3A_71], %swap3A_74 {strides = array<i32>} : memref<80x128xf32, #tpu.memory_space<vmem>>, vector<1x16xf32>,
      %swap3A_75 = arith.index_cast %scan3A_50 : i32 to index
      %swap3A_76 = arith.constant 80 : index
      %swap3A_77 = tpu.vector_load %arg13[%swap3A_75, %swap3A_76] {strides = array<i32>} : memref<80x128xf32, #tpu.memory_space<vmem>>, vector<1x16xf32>,
      %swap3A_78 = vector.shape_cast %swap3A_77 : vector<1x16xf32> to vector<16xf32>
      %swap3A_79 = vector.shape_cast %broadcast_in_dim3A_1 : vector<16xf32> to vector<1x16xf32>
      tpu.vector_store %arg13[%swap3A_75, %swap3A_76], %swap3A_79 {strides = array<i32>} : memref<80x128xf32, #tpu.memory_space<vmem>>, vector<1x16xf32>,
      %swap3A_80 = arith.index_cast %scan3A_50 : i32 to index
      %swap3A_81 = arith.constant 96 : index
      %swap3A_82 = tpu.vector_load %arg13[%swap3A_80, %swap3A_81] {strides = array<i32>} : memref<80x128xf32, #tpu.memory_space<vmem>>, vector<1x16xf32>,
      %swap3A_83 = vector.shape_cast %swap3A_82 : vector<1x16xf32> to vector<16xf32>
      %swap3A_84 = vector.shape_cast %broadcast_in_dim3A_1 : vector<16xf32> to vector<1x16xf32>
      tpu.vector_store %arg13[%swap3A_80, %swap3A_81], %swap3A_84 {strides = array<i32>} : memref<80x128xf32, #tpu.memory_space<vmem>>, vector<1x16xf32>,
      %swap3A_85 = arith.index_cast %scan3A_50 : i32 to index
      %swap3A_86 = arith.constant 112 : index
      %swap3A_87 = tpu.vector_load %arg13[%swap3A_85, %swap3A_86] {strides = array<i32>} : memref<80x128xf32, #tpu.memory_space<vmem>>, vector<1x16xf32>,
      %swap3A_88 = vector.shape_cast %swap3A_87 : vector<1x16xf32> to vector<16xf32>
      %swap3A_89 = vector.shape_cast %broadcast_in_dim3A_1 : vector<16xf32> to vector<1x16xf32>
      tpu.vector_store %arg13[%swap3A_85, %swap3A_86], %swap3A_89 {strides = array<i32>} : memref<80x128xf32, #tpu.memory_space<vmem>>, vector<1x16xf32>,
    }
    %scan3A_6 = arith.constant 80 : i32
    %mul3A_7 = arith.constant 640 : i32
    %mul3A_8 = arith.muli %arg1, %mul3A_7 : i32
    %add3A_9 = arith.constant 0 : i32
    %add3A_10 = arith.addi %mul3A_8, %add3A_9 : i32
    "tpu.region"() ({
      %run_scoped3A = tpu.sem_alloc : memref<!tpu.dma_semaphore, #tpu.memory_space<semaphore_mem>>
      %dma_start3A = arith.constant 0 : i32
      %dma_start3A_50 = tpu.memref_slice %arg14[%add3A_10, %dma_start3A] : memref<10240x128xf32, #tpu.memory_space<vmem_shared>> -> memref<80x128xf32, #tpu.memory_space<vmem_shared>>
      %dma_start3A_51 = arith.constant 0 : i32
      %dma_start3A_52 = tpu.memref_slice %arg14[%add3A_10, %dma_start3A_51] : memref<10240x128xf32, #tpu.memory_space<vmem_shared>> -> memref<80x128xf32, #tpu.memory_space<vmem_shared>>
      tpu.enqueue_dma source(%arg13 : memref<80x128xf32, #tpu.memory_space<vmem>>) target(%dma_start3A_52 : memref<80x128xf32, #tpu.memory_space<vmem_shared>>) target_semaphore(%run_scoped3A : memref<!tpu.dma_semaphore, #tpu.memory_space<semaphore_mem>>)
      %dma_wait3A = arith.constant 0 : i32
      %dma_wait3A_53 = tpu.memref_slice %arg14[%add3A_10, %dma_wait3A] : memref<10240x128xf32, #tpu.memory_space<vmem_shared>> -> memref<80x128xf32, #tpu.memory_space<vmem_shared>>
      %dma_wait3A_54 = arith.constant 0 : i32
      %dma_wait3A_55 = tpu.memref_slice %arg14[%add3A_10, %dma_wait3A_54] : memref<10240x128xf32, #tpu.memory_space<vmem_shared>> -> memref<80x128xf32, #tpu.memory_space<vmem_shared>>
      tpu.wait_dma2 semaphore(%run_scoped3A : memref<!tpu.dma_semaphore, #tpu.memory_space<semaphore_mem>>) src(%arg13 : memref<80x128xf32, #tpu.memory_space<vmem>>) dst(%dma_wait3A_55 : memref<80x128xf32, #tpu.memory_space<vmem_shared>>)
      tpu.yield
    }) : () -> ()
    %mul3A_11 = arith.constant 640 : i32
    %mul3A_12 = arith.muli %arg1, %mul3A_11 : i32
    %add3A_13 = arith.constant 80 : i32
    %add3A_14 = arith.addi %mul3A_12, %add3A_13 : i32
    "tpu.region"() ({
      %run_scoped3A = tpu.sem_alloc : memref<!tpu.dma_semaphore, #tpu.memory_space<semaphore_mem>>
      %dma_start3A = arith.constant 0 : i32
      %dma_start3A_50 = tpu.memref_slice %arg14[%add3A_14, %dma_start3A] : memref<10240x128xf32, #tpu.memory_space<vmem_shared>> -> memref<80x128xf32, #tpu.memory_space<vmem_shared>>
      %dma_start3A_51 = arith.constant 0 : i32
      %dma_start3A_52 = tpu.memref_slice %arg14[%add3A_14, %dma_start3A_51] : memref<10240x128xf32, #tpu.memory_space<vmem_shared>> -> memref<80x128xf32, #tpu.memory_space<vmem_shared>>
      tpu.enqueue_dma source(%arg13 : memref<80x128xf32, #tpu.memory_space<vmem>>) target(%dma_start3A_52 : memref<80x128xf32, #tpu.memory_space<vmem_shared>>) target_semaphore(%run_scoped3A : memref<!tpu.dma_semaphore, #tpu.memory_space<semaphore_mem>>)
      %dma_wait3A = arith.constant 0 : i32
      %dma_wait3A_53 = tpu.memref_slice %arg14[%add3A_14, %dma_wait3A] : memref<10240x128xf32, #tpu.memory_space<vmem_shared>> -> memref<80x128xf32, #tpu.memory_space<vmem_shared>>
      %dma_wait3A_54 = arith.constant 0 : i32
      %dma_wait3A_55 = tpu.memref_slice %arg14[%add3A_14, %dma_wait3A_54] : memref<10240x128xf32, #tpu.memory_space<vmem_shared>> -> memref<80x128xf32, #tpu.memory_space<vmem_shared>>
      tpu.wait_dma2 semaphore(%run_scoped3A : memref<!tpu.dma_semaphore, #tpu.memory_space<semaphore_mem>>) src(%arg13 : memref<80x128xf32, #tpu.memory_space<vmem>>) dst(%dma_wait3A_55 : memref<80x128xf32, #tpu.memory_space<vmem_shared>>)
      tpu.yield
    }) : () -> ()
    %mul3A_15 = arith.constant 640 : i32
    %mul3A_16 = arith.muli %arg1, %mul3A_15 : i32
    %add3A_17 = arith.constant 160 : i32
    %add3A_18 = arith.addi %mul3A_16, %add3A_17 : i32
    "tpu.region"() ({
      %run_scoped3A = tpu.sem_alloc : memref<!tpu.dma_semaphore, #tpu.memory_space<semaphore_mem>>
      %dma_start3A = arith.constant 0 : i32
      %dma_start3A_50 = tpu.memref_slice %arg14[%add3A_18, %dma_start3A] : memref<10240x128xf32, #tpu.memory_space<vmem_shared>> -> memref<80x128xf32, #tpu.memory_space<vmem_shared>>
      %dma_start3A_51 = arith.constant 0 : i32
      %dma_start3A_52 = tpu.memref_slice %arg14[%add3A_18, %dma_start3A_51] : memref<10240x128xf32, #tpu.memory_space<vmem_shared>> -> memref<80x128xf32, #tpu.memory_space<vmem_shared>>
      tpu.enqueue_dma source(%arg13 : memref<80x128xf32, #tpu.memory_space<vmem>>) target(%dma_start3A_52 : memref<80x128xf32, #tpu.memory_space<vmem_shared>>) target_semaphore(%run_scoped3A : memref<!tpu.dma_semaphore, #tpu.memory_space<semaphore_mem>>)
      %dma_wait3A = arith.constant 0 : i32
      %dma_wait3A_53 = tpu.memref_slice %arg14[%add3A_18, %dma_wait3A] : memref<10240x128xf32, #tpu.memory_space<vmem_shared>> -> memref<80x128xf32, #tpu.memory_space<vmem_shared>>
      %dma_wait3A_54 = arith.constant 0 : i32
      %dma_wait3A_55 = tpu.memref_slice %arg14[%add3A_18, %dma_wait3A_54] : memref<10240x128xf32, #tpu.memory_space<vmem_shared>> -> memref<80x128xf32, #tpu.memory_space<vmem_shared>>
      tpu.wait_dma2 semaphore(%run_scoped3A : memref<!tpu.dma_semaphore, #tpu.memory_space<semaphore_mem>>) src(%arg13 : memref<80x128xf32, #tpu.memory_space<vmem>>) dst(%dma_wait3A_55 : memref<80x128xf32, #tpu.memory_space<vmem_shared>>)
      tpu.yield
    }) : () -> ()
    %mul3A_19 = arith.constant 640 : i32
    %mul3A_20 = arith.muli %arg1, %mul3A_19 : i32
    %add3A_21 = arith.constant 240 : i32
    %add3A_22 = arith.addi %mul3A_20, %add3A_21 : i32
    "tpu.region"() ({
      %run_scoped3A = tpu.sem_alloc : memref<!tpu.dma_semaphore, #tpu.memory_space<semaphore_mem>>
      %dma_start3A = arith.constant 0 : i32
      %dma_start3A_50 = tpu.memref_slice %arg14[%add3A_22, %dma_start3A] : memref<10240x128xf32, #tpu.memory_space<vmem_shared>> -> memref<80x128xf32, #tpu.memory_space<vmem_shared>>
      %dma_start3A_51 = arith.constant 0 : i32
      %dma_start3A_52 = tpu.memref_slice %arg14[%add3A_22, %dma_start3A_51] : memref<10240x128xf32, #tpu.memory_space<vmem_shared>> -> memref<80x128xf32, #tpu.memory_space<vmem_shared>>
      tpu.enqueue_dma source(%arg13 : memref<80x128xf32, #tpu.memory_space<vmem>>) target(%dma_start3A_52 : memref<80x128xf32, #tpu.memory_space<vmem_shared>>) target_semaphore(%run_scoped3A : memref<!tpu.dma_semaphore, #tpu.memory_space<semaphore_mem>>)
      %dma_wait3A = arith.constant 0 : i32
      %dma_wait3A_53 = tpu.memref_slice %arg14[%add3A_22, %dma_wait3A] : memref<10240x128xf32, #tpu.memory_space<vmem_shared>> -> memref<80x128xf32, #tpu.memory_space<vmem_shared>>
      %dma_wait3A_54 = arith.constant 0 : i32
      %dma_wait3A_55 = tpu.memref_slice %arg14[%add3A_22, %dma_wait3A_54] : memref<10240x128xf32, #tpu.memory_space<vmem_shared>> -> memref<80x128xf32, #tpu.memory_space<vmem_shared>>
      tpu.wait_dma2 semaphore(%run_scoped3A : memref<!tpu.dma_semaphore, #tpu.memory_space<semaphore_mem>>) src(%arg13 : memref<80x128xf32, #tpu.memory_space<vmem>>) dst(%dma_wait3A_55 : memref<80x128xf32, #tpu.memory_space<vmem_shared>>)
      tpu.yield
    }) : () -> ()
    %mul3A_23 = arith.constant 640 : i32
    %mul3A_24 = arith.muli %arg1, %mul3A_23 : i32
    %add3A_25 = arith.constant 320 : i32
    %add3A_26 = arith.addi %mul3A_24, %add3A_25 : i32
    "tpu.region"() ({
      %run_scoped3A = tpu.sem_alloc : memref<!tpu.dma_semaphore, #tpu.memory_space<semaphore_mem>>
      %dma_start3A = arith.constant 0 : i32
      %dma_start3A_50 = tpu.memref_slice %arg14[%add3A_26, %dma_start3A] : memref<10240x128xf32, #tpu.memory_space<vmem_shared>> -> memref<80x128xf32, #tpu.memory_space<vmem_shared>>
      %dma_start3A_51 = arith.constant 0 : i32
      %dma_start3A_52 = tpu.memref_slice %arg14[%add3A_26, %dma_start3A_51] : memref<10240x128xf32, #tpu.memory_space<vmem_shared>> -> memref<80x128xf32, #tpu.memory_space<vmem_shared>>
      tpu.enqueue_dma source(%arg13 : memref<80x128xf32, #tpu.memory_space<vmem>>) target(%dma_start3A_52 : memref<80x128xf32, #tpu.memory_space<vmem_shared>>) target_semaphore(%run_scoped3A : memref<!tpu.dma_semaphore, #tpu.memory_space<semaphore_mem>>)
      %dma_wait3A = arith.constant 0 : i32
      %dma_wait3A_53 = tpu.memref_slice %arg14[%add3A_26, %dma_wait3A] : memref<10240x128xf32, #tpu.memory_space<vmem_shared>> -> memref<80x128xf32, #tpu.memory_space<vmem_shared>>
      %dma_wait3A_54 = arith.constant 0 : i32
      %dma_wait3A_55 = tpu.memref_slice %arg14[%add3A_26, %dma_wait3A_54] : memref<10240x128xf32, #tpu.memory_space<vmem_shared>> -> memref<80x128xf32, #tpu.memory_space<vmem_shared>>
      tpu.wait_dma2 semaphore(%run_scoped3A : memref<!tpu.dma_semaphore, #tpu.memory_space<semaphore_mem>>) src(%arg13 : memref<80x128xf32, #tpu.memory_space<vmem>>) dst(%dma_wait3A_55 : memref<80x128xf32, #tpu.memory_space<vmem_shared>>)
      tpu.yield
    }) : () -> ()
    %mul3A_27 = arith.constant 640 : i32
    %mul3A_28 = arith.muli %arg1, %mul3A_27 : i32
    %add3A_29 = arith.constant 400 : i32
    %add3A_30 = arith.addi %mul3A_28, %add3A_29 : i32
    "tpu.region"() ({
      %run_scoped3A = tpu.sem_alloc : memref<!tpu.dma_semaphore, #tpu.memory_space<semaphore_mem>>
      %dma_start3A = arith.constant 0 : i32
      %dma_start3A_50 = tpu.memref_slice %arg14[%add3A_30, %dma_start3A] : memref<10240x128xf32, #tpu.memory_space<vmem_shared>> -> memref<80x128xf32, #tpu.memory_space<vmem_shared>>
      %dma_start3A_51 = arith.constant 0 : i32
      %dma_start3A_52 = tpu.memref_slice %arg14[%add3A_30, %dma_start3A_51] : memref<10240x128xf32, #tpu.memory_space<vmem_shared>> -> memref<80x128xf32, #tpu.memory_space<vmem_shared>>
      tpu.enqueue_dma source(%arg13 : memref<80x128xf32, #tpu.memory_space<vmem>>) target(%dma_start3A_52 : memref<80x128xf32, #tpu.memory_space<vmem_shared>>) target_semaphore(%run_scoped3A : memref<!tpu.dma_semaphore, #tpu.memory_space<semaphore_mem>>)
      %dma_wait3A = arith.constant 0 : i32
      %dma_wait3A_53 = tpu.memref_slice %arg14[%add3A_30, %dma_wait3A] : memref<10240x128xf32, #tpu.memory_space<vmem_shared>> -> memref<80x128xf32, #tpu.memory_space<vmem_shared>>
      %dma_wait3A_54 = arith.constant 0 : i32
      %dma_wait3A_55 = tpu.memref_slice %arg14[%add3A_30, %dma_wait3A_54] : memref<10240x128xf32, #tpu.memory_space<vmem_shared>> -> memref<80x128xf32, #tpu.memory_space<vmem_shared>>
      tpu.wait_dma2 semaphore(%run_scoped3A : memref<!tpu.dma_semaphore, #tpu.memory_space<semaphore_mem>>) src(%arg13 : memref<80x128xf32, #tpu.memory_space<vmem>>) dst(%dma_wait3A_55 : memref<80x128xf32, #tpu.memory_space<vmem_shared>>)
      tpu.yield
    }) : () -> ()
    %mul3A_31 = arith.constant 640 : i32
    %mul3A_32 = arith.muli %arg1, %mul3A_31 : i32
    %add3A_33 = arith.constant 480 : i32
    %add3A_34 = arith.addi %mul3A_32, %add3A_33 : i32
    "tpu.region"() ({
      %run_scoped3A = tpu.sem_alloc : memref<!tpu.dma_semaphore, #tpu.memory_space<semaphore_mem>>
      %dma_start3A = arith.constant 0 : i32
      %dma_start3A_50 = tpu.memref_slice %arg14[%add3A_34, %dma_start3A] : memref<10240x128xf32, #tpu.memory_space<vmem_shared>> -> memref<80x128xf32, #tpu.memory_space<vmem_shared>>
      %dma_start3A_51 = arith.constant 0 : i32
      %dma_start3A_52 = tpu.memref_slice %arg14[%add3A_34, %dma_start3A_51] : memref<10240x128xf32, #tpu.memory_space<vmem_shared>> -> memref<80x128xf32, #tpu.memory_space<vmem_shared>>
      tpu.enqueue_dma source(%arg13 : memref<80x128xf32, #tpu.memory_space<vmem>>) target(%dma_start3A_52 : memref<80x128xf32, #tpu.memory_space<vmem_shared>>) target_semaphore(%run_scoped3A : memref<!tpu.dma_semaphore, #tpu.memory_space<semaphore_mem>>)
      %dma_wait3A = arith.constant 0 : i32
      %dma_wait3A_53 = tpu.memref_slice %arg14[%add3A_34, %dma_wait3A] : memref<10240x128xf32, #tpu.memory_space<vmem_shared>> -> memref<80x128xf32, #tpu.memory_space<vmem_shared>>
      %dma_wait3A_54 = arith.constant 0 : i32
      %dma_wait3A_55 = tpu.memref_slice %arg14[%add3A_34, %dma_wait3A_54] : memref<10240x128xf32, #tpu.memory_space<vmem_shared>> -> memref<80x128xf32, #tpu.memory_space<vmem_shared>>
      tpu.wait_dma2 semaphore(%run_scoped3A : memref<!tpu.dma_semaphore, #tpu.memory_space<semaphore_mem>>) src(%arg13 : memref<80x128xf32, #tpu.memory_space<vmem>>) dst(%dma_wait3A_55 : memref<80x128xf32, #tpu.memory_space<vmem_shared>>)
      tpu.yield
    }) : () -> ()
    %mul3A_35 = arith.constant 640 : i32
    %mul3A_36 = arith.muli %arg1, %mul3A_35 : i32
    %add3A_37 = arith.constant 560 : i32
    %add3A_38 = arith.addi %mul3A_36, %add3A_37 : i32
    "tpu.region"() ({
      %run_scoped3A = tpu.sem_alloc : memref<!tpu.dma_semaphore, #tpu.memory_space<semaphore_mem>>
      %dma_start3A = arith.constant 0 : i32
      %dma_start3A_50 = tpu.memref_slice %arg14[%add3A_38, %dma_start3A] : memref<10240x128xf32, #tpu.memory_space<vmem_shared>> -> memref<80x128xf32, #tpu.memory_space<vmem_shared>>
      %dma_start3A_51 = arith.constant 0 : i32
      %dma_start3A_52 = tpu.memref_slice %arg14[%add3A_38, %dma_start3A_51] : memref<10240x128xf32, #tpu.memory_space<vmem_shared>> -> memref<80x128xf32, #tpu.memory_space<vmem_shared>>
      tpu.enqueue_dma source(%arg13 : memref<80x128xf32, #tpu.memory_space<vmem>>) target(%dma_start3A_52 : memref<80x128xf32, #tpu.memory_space<vmem_shared>>) target_semaphore(%run_scoped3A : memref<!tpu.dma_semaphore, #tpu.memory_space<semaphore_mem>>)
      %dma_wait3A = arith.constant 0 : i32
      %dma_wait3A_53 = tpu.memref_slice %arg14[%add3A_38, %dma_wait3A] : memref<10240x128xf32, #tpu.memory_space<vmem_shared>> -> memref<80x128xf32, #tpu.memory_space<vmem_shared>>
      %dma_wait3A_54 = arith.constant 0 : i32
      %dma_wait3A_55 = tpu.memref_slice %arg14[%add3A_38, %dma_wait3A_54] : memref<10240x128xf32, #tpu.memory_space<vmem_shared>> -> memref<80x128xf32, #tpu.memory_space<vmem_shared>>
      tpu.wait_dma2 semaphore(%run_scoped3A : memref<!tpu.dma_semaphore, #tpu.memory_space<semaphore_mem>>) src(%arg13 : memref<80x128xf32, #tpu.memory_space<vmem>>) dst(%dma_wait3A_55 : memref<80x128xf32, #tpu.memory_space<vmem_shared>>)
      tpu.yield
    }) : () -> ()
    %barrier3A = arith.constant 0 : index
    tpu.barrier barrier_id(%barrier3A)
    %scan3A_39 = arith.constant 0 : i32
    %scan3A_40 = arith.constant 0 : i32
    %scan3A_41 = arith.constant 125 : i32
    %scan3A_42 = arith.addi %scan3A_40, %scan3A_41 : i32
    %scan3A_43 = arith.constant 1 : i32
    scf.for %scan3A_50 = %scan3A_40 to %scan3A_42 step %scan3A_43  : i32 {
      %mul3A_51 = arith.constant 10000 : i32
      %mul3A_52 = arith.muli %add3A, %mul3A_51 : i32
      %mul3A_53 = arith.constant 80 : i32
      %mul3A_54 = arith.muli %scan3A_50, %mul3A_53 : i32
      %add3A_55 = arith.addi %mul3A_52, %mul3A_54 : i32
      %multiple_of3A = tpu.assume_multiple %add3A_55, 8 : i32
      "tpu.region"() ({
        %run_scoped3A = tpu.sem_alloc : memref<!tpu.dma_semaphore, #tpu.memory_space<semaphore_mem>>
        %dma_start3A_134 = tpu.memref_slice %arg3[%multiple_of3A] : memref<320000xi32, #tpu.memory_space<hbm>> -> memref<80xi32, #tpu.memory_space<hbm>>
        %dma_start3A_135 = tpu.memref_slice %arg3[%multiple_of3A] : memref<320000xi32, #tpu.memory_space<hbm>> -> memref<80xi32, #tpu.memory_space<hbm>>
        tpu.enqueue_dma source(%dma_start3A_135 : memref<80xi32, #tpu.memory_space<hbm>>) target(%arg8 : memref<80xi32, #tpu.memory_space<vmem>>) target_semaphore(%run_scoped3A : memref<!tpu.dma_semaphore, #tpu.memory_space<semaphore_mem>>)
        %dma_wait3A_136 = tpu.memref_slice %arg3[%multiple_of3A] : memref<320000xi32, #tpu.memory_space<hbm>> -> memref<80xi32, #tpu.memory_space<hbm>>
        %dma_wait3A_137 = tpu.memref_slice %arg3[%multiple_of3A] : memref<320000xi32, #tpu.memory_space<hbm>> -> memref<80xi32, #tpu.memory_space<hbm>>
        tpu.wait_dma2 semaphore(%run_scoped3A : memref<!tpu.dma_semaphore, #tpu.memory_space<semaphore_mem>>) src(%dma_wait3A_137 : memref<80xi32, #tpu.memory_space<hbm>>) dst(%arg8 : memref<80xi32, #tpu.memory_space<vmem>>)
        tpu.yield
      }) : () -> ()
      "tpu.region"() ({
        %run_scoped3A = tpu.sem_alloc : memref<!tpu.dma_semaphore, #tpu.memory_space<semaphore_mem>>
        %dma_start3A_134 = tpu.memref_slice %arg4[%multiple_of3A] : memref<320000xi32, #tpu.memory_space<hbm>> -> memref<80xi32, #tpu.memory_space<hbm>>
        %dma_start3A_135 = tpu.memref_slice %arg4[%multiple_of3A] : memref<320000xi32, #tpu.memory_space<hbm>> -> memref<80xi32, #tpu.memory_space<hbm>>
        tpu.enqueue_dma source(%dma_start3A_135 : memref<80xi32, #tpu.memory_space<hbm>>) target(%arg9 : memref<80xi32, #tpu.memory_space<vmem>>) target_semaphore(%run_scoped3A : memref<!tpu.dma_semaphore, #tpu.memory_space<semaphore_mem>>)
        %dma_wait3A_136 = tpu.memref_slice %arg4[%multiple_of3A] : memref<320000xi32, #tpu.memory_space<hbm>> -> memref<80xi32, #tpu.memory_space<hbm>>
        %dma_wait3A_137 = tpu.memref_slice %arg4[%multiple_of3A] : memref<320000xi32, #tpu.memory_space<hbm>> -> memref<80xi32, #tpu.memory_space<hbm>>
        tpu.wait_dma2 semaphore(%run_scoped3A : memref<!tpu.dma_semaphore, #tpu.memory_space<semaphore_mem>>) src(%dma_wait3A_137 : memref<80xi32, #tpu.memory_space<hbm>>) dst(%arg9 : memref<80xi32, #tpu.memory_space<vmem>>)
        tpu.yield
      }) : () -> ()
      "tpu.region"() ({
        %run_scoped3A = tpu.sem_alloc : memref<!tpu.dma_semaphore, #tpu.memory_space<semaphore_mem>>
        %dma_start3A_134 = tpu.memref_slice %arg5[%multiple_of3A] : memref<320000xi32, #tpu.memory_space<hbm>> -> memref<80xi32, #tpu.memory_space<hbm>>
        %dma_start3A_135 = tpu.memref_slice %arg5[%multiple_of3A] : memref<320000xi32, #tpu.memory_space<hbm>> -> memref<80xi32, #tpu.memory_space<hbm>>
        tpu.enqueue_dma source(%dma_start3A_135 : memref<80xi32, #tpu.memory_space<hbm>>) target(%arg10 : memref<80xi32, #tpu.memory_space<vmem>>) target_semaphore(%run_scoped3A : memref<!tpu.dma_semaphore, #tpu.memory_space<semaphore_mem>>)
        %dma_wait3A_136 = tpu.memref_slice %arg5[%multiple_of3A] : memref<320000xi32, #tpu.memory_space<hbm>> -> memref<80xi32, #tpu.memory_space<hbm>>
        %dma_wait3A_137 = tpu.memref_slice %arg5[%multiple_of3A] : memref<320000xi32, #tpu.memory_space<hbm>> -> memref<80xi32, #tpu.memory_space<hbm>>
        tpu.wait_dma2 semaphore(%run_scoped3A : memref<!tpu.dma_semaphore, #tpu.memory_space<semaphore_mem>>) src(%dma_wait3A_137 : memref<80xi32, #tpu.memory_space<hbm>>) dst(%arg10 : memref<80xi32, #tpu.memory_space<vmem>>)
        tpu.yield
      }) : () -> ()
      "tpu.region"() ({
        %run_scoped3A = tpu.sem_alloc : memref<!tpu.dma_semaphore, #tpu.memory_space<semaphore_mem>>
        %dma_start3A_134 = tpu.memref_slice %arg6[%multiple_of3A] : memref<320000xf32, #tpu.memory_space<hbm>> -> memref<80xf32, #tpu.memory_space<hbm>>
        %dma_start3A_135 = tpu.memref_slice %arg6[%multiple_of3A] : memref<320000xf32, #tpu.memory_space<hbm>> -> memref<80xf32, #tpu.memory_space<hbm>>
        tpu.enqueue_dma source(%dma_start3A_135 : memref<80xf32, #tpu.memory_space<hbm>>) target(%arg11 : memref<80xf32, #tpu.memory_space<vmem>>) target_semaphore(%run_scoped3A : memref<!tpu.dma_semaphore, #tpu.memory_space<semaphore_mem>>)
        %dma_wait3A_136 = tpu.memref_slice %arg6[%multiple_of3A] : memref<320000xf32, #tpu.memory_space<hbm>> -> memref<80xf32, #tpu.memory_space<hbm>>
        %dma_wait3A_137 = tpu.memref_slice %arg6[%multiple_of3A] : memref<320000xf32, #tpu.memory_space<hbm>> -> memref<80xf32, #tpu.memory_space<hbm>>
        tpu.wait_dma2 semaphore(%run_scoped3A : memref<!tpu.dma_semaphore, #tpu.memory_space<semaphore_mem>>) src(%dma_wait3A_137 : memref<80xf32, #tpu.memory_space<hbm>>) dst(%arg11 : memref<80xf32, #tpu.memory_space<vmem>>)
        tpu.yield
      }) : () -> ()
      %get3A = arith.constant 0 : index
      %get3A_56 = tpu.vector_load %arg10[%get3A] {strides = array<i32>} : memref<80xi32, #tpu.memory_space<vmem>>, vector<16xi32>,
      %get3A_57 = vector.shape_cast %get3A_56 : vector<16xi32> to vector<16xi32>
      %mul3A_58 = arith.constant 10000 : i32
      %mul3A_59 = vector.broadcast %mul3A_58 : i32 to vector<16xi32>
      %mul3A_60 = arith.muli %get3A_57, %mul3A_59 : vector<16xi32>
      %get3A_61 = arith.constant 0 : index
      %get3A_62 = tpu.vector_load %arg8[%get3A_61] {strides = array<i32>} : memref<80xi32, #tpu.memory_space<vmem>>, vector<16xi32>,
      %get3A_63 = vector.shape_cast %get3A_62 : vector<16xi32> to vector<16xi32>
      %add3A_64 = arith.addi %mul3A_60, %get3A_63 : vector<16xi32>
      %swap3A = arith.constant 0 : index
      %swap3A_65 = tpu.vector_load %arg12[%swap3A] {strides = array<i32>} : memref<80xi32, #tpu.memory_space<vmem>>, vector<16xi32>,
      %swap3A_66 = vector.shape_cast %swap3A_65 : vector<16xi32> to vector<16xi32>
      %swap3A_67 = vector.shape_cast %add3A_64 : vector<16xi32> to vector<16xi32>
      tpu.vector_store %arg12[%swap3A], %swap3A_67 {strides = array<i32>} : memref<80xi32, #tpu.memory_space<vmem>>, vector<16xi32>,
      %get3A_68 = arith.constant 16 : index
      %get3A_69 = tpu.vector_load %arg10[%get3A_68] {strides = array<i32>} : memref<80xi32, #tpu.memory_space<vmem>>, vector<16xi32>,
      %get3A_70 = vector.shape_cast %get3A_69 : vector<16xi32> to vector<16xi32>
      %mul3A_71 = arith.constant 10000 : i32
      %mul3A_72 = vector.broadcast %mul3A_71 : i32 to vector<16xi32>
      %mul3A_73 = arith.muli %get3A_70, %mul3A_72 : vector<16xi32>
      %get3A_74 = arith.constant 16 : index
      %get3A_75 = tpu.vector_load %arg8[%get3A_74] {strides = array<i32>} : memref<80xi32, #tpu.memory_space<vmem>>, vector<16xi32>,
      %get3A_76 = vector.shape_cast %get3A_75 : vector<16xi32> to vector<16xi32>
      %add3A_77 = arith.addi %mul3A_73, %get3A_76 : vector<16xi32>
      %swap3A_78 = arith.constant 16 : index
      %swap3A_79 = tpu.vector_load %arg12[%swap3A_78] {strides = array<i32>} : memref<80xi32, #tpu.memory_space<vmem>>, vector<16xi32>,
      %swap3A_80 = vector.shape_cast %swap3A_79 : vector<16xi32> to vector<16xi32>
      %swap3A_81 = vector.shape_cast %add3A_77 : vector<16xi32> to vector<16xi32>
      tpu.vector_store %arg12[%swap3A_78], %swap3A_81 {strides = array<i32>} : memref<80xi32, #tpu.memory_space<vmem>>, vector<16xi32>,
      %get3A_82 = arith.constant 32 : index
      %get3A_83 = tpu.vector_load %arg10[%get3A_82] {strides = array<i32>} : memref<80xi32, #tpu.memory_space<vmem>>, vector<16xi32>,
      %get3A_84 = vector.shape_cast %get3A_83 : vector<16xi32> to vector<16xi32>
      %mul3A_85 = arith.constant 10000 : i32
      %mul3A_86 = vector.broadcast %mul3A_85 : i32 to vector<16xi32>
      %mul3A_87 = arith.muli %get3A_84, %mul3A_86 : vector<16xi32>
      %get3A_88 = arith.constant 32 : index
      %get3A_89 = tpu.vector_load %arg8[%get3A_88] {strides = array<i32>} : memref<80xi32, #tpu.memory_space<vmem>>, vector<16xi32>,
      %get3A_90 = vector.shape_cast %get3A_89 : vector<16xi32> to vector<16xi32>
      %add3A_91 = arith.addi %mul3A_87, %get3A_90 : vector<16xi32>
      %swap3A_92 = arith.constant 32 : index
      %swap3A_93 = tpu.vector_load %arg12[%swap3A_92] {strides = array<i32>} : memref<80xi32, #tpu.memory_space<vmem>>, vector<16xi32>,
      %swap3A_94 = vector.shape_cast %swap3A_93 : vector<16xi32> to vector<16xi32>
      %swap3A_95 = vector.shape_cast %add3A_91 : vector<16xi32> to vector<16xi32>
      tpu.vector_store %arg12[%swap3A_92], %swap3A_95 {strides = array<i32>} : memref<80xi32, #tpu.memory_space<vmem>>, vector<16xi32>,
      %get3A_96 = arith.constant 48 : index
      %get3A_97 = tpu.vector_load %arg10[%get3A_96] {strides = array<i32>} : memref<80xi32, #tpu.memory_space<vmem>>, vector<16xi32>,
      %get3A_98 = vector.shape_cast %get3A_97 : vector<16xi32> to vector<16xi32>
      %mul3A_99 = arith.constant 10000 : i32
      %mul3A_100 = vector.broadcast %mul3A_99 : i32 to vector<16xi32>
      %mul3A_101 = arith.muli %get3A_98, %mul3A_100 : vector<16xi32>
      %get3A_102 = arith.constant 48 : index
      %get3A_103 = tpu.vector_load %arg8[%get3A_102] {strides = array<i32>} : memref<80xi32, #tpu.memory_space<vmem>>, vector<16xi32>,
      %get3A_104 = vector.shape_cast %get3A_103 : vector<16xi32> to vector<16xi32>
      %add3A_105 = arith.addi %mul3A_101, %get3A_104 : vector<16xi32>
      %swap3A_106 = arith.constant 48 : index
      %swap3A_107 = tpu.vector_load %arg12[%swap3A_106] {strides = array<i32>} : memref<80xi32, #tpu.memory_space<vmem>>, vector<16xi32>,
      %swap3A_108 = vector.shape_cast %swap3A_107 : vector<16xi32> to vector<16xi32>
      %swap3A_109 = vector.shape_cast %add3A_105 : vector<16xi32> to vector<16xi32>
      tpu.vector_store %arg12[%swap3A_106], %swap3A_109 {strides = array<i32>} : memref<80xi32, #tpu.memory_space<vmem>>, vector<16xi32>,
      %get3A_110 = arith.constant 64 : index
      %get3A_111 = tpu.vector_load %arg10[%get3A_110] {strides = array<i32>} : memref<80xi32, #tpu.memory_space<vmem>>, vector<16xi32>,
      %get3A_112 = vector.shape_cast %get3A_111 : vector<16xi32> to vector<16xi32>
      %mul3A_113 = arith.constant 10000 : i32
      %mul3A_114 = vector.broadcast %mul3A_113 : i32 to vector<16xi32>
      %mul3A_115 = arith.muli %get3A_112, %mul3A_114 : vector<16xi32>
      %get3A_116 = arith.constant 64 : index
      %get3A_117 = tpu.vector_load %arg8[%get3A_116] {strides = array<i32>} : memref<80xi32, #tpu.memory_space<vmem>>, vector<16xi32>,
      %get3A_118 = vector.shape_cast %get3A_117 : vector<16xi32> to vector<16xi32>
      %add3A_119 = arith.addi %mul3A_115, %get3A_118 : vector<16xi32>
      %swap3A_120 = arith.constant 64 : index
      %swap3A_121 = tpu.vector_load %arg12[%swap3A_120] {strides = array<i32>} : memref<80xi32, #tpu.memory_space<vmem>>, vector<16xi32>,
      %swap3A_122 = vector.shape_cast %swap3A_121 : vector<16xi32> to vector<16xi32>
      %swap3A_123 = vector.shape_cast %add3A_119 : vector<16xi32> to vector<16xi32>
      tpu.vector_store %arg12[%swap3A_120], %swap3A_123 {strides = array<i32>} : memref<80xi32, #tpu.memory_space<vmem>>, vector<16xi32>,
      %dma_start3A = arith.constant 0 : i32
      %dma_start3A_124 = arith.constant 0 : i32
      %dma_start3A_125 = tpu.memref_slice %arg2[%dma_start3A, %dma_start3A_124] : memref<170000x128xf32, #tpu.memory_space<hbm>> -> memref<170000x128xf32, #tpu.memory_space<hbm>>
      tpu.enqueue_indirect_dma source(%dma_start3A_125 : memref<170000x128xf32, #tpu.memory_space<hbm>>) target(%arg13 : memref<80x128xf32, #tpu.memory_space<vmem>>) offsets(%arg12 : memref<80xi32, #tpu.memory_space<vmem>>) semaphore(%arg15 : memref<!tpu.dma_semaphore, #tpu.memory_space<semaphore_mem>>)
      %dma_wait3A = arith.constant 0 : i32
      %dma_wait3A_126 = arith.constant 0 : i32
      %dma_wait3A_127 = tpu.memref_slice %arg2[%dma_wait3A, %dma_wait3A_126] : memref<170000x128xf32, #tpu.memory_space<hbm>> -> memref<170000x128xf32, #tpu.memory_space<hbm>>
      tpu.wait_indirect_dma semaphore(%arg15 : memref<!tpu.dma_semaphore, #tpu.memory_space<semaphore_mem>>) src(%dma_wait3A_127 : memref<170000x128xf32, #tpu.memory_space<hbm>>) dst(%arg13 : memref<80x128xf32, #tpu.memory_space<vmem>>)
      %scan3A_128 = arith.constant 0 : i32
      %scan3A_129 = arith.constant 0 : i32
      %scan3A_130 = arith.constant 5 : i32
      %scan3A_131 = arith.addi %scan3A_129, %scan3A_130 : i32
      %scan3A_132 = arith.constant 1 : i32
      scf.for %scan3A_134 = %scan3A_129 to %scan3A_131 step %scan3A_132  : i32 {
        %mul3A_135 = arith.constant 16 : i32
        %mul3A_136 = arith.muli %scan3A_134, %mul3A_135 : i32
        %get3A_137 = arith.index_cast %mul3A_136 : i32 to index
        %get3A_138 = tpu.vector_load %arg11[%get3A_137] {strides = array<i32>} : memref<80xf32, #tpu.memory_space<vmem>>, vector<16xf32>,
        %get3A_139 = vector.shape_cast %get3A_138 : vector<16xf32> to vector<16xf32>
        %slice3A = vector.extract_strided_slice %get3A_139 {offsets = [0], sizes = [1], strides = [1]} : vector<16xf32> to vector<1xf32>
        %squeeze3A = vector.extract %slice3A[0] : f32 from vector<1xf32>
        %broadcast_in_dim3A_140 = vector.broadcast %squeeze3A : f32 to vector<16xf32>
        %mul3A_141 = arith.constant 16 : i32
        %mul3A_142 = arith.muli %scan3A_134, %mul3A_141 : i32
        %add3A_143 = arith.constant 0 : i32
        %add3A_144 = arith.addi %mul3A_142, %add3A_143 : i32
        %get3A_145 = arith.index_cast %add3A_144 : i32 to index
        %get3A_146 = arith.constant 0 : index
        %get3A_147 = tpu.vector_load %arg13[%get3A_145, %get3A_146] {strides = array<i32>} : memref<80x128xf32, #tpu.memory_space<vmem>>, vector<1x16xf32>,
        %get3A_148 = vector.shape_cast %get3A_147 : vector<1x16xf32> to vector<16xf32>
        %mul3A_149 = arith.mulf %get3A_148, %broadcast_in_dim3A_140 : vector<16xf32>
        %swap3A_150 = arith.index_cast %add3A_144 : i32 to index
        %swap3A_151 = arith.constant 0 : index
        %swap3A_152 = tpu.vector_load %arg13[%swap3A_150, %swap3A_151] {strides = array<i32>} : memref<80x128xf32, #tpu.memory_space<vmem>>, vector<1x16xf32>,
        %swap3A_153 = vector.shape_cast %swap3A_152 : vector<1x16xf32> to vector<16xf32>
        %swap3A_154 = vector.shape_cast %mul3A_149 : vector<16xf32> to vector<1x16xf32>
        tpu.vector_store %arg13[%swap3A_150, %swap3A_151], %swap3A_154 {strides = array<i32>} : memref<80x128xf32, #tpu.memory_space<vmem>>, vector<1x16xf32>,
        %get3A_155 = arith.index_cast %add3A_144 : i32 to index
        %get3A_156 = arith.constant 16 : index
        %get3A_157 = tpu.vector_load %arg13[%get3A_155, %get3A_156] {strides = array<i32>} : memref<80x128xf32, #tpu.memory_space<vmem>>, vector<1x16xf32>,
        %get3A_158 = vector.shape_cast %get3A_157 : vector<1x16xf32> to vector<16xf32>
        %mul3A_159 = arith.mulf %get3A_158, %broadcast_in_dim3A_140 : vector<16xf32>
        %swap3A_160 = arith.index_cast %add3A_144 : i32 to index
        %swap3A_161 = arith.constant 16 : index
        %swap3A_162 = tpu.vector_load %arg13[%swap3A_160, %swap3A_161] {strides = array<i32>} : memref<80x128xf32, #tpu.memory_space<vmem>>, vector<1x16xf32>,
        %swap3A_163 = vector.shape_cast %swap3A_162 : vector<1x16xf32> to vector<16xf32>
        %swap3A_164 = vector.shape_cast %mul3A_159 : vector<16xf32> to vector<1x16xf32>
        tpu.vector_store %arg13[%swap3A_160, %swap3A_161], %swap3A_164 {strides = array<i32>} : memref<80x128xf32, #tpu.memory_space<vmem>>, vector<1x16xf32>,
        %get3A_165 = arith.index_cast %add3A_144 : i32 to index
        %get3A_166 = arith.constant 32 : index
        %get3A_167 = tpu.vector_load %arg13[%get3A_165, %get3A_166] {strides = array<i32>} : memref<80x128xf32, #tpu.memory_space<vmem>>, vector<1x16xf32>,
        %get3A_168 = vector.shape_cast %get3A_167 : vector<1x16xf32> to vector<16xf32>
        %mul3A_169 = arith.mulf %get3A_168, %broadcast_in_dim3A_140 : vector<16xf32>
        %swap3A_170 = arith.index_cast %add3A_144 : i32 to index
        %swap3A_171 = arith.constant 32 : index
        %swap3A_172 = tpu.vector_load %arg13[%swap3A_170, %swap3A_171] {strides = array<i32>} : memref<80x128xf32, #tpu.memory_space<vmem>>, vector<1x16xf32>,
        %swap3A_173 = vector.shape_cast %swap3A_172 : vector<1x16xf32> to vector<16xf32>
        %swap3A_174 = vector.shape_cast %mul3A_169 : vector<16xf32> to vector<1x16xf32>
        tpu.vector_store %arg13[%swap3A_170, %swap3A_171], %swap3A_174 {strides = array<i32>} : memref<80x128xf32, #tpu.memory_space<vmem>>, vector<1x16xf32>,
        %get3A_175 = arith.index_cast %add3A_144 : i32 to index
        %get3A_176 = arith.constant 48 : index
        %get3A_177 = tpu.vector_load %arg13[%get3A_175, %get3A_176] {strides = array<i32>} : memref<80x128xf32, #tpu.memory_space<vmem>>, vector<1x16xf32>,
        %get3A_178 = vector.shape_cast %get3A_177 : vector<1x16xf32> to vector<16xf32>
        %mul3A_179 = arith.mulf %get3A_178, %broadcast_in_dim3A_140 : vector<16xf32>
        %swap3A_180 = arith.index_cast %add3A_144 : i32 to index
        %swap3A_181 = arith.constant 48 : index
        %swap3A_182 = tpu.vector_load %arg13[%swap3A_180, %swap3A_181] {strides = array<i32>} : memref<80x128xf32, #tpu.memory_space<vmem>>, vector<1x16xf32>,
        %swap3A_183 = vector.shape_cast %swap3A_182 : vector<1x16xf32> to vector<16xf32>
        %swap3A_184 = vector.shape_cast %mul3A_179 : vector<16xf32> to vector<1x16xf32>
        tpu.vector_store %arg13[%swap3A_180, %swap3A_181], %swap3A_184 {strides = array<i32>} : memref<80x128xf32, #tpu.memory_space<vmem>>, vector<1x16xf32>,
        %get3A_185 = arith.index_cast %add3A_144 : i32 to index
        %get3A_186 = arith.constant 64 : index
        %get3A_187 = tpu.vector_load %arg13[%get3A_185, %get3A_186] {strides = array<i32>} : memref<80x128xf32, #tpu.memory_space<vmem>>, vector<1x16xf32>,
        %get3A_188 = vector.shape_cast %get3A_187 : vector<1x16xf32> to vector<16xf32>
        %mul3A_189 = arith.mulf %get3A_188, %broadcast_in_dim3A_140 : vector<16xf32>
        %swap3A_190 = arith.index_cast %add3A_144 : i32 to index
        %swap3A_191 = arith.constant 64 : index
        %swap3A_192 = tpu.vector_load %arg13[%swap3A_190, %swap3A_191] {strides = array<i32>} : memref<80x128xf32, #tpu.memory_space<vmem>>, vector<1x16xf32>,
        %swap3A_193 = vector.shape_cast %swap3A_192 : vector<1x16xf32> to vector<16xf32>
        %swap3A_194 = vector.shape_cast %mul3A_189 : vector<16xf32> to vector<1x16xf32>
        tpu.vector_store %arg13[%swap3A_190, %swap3A_191], %swap3A_194 {strides = array<i32>} : memref<80x128xf32, #tpu.memory_space<vmem>>, vector<1x16xf32>,
        %get3A_195 = arith.index_cast %add3A_144 : i32 to index
        %get3A_196 = arith.constant 80 : index
        %get3A_197 = tpu.vector_load %arg13[%get3A_195, %get3A_196] {strides = array<i32>} : memref<80x128xf32, #tpu.memory_space<vmem>>, vector<1x16xf32>,
        %get3A_198 = vector.shape_cast %get3A_197 : vector<1x16xf32> to vector<16xf32>
        %mul3A_199 = arith.mulf %get3A_198, %broadcast_in_dim3A_140 : vector<16xf32>
        %swap3A_200 = arith.index_cast %add3A_144 : i32 to index
        %swap3A_201 = arith.constant 80 : index
        %swap3A_202 = tpu.vector_load %arg13[%swap3A_200, %swap3A_201] {strides = array<i32>} : memref<80x128xf32, #tpu.memory_space<vmem>>, vector<1x16xf32>,
        %swap3A_203 = vector.shape_cast %swap3A_202 : vector<1x16xf32> to vector<16xf32>
        %swap3A_204 = vector.shape_cast %mul3A_199 : vector<16xf32> to vector<1x16xf32>
        tpu.vector_store %arg13[%swap3A_200, %swap3A_201], %swap3A_204 {strides = array<i32>} : memref<80x128xf32, #tpu.memory_space<vmem>>, vector<1x16xf32>,
        %get3A_205 = arith.index_cast %add3A_144 : i32 to index
        %get3A_206 = arith.constant 96 : index
        %get3A_207 = tpu.vector_load %arg13[%get3A_205, %get3A_206] {strides = array<i32>} : memref<80x128xf32, #tpu.memory_space<vmem>>, vector<1x16xf32>,
        %get3A_208 = vector.shape_cast %get3A_207 : vector<1x16xf32> to vector<16xf32>
        %mul3A_209 = arith.mulf %get3A_208, %broadcast_in_dim3A_140 : vector<16xf32>
        %swap3A_210 = arith.index_cast %add3A_144 : i32 to index
        %swap3A_211 = arith.constant 96 : index
        %swap3A_212 = tpu.vector_load %arg13[%swap3A_210, %swap3A_211] {strides = array<i32>} : memref<80x128xf32, #tpu.memory_space<vmem>>, vector<1x16xf32>,
        %swap3A_213 = vector.shape_cast %swap3A_212 : vector<1x16xf32> to vector<16xf32>
        %swap3A_214 = vector.shape_cast %mul3A_209 : vector<16xf32> to vector<1x16xf32>
        tpu.vector_store %arg13[%swap3A_210, %swap3A_211], %swap3A_214 {strides = array<i32>} : memref<80x128xf32, #tpu.memory_space<vmem>>, vector<1x16xf32>,
        %get3A_215 = arith.index_cast %add3A_144 : i32 to index
        %get3A_216 = arith.constant 112 : index
        %get3A_217 = tpu.vector_load %arg13[%get3A_215, %get3A_216] {strides = array<i32>} : memref<80x128xf32, #tpu.memory_space<vmem>>, vector<1x16xf32>,
        %get3A_218 = vector.shape_cast %get3A_217 : vector<1x16xf32> to vector<16xf32>
        %mul3A_219 = arith.mulf %get3A_218, %broadcast_in_dim3A_140 : vector<16xf32>
        %swap3A_220 = arith.index_cast %add3A_144 : i32 to index
        %swap3A_221 = arith.constant 112 : index
        %swap3A_222 = tpu.vector_load %arg13[%swap3A_220, %swap3A_221] {strides = array<i32>} : memref<80x128xf32, #tpu.memory_space<vmem>>, vector<1x16xf32>,
        %swap3A_223 = vector.shape_cast %swap3A_222 : vector<1x16xf32> to vector<16xf32>
        %swap3A_224 = vector.shape_cast %mul3A_219 : vector<16xf32> to vector<1x16xf32>
        tpu.vector_store %arg13[%swap3A_220, %swap3A_221], %swap3A_224 {strides = array<i32>} : memref<80x128xf32, #tpu.memory_space<vmem>>, vector<1x16xf32>,
        %slice3A_225 = vector.extract_strided_slice %get3A_139 {offsets = [1], sizes = [1], strides = [1]} : vector<16xf32> to vector<1xf32>
        %squeeze3A_226 = vector.extract %slice3A_225[0] : f32 from vector<1xf32>
        %broadcast_in_dim3A_227 = vector.broadcast %squeeze3A_226 : f32 to vector<16xf32>
        %mul3A_228 = arith.constant 16 : i32
        %mul3A_229 = arith.muli %scan3A_134, %mul3A_228 : i32
        %add3A_230 = arith.constant 1 : i32
        %add3A_231 = arith.addi %mul3A_229, %add3A_230 : i32
        %get3A_232 = arith.index_cast %add3A_231 : i32 to index
        %get3A_233 = arith.constant 0 : index
        %get3A_234 = tpu.vector_load %arg13[%get3A_232, %get3A_233] {strides = array<i32>} : memref<80x128xf32, #tpu.memory_space<vmem>>, vector<1x16xf32>,
        %get3A_235 = vector.shape_cast %get3A_234 : vector<1x16xf32> to vector<16xf32>
        %mul3A_236 = arith.mulf %get3A_235, %broadcast_in_dim3A_227 : vector<16xf32>
        %swap3A_237 = arith.index_cast %add3A_231 : i32 to index
        %swap3A_238 = arith.constant 0 : index
        %swap3A_239 = tpu.vector_load %arg13[%swap3A_237, %swap3A_238] {strides = array<i32>} : memref<80x128xf32, #tpu.memory_space<vmem>>, vector<1x16xf32>,
        %swap3A_240 = vector.shape_cast %swap3A_239 : vector<1x16xf32> to vector<16xf32>
        %swap3A_241 = vector.shape_cast %mul3A_236 : vector<16xf32> to vector<1x16xf32>
        tpu.vector_store %arg13[%swap3A_237, %swap3A_238], %swap3A_241 {strides = array<i32>} : memref<80x128xf32, #tpu.memory_space<vmem>>, vector<1x16xf32>,
        %get3A_242 = arith.index_cast %add3A_231 : i32 to index
        %get3A_243 = arith.constant 16 : index
        %get3A_244 = tpu.vector_load %arg13[%get3A_242, %get3A_243] {strides = array<i32>} : memref<80x128xf32, #tpu.memory_space<vmem>>, vector<1x16xf32>,
        %get3A_245 = vector.shape_cast %get3A_244 : vector<1x16xf32> to vector<16xf32>
        %mul3A_246 = arith.mulf %get3A_245, %broadcast_in_dim3A_227 : vector<16xf32>
        %swap3A_247 = arith.index_cast %add3A_231 : i32 to index
        %swap3A_248 = arith.constant 16 : index
        %swap3A_249 = tpu.vector_load %arg13[%swap3A_247, %swap3A_248] {strides = array<i32>} : memref<80x128xf32, #tpu.memory_space<vmem>>, vector<1x16xf32>,
        %swap3A_250 = vector.shape_cast %swap3A_249 : vector<1x16xf32> to vector<16xf32>
        %swap3A_251 = vector.shape_cast %mul3A_246 : vector<16xf32> to vector<1x16xf32>
        tpu.vector_store %arg13[%swap3A_247, %swap3A_248], %swap3A_251 {strides = array<i32>} : memref<80x128xf32, #tpu.memory_space<vmem>>, vector<1x16xf32>,
        %get3A_252 = arith.index_cast %add3A_231 : i32 to index
        %get3A_253 = arith.constant 32 : index
        %get3A_254 = tpu.vector_load %arg13[%get3A_252, %get3A_253] {strides = array<i32>} : memref<80x128xf32, #tpu.memory_space<vmem>>, vector<1x16xf32>,
        %get3A_255 = vector.shape_cast %get3A_254 : vector<1x16xf32> to vector<16xf32>
        %mul3A_256 = arith.mulf %get3A_255, %broadcast_in_dim3A_227 : vector<16xf32>
        %swap3A_257 = arith.index_cast %add3A_231 : i32 to index
        %swap3A_258 = arith.constant 32 : index
        %swap3A_259 = tpu.vector_load %arg13[%swap3A_257, %swap3A_258] {strides = array<i32>} : memref<80x128xf32, #tpu.memory_space<vmem>>, vector<1x16xf32>,
        %swap3A_260 = vector.shape_cast %swap3A_259 : vector<1x16xf32> to vector<16xf32>
        %swap3A_261 = vector.shape_cast %mul3A_256 : vector<16xf32> to vector<1x16xf32>
        tpu.vector_store %arg13[%swap3A_257, %swap3A_258], %swap3A_261 {strides = array<i32>} : memref<80x128xf32, #tpu.memory_space<vmem>>, vector<1x16xf32>,
        %get3A_262 = arith.index_cast %add3A_231 : i32 to index
        %get3A_263 = arith.constant 48 : index
        %get3A_264 = tpu.vector_load %arg13[%get3A_262, %get3A_263] {strides = array<i32>} : memref<80x128xf32, #tpu.memory_space<vmem>>, vector<1x16xf32>,
        %get3A_265 = vector.shape_cast %get3A_264 : vector<1x16xf32> to vector<16xf32>
        %mul3A_266 = arith.mulf %get3A_265, %broadcast_in_dim3A_227 : vector<16xf32>
        %swap3A_267 = arith.index_cast %add3A_231 : i32 to index
        %swap3A_268 = arith.constant 48 : index
        %swap3A_269 = tpu.vector_load %arg13[%swap3A_267, %swap3A_268] {strides = array<i32>} : memref<80x128xf32, #tpu.memory_space<vmem>>, vector<1x16xf32>,
        %swap3A_270 = vector.shape_cast %swap3A_269 : vector<1x16xf32> to vector<16xf32>
        %swap3A_271 = vector.shape_cast %mul3A_266 : vector<16xf32> to vector<1x16xf32>
        tpu.vector_store %arg13[%swap3A_267, %swap3A_268], %swap3A_271 {strides = array<i32>} : memref<80x128xf32, #tpu.memory_space<vmem>>, vector<1x16xf32>,
        %get3A_272 = arith.index_cast %add3A_231 : i32 to index
        %get3A_273 = arith.constant 64 : index
        %get3A_274 = tpu.vector_load %arg13[%get3A_272, %get3A_273] {strides = array<i32>} : memref<80x128xf32, #tpu.memory_space<vmem>>, vector<1x16xf32>,
        %get3A_275 = vector.shape_cast %get3A_274 : vector<1x16xf32> to vector<16xf32>
        %mul3A_276 = arith.mulf %get3A_275, %broadcast_in_dim3A_227 : vector<16xf32>
        %swap3A_277 = arith.index_cast %add3A_231 : i32 to index
        %swap3A_278 = arith.constant 64 : index
        %swap3A_279 = tpu.vector_load %arg13[%swap3A_277, %swap3A_278] {strides = array<i32>} : memref<80x128xf32, #tpu.memory_space<vmem>>, vector<1x16xf32>,
        %swap3A_280 = vector.shape_cast %swap3A_279 : vector<1x16xf32> to vector<16xf32>
        %swap3A_281 = vector.shape_cast %mul3A_276 : vector<16xf32> to vector<1x16xf32>
        tpu.vector_store %arg13[%swap3A_277, %swap3A_278], %swap3A_281 {strides = array<i32>} : memref<80x128xf32, #tpu.memory_space<vmem>>, vector<1x16xf32>,
        %get3A_282 = arith.index_cast %add3A_231 : i32 to index
        %get3A_283 = arith.constant 80 : index
        %get3A_284 = tpu.vector_load %arg13[%get3A_282, %get3A_283] {strides = array<i32>} : memref<80x128xf32, #tpu.memory_space<vmem>>, vector<1x16xf32>,
        %get3A_285 = vector.shape_cast %get3A_284 : vector<1x16xf32> to vector<16xf32>
        %mul3A_286 = arith.mulf %get3A_285, %broadcast_in_dim3A_227 : vector<16xf32>
        %swap3A_287 = arith.index_cast %add3A_231 : i32 to index
        %swap3A_288 = arith.constant 80 : index
        %swap3A_289 = tpu.vector_load %arg13[%swap3A_287, %swap3A_288] {strides = array<i32>} : memref<80x128xf32, #tpu.memory_space<vmem>>, vector<1x16xf32>,
        %swap3A_290 = vector.shape_cast %swap3A_289 : vector<1x16xf32> to vector<16xf32>
        %swap3A_291 = vector.shape_cast %mul3A_286 : vector<16xf32> to vector<1x16xf32>
        tpu.vector_store %arg13[%swap3A_287, %swap3A_288], %swap3A_291 {strides = array<i32>} : memref<80x128xf32, #tpu.memory_space<vmem>>, vector<1x16xf32>,
        %get3A_292 = arith.index_cast %add3A_231 : i32 to index
        %get3A_293 = arith.constant 96 : index
        %get3A_294 = tpu.vector_load %arg13[%get3A_292, %get3A_293] {strides = array<i32>} : memref<80x128xf32, #tpu.memory_space<vmem>>, vector<1x16xf32>,
        %get3A_295 = vector.shape_cast %get3A_294 : vector<1x16xf32> to vector<16xf32>
        %mul3A_296 = arith.mulf %get3A_295, %broadcast_in_dim3A_227 : vector<16xf32>
        %swap3A_297 = arith.index_cast %add3A_231 : i32 to index
        %swap3A_298 = arith.constant 96 : index
        %swap3A_299 = tpu.vector_load %arg13[%swap3A_297, %swap3A_298] {strides = array<i32>} : memref<80x128xf32, #tpu.memory_space<vmem>>, vector<1x16xf32>,
        %swap3A_300 = vector.shape_cast %swap3A_299 : vector<1x16xf32> to vector<16xf32>
        %swap3A_301 = vector.shape_cast %mul3A_296 : vector<16xf32> to vector<1x16xf32>
        tpu.vector_store %arg13[%swap3A_297, %swap3A_298], %swap3A_301 {strides = array<i32>} : memref<80x128xf32, #tpu.memory_space<vmem>>, vector<1x16xf32>,
        %get3A_302 = arith.index_cast %add3A_231 : i32 to index
        %get3A_303 = arith.constant 112 : index
        %get3A_304 = tpu.vector_load %arg13[%get3A_302, %get3A_303] {strides = array<i32>} : memref<80x128xf32, #tpu.memory_space<vmem>>, vector<1x16xf32>,
        %get3A_305 = vector.shape_cast %get3A_304 : vector<1x16xf32> to vector<16xf32>
        %mul3A_306 = arith.mulf %get3A_305, %broadcast_in_dim3A_227 : vector<16xf32>
        %swap3A_307 = arith.index_cast %add3A_231 : i32 to index
        %swap3A_308 = arith.constant 112 : index
        %swap3A_309 = tpu.vector_load %arg13[%swap3A_307, %swap3A_308] {strides = array<i32>} : memref<80x128xf32, #tpu.memory_space<vmem>>, vector<1x16xf32>,
        %swap3A_310 = vector.shape_cast %swap3A_309 : vector<1x16xf32> to vector<16xf32>
        %swap3A_311 = vector.shape_cast %mul3A_306 : vector<16xf32> to vector<1x16xf32>
        tpu.vector_store %arg13[%swap3A_307, %swap3A_308], %swap3A_311 {strides = array<i32>} : memref<80x128xf32, #tpu.memory_space<vmem>>, vector<1x16xf32>,
        %slice3A_312 = vector.extract_strided_slice %get3A_139 {offsets = [2], sizes = [1], strides = [1]} : vector<16xf32> to vector<1xf32>
        %squeeze3A_313 = vector.extract %slice3A_312[0] : f32 from vector<1xf32>
        %broadcast_in_dim3A_314 = vector.broadcast %squeeze3A_313 : f32 to vector<16xf32>
        %mul3A_315 = arith.constant 16 : i32
        %mul3A_316 = arith.muli %scan3A_134, %mul3A_315 : i32
        %add3A_317 = arith.constant 2 : i32
        %add3A_318 = arith.addi %mul3A_316, %add3A_317 : i32
        %get3A_319 = arith.index_cast %add3A_318 : i32 to index
        %get3A_320 = arith.constant 0 : index
        %get3A_321 = tpu.vector_load %arg13[%get3A_319, %get3A_320] {strides = array<i32>} : memref<80x128xf32, #tpu.memory_space<vmem>>, vector<1x16xf32>,
        %get3A_322 = vector.shape_cast %get3A_321 : vector<1x16xf32> to vector<16xf32>
        %mul3A_323 = arith.mulf %get3A_322, %broadcast_in_dim3A_314 : vector<16xf32>
        %swap3A_324 = arith.index_cast %add3A_318 : i32 to index
        %swap3A_325 = arith.constant 0 : index
        %swap3A_326 = tpu.vector_load %arg13[%swap3A_324, %swap3A_325] {strides = array<i32>} : memref<80x128xf32, #tpu.memory_space<vmem>>, vector<1x16xf32>,
        %swap3A_327 = vector.shape_cast %swap3A_326 : vector<1x16xf32> to vector<16xf32>
        %swap3A_328 = vector.shape_cast %mul3A_323 : vector<16xf32> to vector<1x16xf32>
        tpu.vector_store %arg13[%swap3A_324, %swap3A_325], %swap3A_328 {strides = array<i32>} : memref<80x128xf32, #tpu.memory_space<vmem>>, vector<1x16xf32>,
        %get3A_329 = arith.index_cast %add3A_318 : i32 to index
        %get3A_330 = arith.constant 16 : index
        %get3A_331 = tpu.vector_load %arg13[%get3A_329, %get3A_330] {strides = array<i32>} : memref<80x128xf32, #tpu.memory_space<vmem>>, vector<1x16xf32>,
        %get3A_332 = vector.shape_cast %get3A_331 : vector<1x16xf32> to vector<16xf32>
        %mul3A_333 = arith.mulf %get3A_332, %broadcast_in_dim3A_314 : vector<16xf32>
        %swap3A_334 = arith.index_cast %add3A_318 : i32 to index
        %swap3A_335 = arith.constant 16 : index
        %swap3A_336 = tpu.vector_load %arg13[%swap3A_334, %swap3A_335] {strides = array<i32>} : memref<80x128xf32, #tpu.memory_space<vmem>>, vector<1x16xf32>,
        %swap3A_337 = vector.shape_cast %swap3A_336 : vector<1x16xf32> to vector<16xf32>
        %swap3A_338 = vector.shape_cast %mul3A_333 : vector<16xf32> to vector<1x16xf32>
        tpu.vector_store %arg13[%swap3A_334, %swap3A_335], %swap3A_338 {strides = array<i32>} : memref<80x128xf32, #tpu.memory_space<vmem>>, vector<1x16xf32>,
        %get3A_339 = arith.index_cast %add3A_318 : i32 to index
        %get3A_340 = arith.constant 32 : index
        %get3A_341 = tpu.vector_load %arg13[%get3A_339, %get3A_340] {strides = array<i32>} : memref<80x128xf32, #tpu.memory_space<vmem>>, vector<1x16xf32>,
        %get3A_342 = vector.shape_cast %get3A_341 : vector<1x16xf32> to vector<16xf32>
        %mul3A_343 = arith.mulf %get3A_342, %broadcast_in_dim3A_314 : vector<16xf32>
        %swap3A_344 = arith.index_cast %add3A_318 : i32 to index
        %swap3A_345 = arith.constant 32 : index
        %swap3A_346 = tpu.vector_load %arg13[%swap3A_344, %swap3A_345] {strides = array<i32>} : memref<80x128xf32, #tpu.memory_space<vmem>>, vector<1x16xf32>,
        %swap3A_347 = vector.shape_cast %swap3A_346 : vector<1x16xf32> to vector<16xf32>
        %swap3A_348 = vector.shape_cast %mul3A_343 : vector<16xf32> to vector<1x16xf32>
        tpu.vector_store %arg13[%swap3A_344, %swap3A_345], %swap3A_348 {strides = array<i32>} : memref<80x128xf32, #tpu.memory_space<vmem>>, vector<1x16xf32>,
        %get3A_349 = arith.index_cast %add3A_318 : i32 to index
        %get3A_350 = arith.constant 48 : index
        %get3A_351 = tpu.vector_load %arg13[%get3A_349, %get3A_350] {strides = array<i32>} : memref<80x128xf32, #tpu.memory_space<vmem>>, vector<1x16xf32>,
        %get3A_352 = vector.shape_cast %get3A_351 : vector<1x16xf32> to vector<16xf32>
        %mul3A_353 = arith.mulf %get3A_352, %broadcast_in_dim3A_314 : vector<16xf32>
        %swap3A_354 = arith.index_cast %add3A_318 : i32 to index
        %swap3A_355 = arith.constant 48 : index
        %swap3A_356 = tpu.vector_load %arg13[%swap3A_354, %swap3A_355] {strides = array<i32>} : memref<80x128xf32, #tpu.memory_space<vmem>>, vector<1x16xf32>,
        %swap3A_357 = vector.shape_cast %swap3A_356 : vector<1x16xf32> to vector<16xf32>
        %swap3A_358 = vector.shape_cast %mul3A_353 : vector<16xf32> to vector<1x16xf32>
        tpu.vector_store %arg13[%swap3A_354, %swap3A_355], %swap3A_358 {strides = array<i32>} : memref<80x128xf32, #tpu.memory_space<vmem>>, vector<1x16xf32>,
        %get3A_359 = arith.index_cast %add3A_318 : i32 to index
        %get3A_360 = arith.constant 64 : index
        %get3A_361 = tpu.vector_load %arg13[%get3A_359, %get3A_360] {strides = array<i32>} : memref<80x128xf32, #tpu.memory_space<vmem>>, vector<1x16xf32>,
        %get3A_362 = vector.shape_cast %get3A_361 : vector<1x16xf32> to vector<16xf32>
        %mul3A_363 = arith.mulf %get3A_362, %broadcast_in_dim3A_314 : vector<16xf32>
        %swap3A_364 = arith.index_cast %add3A_318 : i32 to index
        %swap3A_365 = arith.constant 64 : index
        %swap3A_366 = tpu.vector_load %arg13[%swap3A_364, %swap3A_365] {strides = array<i32>} : memref<80x128xf32, #tpu.memory_space<vmem>>, vector<1x16xf32>,
        %swap3A_367 = vector.shape_cast %swap3A_366 : vector<1x16xf32> to vector<16xf32>
        %swap3A_368 = vector.shape_cast %mul3A_363 : vector<16xf32> to vector<1x16xf32>
        tpu.vector_store %arg13[%swap3A_364, %swap3A_365], %swap3A_368 {strides = array<i32>} : memref<80x128xf32, #tpu.memory_space<vmem>>, vector<1x16xf32>,
        %get3A_369 = arith.index_cast %add3A_318 : i32 to index
        %get3A_370 = arith.constant 80 : index
        %get3A_371 = tpu.vector_load %arg13[%get3A_369, %get3A_370] {strides = array<i32>} : memref<80x128xf32, #tpu.memory_space<vmem>>, vector<1x16xf32>,
        %get3A_372 = vector.shape_cast %get3A_371 : vector<1x16xf32> to vector<16xf32>
        %mul3A_373 = arith.mulf %get3A_372, %broadcast_in_dim3A_314 : vector<16xf32>
        %swap3A_374 = arith.index_cast %add3A_318 : i32 to index
        %swap3A_375 = arith.constant 80 : index
        %swap3A_376 = tpu.vector_load %arg13[%swap3A_374, %swap3A_375] {strides = array<i32>} : memref<80x128xf32, #tpu.memory_space<vmem>>, vector<1x16xf32>,
        %swap3A_377 = vector.shape_cast %swap3A_376 : vector<1x16xf32> to vector<16xf32>
        %swap3A_378 = vector.shape_cast %mul3A_373 : vector<16xf32> to vector<1x16xf32>
        tpu.vector_store %arg13[%swap3A_374, %swap3A_375], %swap3A_378 {strides = array<i32>} : memref<80x128xf32, #tpu.memory_space<vmem>>, vector<1x16xf32>,
        %get3A_379 = arith.index_cast %add3A_318 : i32 to index
        %get3A_380 = arith.constant 96 : index
        %get3A_381 = tpu.vector_load %arg13[%get3A_379, %get3A_380] {strides = array<i32>} : memref<80x128xf32, #tpu.memory_space<vmem>>, vector<1x16xf32>,
        %get3A_382 = vector.shape_cast %get3A_381 : vector<1x16xf32> to vector<16xf32>
        %mul3A_383 = arith.mulf %get3A_382, %broadcast_in_dim3A_314 : vector<16xf32>
        %swap3A_384 = arith.index_cast %add3A_318 : i32 to index
        %swap3A_385 = arith.constant 96 : index
        %swap3A_386 = tpu.vector_load %arg13[%swap3A_384, %swap3A_385] {strides = array<i32>} : memref<80x128xf32, #tpu.memory_space<vmem>>, vector<1x16xf32>,
        %swap3A_387 = vector.shape_cast %swap3A_386 : vector<1x16xf32> to vector<16xf32>
        %swap3A_388 = vector.shape_cast %mul3A_383 : vector<16xf32> to vector<1x16xf32>
        tpu.vector_store %arg13[%swap3A_384, %swap3A_385], %swap3A_388 {strides = array<i32>} : memref<80x128xf32, #tpu.memory_space<vmem>>, vector<1x16xf32>,
        %get3A_389 = arith.index_cast %add3A_318 : i32 to index
        %get3A_390 = arith.constant 112 : index
        %get3A_391 = tpu.vector_load %arg13[%get3A_389, %get3A_390] {strides = array<i32>} : memref<80x128xf32, #tpu.memory_space<vmem>>, vector<1x16xf32>,
        %get3A_392 = vector.shape_cast %get3A_391 : vector<1x16xf32> to vector<16xf32>
        %mul3A_393 = arith.mulf %get3A_392, %broadcast_in_dim3A_314 : vector<16xf32>
        %swap3A_394 = arith.index_cast %add3A_318 : i32 to index
        %swap3A_395 = arith.constant 112 : index
        %swap3A_396 = tpu.vector_load %arg13[%swap3A_394, %swap3A_395] {strides = array<i32>} : memref<80x128xf32, #tpu.memory_space<vmem>>, vector<1x16xf32>,
        %swap3A_397 = vector.shape_cast %swap3A_396 : vector<1x16xf32> to vector<16xf32>
        %swap3A_398 = vector.shape_cast %mul3A_393 : vector<16xf32> to vector<1x16xf32>
        tpu.vector_store %arg13[%swap3A_394, %swap3A_395], %swap3A_398 {strides = array<i32>} : memref<80x128xf32, #tpu.memory_space<vmem>>, vector<1x16xf32>,
        %slice3A_399 = vector.extract_strided_slice %get3A_139 {offsets = [3], sizes = [1], strides = [1]} : vector<16xf32> to vector<1xf32>
        %squeeze3A_400 = vector.extract %slice3A_399[0] : f32 from vector<1xf32>
        %broadcast_in_dim3A_401 = vector.broadcast %squeeze3A_400 : f32 to vector<16xf32>
        %mul3A_402 = arith.constant 16 : i32
        %mul3A_403 = arith.muli %scan3A_134, %mul3A_402 : i32
        %add3A_404 = arith.constant 3 : i32
        %add3A_405 = arith.addi %mul3A_403, %add3A_404 : i32
        %get3A_406 = arith.index_cast %add3A_405 : i32 to index
        %get3A_407 = arith.constant 0 : index
        %get3A_408 = tpu.vector_load %arg13[%get3A_406, %get3A_407] {strides = array<i32>} : memref<80x128xf32, #tpu.memory_space<vmem>>, vector<1x16xf32>,
        %get3A_409 = vector.shape_cast %get3A_408 : vector<1x16xf32> to vector<16xf32>
        %mul3A_410 = arith.mulf %get3A_409, %broadcast_in_dim3A_401 : vector<16xf32>
        %swap3A_411 = arith.index_cast %add3A_405 : i32 to index
        %swap3A_412 = arith.constant 0 : index
        %swap3A_413 = tpu.vector_load %arg13[%swap3A_411, %swap3A_412] {strides = array<i32>} : memref<80x128xf32, #tpu.memory_space<vmem>>, vector<1x16xf32>,
        %swap3A_414 = vector.shape_cast %swap3A_413 : vector<1x16xf32> to vector<16xf32>
        %swap3A_415 = vector.shape_cast %mul3A_410 : vector<16xf32> to vector<1x16xf32>
        tpu.vector_store %arg13[%swap3A_411, %swap3A_412], %swap3A_415 {strides = array<i32>} : memref<80x128xf32, #tpu.memory_space<vmem>>, vector<1x16xf32>,
        %get3A_416 = arith.index_cast %add3A_405 : i32 to index
        %get3A_417 = arith.constant 16 : index
        %get3A_418 = tpu.vector_load %arg13[%get3A_416, %get3A_417] {strides = array<i32>} : memref<80x128xf32, #tpu.memory_space<vmem>>, vector<1x16xf32>,
        %get3A_419 = vector.shape_cast %get3A_418 : vector<1x16xf32> to vector<16xf32>
        %mul3A_420 = arith.mulf %get3A_419, %broadcast_in_dim3A_401 : vector<16xf32>
        %swap3A_421 = arith.index_cast %add3A_405 : i32 to index
        %swap3A_422 = arith.constant 16 : index
        %swap3A_423 = tpu.vector_load %arg13[%swap3A_421, %swap3A_422] {strides = array<i32>} : memref<80x128xf32, #tpu.memory_space<vmem>>, vector<1x16xf32>,
        %swap3A_424 = vector.shape_cast %swap3A_423 : vector<1x16xf32> to vector<16xf32>
        %swap3A_425 = vector.shape_cast %mul3A_420 : vector<16xf32> to vector<1x16xf32>
        tpu.vector_store %arg13[%swap3A_421, %swap3A_422], %swap3A_425 {strides = array<i32>} : memref<80x128xf32, #tpu.memory_space<vmem>>, vector<1x16xf32>,
        %get3A_426 = arith.index_cast %add3A_405 : i32 to index
        %get3A_427 = arith.constant 32 : index
        %get3A_428 = tpu.vector_load %arg13[%get3A_426, %get3A_427] {strides = array<i32>} : memref<80x128xf32, #tpu.memory_space<vmem>>, vector<1x16xf32>,
        %get3A_429 = vector.shape_cast %get3A_428 : vector<1x16xf32> to vector<16xf32>
        %mul3A_430 = arith.mulf %get3A_429, %broadcast_in_dim3A_401 : vector<16xf32>
        %swap3A_431 = arith.index_cast %add3A_405 : i32 to index
        %swap3A_432 = arith.constant 32 : index
        %swap3A_433 = tpu.vector_load %arg13[%swap3A_431, %swap3A_432] {strides = array<i32>} : memref<80x128xf32, #tpu.memory_space<vmem>>, vector<1x16xf32>,
        %swap3A_434 = vector.shape_cast %swap3A_433 : vector<1x16xf32> to vector<16xf32>
        %swap3A_435 = vector.shape_cast %mul3A_430 : vector<16xf32> to vector<1x16xf32>
        tpu.vector_store %arg13[%swap3A_431, %swap3A_432], %swap3A_435 {strides = array<i32>} : memref<80x128xf32, #tpu.memory_space<vmem>>, vector<1x16xf32>,
        %get3A_436 = arith.index_cast %add3A_405 : i32 to index
        %get3A_437 = arith.constant 48 : index
        %get3A_438 = tpu.vector_load %arg13[%get3A_436, %get3A_437] {strides = array<i32>} : memref<80x128xf32, #tpu.memory_space<vmem>>, vector<1x16xf32>,
        %get3A_439 = vector.shape_cast %get3A_438 : vector<1x16xf32> to vector<16xf32>
        %mul3A_440 = arith.mulf %get3A_439, %broadcast_in_dim3A_401 : vector<16xf32>
        %swap3A_441 = arith.index_cast %add3A_405 : i32 to index
        %swap3A_442 = arith.constant 48 : index
        %swap3A_443 = tpu.vector_load %arg13[%swap3A_441, %swap3A_442] {strides = array<i32>} : memref<80x128xf32, #tpu.memory_space<vmem>>, vector<1x16xf32>,
        %swap3A_444 = vector.shape_cast %swap3A_443 : vector<1x16xf32> to vector<16xf32>
        %swap3A_445 = vector.shape_cast %mul3A_440 : vector<16xf32> to vector<1x16xf32>
        tpu.vector_store %arg13[%swap3A_441, %swap3A_442], %swap3A_445 {strides = array<i32>} : memref<80x128xf32, #tpu.memory_space<vmem>>, vector<1x16xf32>,
        %get3A_446 = arith.index_cast %add3A_405 : i32 to index
        %get3A_447 = arith.constant 64 : index
        %get3A_448 = tpu.vector_load %arg13[%get3A_446, %get3A_447] {strides = array<i32>} : memref<80x128xf32, #tpu.memory_space<vmem>>, vector<1x16xf32>,
        %get3A_449 = vector.shape_cast %get3A_448 : vector<1x16xf32> to vector<16xf32>
        %mul3A_450 = arith.mulf %get3A_449, %broadcast_in_dim3A_401 : vector<16xf32>
        %swap3A_451 = arith.index_cast %add3A_405 : i32 to index
        %swap3A_452 = arith.constant 64 : index
        %swap3A_453 = tpu.vector_load %arg13[%swap3A_451, %swap3A_452] {strides = array<i32>} : memref<80x128xf32, #tpu.memory_space<vmem>>, vector<1x16xf32>,
        %swap3A_454 = vector.shape_cast %swap3A_453 : vector<1x16xf32> to vector<16xf32>
        %swap3A_455 = vector.shape_cast %mul3A_450 : vector<16xf32> to vector<1x16xf32>
        tpu.vector_store %arg13[%swap3A_451, %swap3A_452], %swap3A_455 {strides = array<i32>} : memref<80x128xf32, #tpu.memory_space<vmem>>, vector<1x16xf32>,
        %get3A_456 = arith.index_cast %add3A_405 : i32 to index
        %get3A_457 = arith.constant 80 : index
        %get3A_458 = tpu.vector_load %arg13[%get3A_456, %get3A_457] {strides = array<i32>} : memref<80x128xf32, #tpu.memory_space<vmem>>, vector<1x16xf32>,
        %get3A_459 = vector.shape_cast %get3A_458 : vector<1x16xf32> to vector<16xf32>
        %mul3A_460 = arith.mulf %get3A_459, %broadcast_in_dim3A_401 : vector<16xf32>
        %swap3A_461 = arith.index_cast %add3A_405 : i32 to index
        %swap3A_462 = arith.constant 80 : index
        %swap3A_463 = tpu.vector_load %arg13[%swap3A_461, %swap3A_462] {strides = array<i32>} : memref<80x128xf32, #tpu.memory_space<vmem>>, vector<1x16xf32>,
        %swap3A_464 = vector.shape_cast %swap3A_463 : vector<1x16xf32> to vector<16xf32>
        %swap3A_465 = vector.shape_cast %mul3A_460 : vector<16xf32> to vector<1x16xf32>
        tpu.vector_store %arg13[%swap3A_461, %swap3A_462], %swap3A_465 {strides = array<i32>} : memref<80x128xf32, #tpu.memory_space<vmem>>, vector<1x16xf32>,
        %get3A_466 = arith.index_cast %add3A_405 : i32 to index
        %get3A_467 = arith.constant 96 : index
        %get3A_468 = tpu.vector_load %arg13[%get3A_466, %get3A_467] {strides = array<i32>} : memref<80x128xf32, #tpu.memory_space<vmem>>, vector<1x16xf32>,
        %get3A_469 = vector.shape_cast %get3A_468 : vector<1x16xf32> to vector<16xf32>
        %mul3A_470 = arith.mulf %get3A_469, %broadcast_in_dim3A_401 : vector<16xf32>
        %swap3A_471 = arith.index_cast %add3A_405 : i32 to index
        %swap3A_472 = arith.constant 96 : index
        %swap3A_473 = tpu.vector_load %arg13[%swap3A_471, %swap3A_472] {strides = array<i32>} : memref<80x128xf32, #tpu.memory_space<vmem>>, vector<1x16xf32>,
        %swap3A_474 = vector.shape_cast %swap3A_473 : vector<1x16xf32> to vector<16xf32>
        %swap3A_475 = vector.shape_cast %mul3A_470 : vector<16xf32> to vector<1x16xf32>
        tpu.vector_store %arg13[%swap3A_471, %swap3A_472], %swap3A_475 {strides = array<i32>} : memref<80x128xf32, #tpu.memory_space<vmem>>, vector<1x16xf32>,
        %get3A_476 = arith.index_cast %add3A_405 : i32 to index
        %get3A_477 = arith.constant 112 : index
        %get3A_478 = tpu.vector_load %arg13[%get3A_476, %get3A_477] {strides = array<i32>} : memref<80x128xf32, #tpu.memory_space<vmem>>, vector<1x16xf32>,
        %get3A_479 = vector.shape_cast %get3A_478 : vector<1x16xf32> to vector<16xf32>
        %mul3A_480 = arith.mulf %get3A_479, %broadcast_in_dim3A_401 : vector<16xf32>
        %swap3A_481 = arith.index_cast %add3A_405 : i32 to index
        %swap3A_482 = arith.constant 112 : index
        %swap3A_483 = tpu.vector_load %arg13[%swap3A_481, %swap3A_482] {strides = array<i32>} : memref<80x128xf32, #tpu.memory_space<vmem>>, vector<1x16xf32>,
        %swap3A_484 = vector.shape_cast %swap3A_483 : vector<1x16xf32> to vector<16xf32>
        %swap3A_485 = vector.shape_cast %mul3A_480 : vector<16xf32> to vector<1x16xf32>
        tpu.vector_store %arg13[%swap3A_481, %swap3A_482], %swap3A_485 {strides = array<i32>} : memref<80x128xf32, #tpu.memory_space<vmem>>, vector<1x16xf32>,
        %slice3A_486 = vector.extract_strided_slice %get3A_139 {offsets = [4], sizes = [1], strides = [1]} : vector<16xf32> to vector<1xf32>
        %squeeze3A_487 = vector.extract %slice3A_486[0] : f32 from vector<1xf32>
        %broadcast_in_dim3A_488 = vector.broadcast %squeeze3A_487 : f32 to vector<16xf32>
        %mul3A_489 = arith.constant 16 : i32
        %mul3A_490 = arith.muli %scan3A_134, %mul3A_489 : i32
        %add3A_491 = arith.constant 4 : i32
        %add3A_492 = arith.addi %mul3A_490, %add3A_491 : i32
        %get3A_493 = arith.index_cast %add3A_492 : i32 to index
        %get3A_494 = arith.constant 0 : index
        %get3A_495 = tpu.vector_load %arg13[%get3A_493, %get3A_494] {strides = array<i32>} : memref<80x128xf32, #tpu.memory_space<vmem>>, vector<1x16xf32>,
        %get3A_496 = vector.shape_cast %get3A_495 : vector<1x16xf32> to vector<16xf32>
        %mul3A_497 = arith.mulf %get3A_496, %broadcast_in_dim3A_488 : vector<16xf32>
        %swap3A_498 = arith.index_cast %add3A_492 : i32 to index
        %swap3A_499 = arith.constant 0 : index
        %swap3A_500 = tpu.vector_load %arg13[%swap3A_498, %swap3A_499] {strides = array<i32>} : memref<80x128xf32, #tpu.memory_space<vmem>>, vector<1x16xf32>,
        %swap3A_501 = vector.shape_cast %swap3A_500 : vector<1x16xf32> to vector<16xf32>
        %swap3A_502 = vector.shape_cast %mul3A_497 : vector<16xf32> to vector<1x16xf32>
        tpu.vector_store %arg13[%swap3A_498, %swap3A_499], %swap3A_502 {strides = array<i32>} : memref<80x128xf32, #tpu.memory_space<vmem>>, vector<1x16xf32>,
        %get3A_503 = arith.index_cast %add3A_492 : i32 to index
        %get3A_504 = arith.constant 16 : index
        %get3A_505 = tpu.vector_load %arg13[%get3A_503, %get3A_504] {strides = array<i32>} : memref<80x128xf32, #tpu.memory_space<vmem>>, vector<1x16xf32>,
        %get3A_506 = vector.shape_cast %get3A_505 : vector<1x16xf32> to vector<16xf32>
        %mul3A_507 = arith.mulf %get3A_506, %broadcast_in_dim3A_488 : vector<16xf32>
        %swap3A_508 = arith.index_cast %add3A_492 : i32 to index
        %swap3A_509 = arith.constant 16 : index
        %swap3A_510 = tpu.vector_load %arg13[%swap3A_508, %swap3A_509] {strides = array<i32>} : memref<80x128xf32, #tpu.memory_space<vmem>>, vector<1x16xf32>,
        %swap3A_511 = vector.shape_cast %swap3A_510 : vector<1x16xf32> to vector<16xf32>
        %swap3A_512 = vector.shape_cast %mul3A_507 : vector<16xf32> to vector<1x16xf32>
        tpu.vector_store %arg13[%swap3A_508, %swap3A_509], %swap3A_512 {strides = array<i32>} : memref<80x128xf32, #tpu.memory_space<vmem>>, vector<1x16xf32>,
        %get3A_513 = arith.index_cast %add3A_492 : i32 to index
        %get3A_514 = arith.constant 32 : index
        %get3A_515 = tpu.vector_load %arg13[%get3A_513, %get3A_514] {strides = array<i32>} : memref<80x128xf32, #tpu.memory_space<vmem>>, vector<1x16xf32>,
        %get3A_516 = vector.shape_cast %get3A_515 : vector<1x16xf32> to vector<16xf32>
        %mul3A_517 = arith.mulf %get3A_516, %broadcast_in_dim3A_488 : vector<16xf32>
        %swap3A_518 = arith.index_cast %add3A_492 : i32 to index
        %swap3A_519 = arith.constant 32 : index
        %swap3A_520 = tpu.vector_load %arg13[%swap3A_518, %swap3A_519] {strides = array<i32>} : memref<80x128xf32, #tpu.memory_space<vmem>>, vector<1x16xf32>,
        %swap3A_521 = vector.shape_cast %swap3A_520 : vector<1x16xf32> to vector<16xf32>
        %swap3A_522 = vector.shape_cast %mul3A_517 : vector<16xf32> to vector<1x16xf32>
        tpu.vector_store %arg13[%swap3A_518, %swap3A_519], %swap3A_522 {strides = array<i32>} : memref<80x128xf32, #tpu.memory_space<vmem>>, vector<1x16xf32>,
        %get3A_523 = arith.index_cast %add3A_492 : i32 to index
        %get3A_524 = arith.constant 48 : index
        %get3A_525 = tpu.vector_load %arg13[%get3A_523, %get3A_524] {strides = array<i32>} : memref<80x128xf32, #tpu.memory_space<vmem>>, vector<1x16xf32>,
        %get3A_526 = vector.shape_cast %get3A_525 : vector<1x16xf32> to vector<16xf32>
        %mul3A_527 = arith.mulf %get3A_526, %broadcast_in_dim3A_488 : vector<16xf32>
        %swap3A_528 = arith.index_cast %add3A_492 : i32 to index
        %swap3A_529 = arith.constant 48 : index
        %swap3A_530 = tpu.vector_load %arg13[%swap3A_528, %swap3A_529] {strides = array<i32>} : memref<80x128xf32, #tpu.memory_space<vmem>>, vector<1x16xf32>,
        %swap3A_531 = vector.shape_cast %swap3A_530 : vector<1x16xf32> to vector<16xf32>
        %swap3A_532 = vector.shape_cast %mul3A_527 : vector<16xf32> to vector<1x16xf32>
        tpu.vector_store %arg13[%swap3A_528, %swap3A_529], %swap3A_532 {strides = array<i32>} : memref<80x128xf32, #tpu.memory_space<vmem>>, vector<1x16xf32>,
        %get3A_533 = arith.index_cast %add3A_492 : i32 to index
        %get3A_534 = arith.constant 64 : index
        %get3A_535 = tpu.vector_load %arg13[%get3A_533, %get3A_534] {strides = array<i32>} : memref<80x128xf32, #tpu.memory_space<vmem>>, vector<1x16xf32>,
        %get3A_536 = vector.shape_cast %get3A_535 : vector<1x16xf32> to vector<16xf32>
        %mul3A_537 = arith.mulf %get3A_536, %broadcast_in_dim3A_488 : vector<16xf32>
        %swap3A_538 = arith.index_cast %add3A_492 : i32 to index
        %swap3A_539 = arith.constant 64 : index
        %swap3A_540 = tpu.vector_load %arg13[%swap3A_538, %swap3A_539] {strides = array<i32>} : memref<80x128xf32, #tpu.memory_space<vmem>>, vector<1x16xf32>,
        %swap3A_541 = vector.shape_cast %swap3A_540 : vector<1x16xf32> to vector<16xf32>
        %swap3A_542 = vector.shape_cast %mul3A_537 : vector<16xf32> to vector<1x16xf32>
        tpu.vector_store %arg13[%swap3A_538, %swap3A_539], %swap3A_542 {strides = array<i32>} : memref<80x128xf32, #tpu.memory_space<vmem>>, vector<1x16xf32>,
        %get3A_543 = arith.index_cast %add3A_492 : i32 to index
        %get3A_544 = arith.constant 80 : index
        %get3A_545 = tpu.vector_load %arg13[%get3A_543, %get3A_544] {strides = array<i32>} : memref<80x128xf32, #tpu.memory_space<vmem>>, vector<1x16xf32>,
        %get3A_546 = vector.shape_cast %get3A_545 : vector<1x16xf32> to vector<16xf32>
        %mul3A_547 = arith.mulf %get3A_546, %broadcast_in_dim3A_488 : vector<16xf32>
        %swap3A_548 = arith.index_cast %add3A_492 : i32 to index
        %swap3A_549 = arith.constant 80 : index
        %swap3A_550 = tpu.vector_load %arg13[%swap3A_548, %swap3A_549] {strides = array<i32>} : memref<80x128xf32, #tpu.memory_space<vmem>>, vector<1x16xf32>,
        %swap3A_551 = vector.shape_cast %swap3A_550 : vector<1x16xf32> to vector<16xf32>
        %swap3A_552 = vector.shape_cast %mul3A_547 : vector<16xf32> to vector<1x16xf32>
        tpu.vector_store %arg13[%swap3A_548, %swap3A_549], %swap3A_552 {strides = array<i32>} : memref<80x128xf32, #tpu.memory_space<vmem>>, vector<1x16xf32>,
        %get3A_553 = arith.index_cast %add3A_492 : i32 to index
        %get3A_554 = arith.constant 96 : index
        %get3A_555 = tpu.vector_load %arg13[%get3A_553, %get3A_554] {strides = array<i32>} : memref<80x128xf32, #tpu.memory_space<vmem>>, vector<1x16xf32>,
        %get3A_556 = vector.shape_cast %get3A_555 : vector<1x16xf32> to vector<16xf32>
        %mul3A_557 = arith.mulf %get3A_556, %broadcast_in_dim3A_488 : vector<16xf32>
        %swap3A_558 = arith.index_cast %add3A_492 : i32 to index
        %swap3A_559 = arith.constant 96 : index
        %swap3A_560 = tpu.vector_load %arg13[%swap3A_558, %swap3A_559] {strides = array<i32>} : memref<80x128xf32, #tpu.memory_space<vmem>>, vector<1x16xf32>,
        %swap3A_561 = vector.shape_cast %swap3A_560 : vector<1x16xf32> to vector<16xf32>
        %swap3A_562 = vector.shape_cast %mul3A_557 : vector<16xf32> to vector<1x16xf32>
        tpu.vector_store %arg13[%swap3A_558, %swap3A_559], %swap3A_562 {strides = array<i32>} : memref<80x128xf32, #tpu.memory_space<vmem>>, vector<1x16xf32>,
        %get3A_563 = arith.index_cast %add3A_492 : i32 to index
        %get3A_564 = arith.constant 112 : index
        %get3A_565 = tpu.vector_load %arg13[%get3A_563, %get3A_564] {strides = array<i32>} : memref<80x128xf32, #tpu.memory_space<vmem>>, vector<1x16xf32>,
        %get3A_566 = vector.shape_cast %get3A_565 : vector<1x16xf32> to vector<16xf32>
        %mul3A_567 = arith.mulf %get3A_566, %broadcast_in_dim3A_488 : vector<16xf32>
        %swap3A_568 = arith.index_cast %add3A_492 : i32 to index
        %swap3A_569 = arith.constant 112 : index
        %swap3A_570 = tpu.vector_load %arg13[%swap3A_568, %swap3A_569] {strides = array<i32>} : memref<80x128xf32, #tpu.memory_space<vmem>>, vector<1x16xf32>,
        %swap3A_571 = vector.shape_cast %swap3A_570 : vector<1x16xf32> to vector<16xf32>
        %swap3A_572 = vector.shape_cast %mul3A_567 : vector<16xf32> to vector<1x16xf32>
        tpu.vector_store %arg13[%swap3A_568, %swap3A_569], %swap3A_572 {strides = array<i32>} : memref<80x128xf32, #tpu.memory_space<vmem>>, vector<1x16xf32>,
        %slice3A_573 = vector.extract_strided_slice %get3A_139 {offsets = [5], sizes = [1], strides = [1]} : vector<16xf32> to vector<1xf32>
        %squeeze3A_574 = vector.extract %slice3A_573[0] : f32 from vector<1xf32>
        %broadcast_in_dim3A_575 = vector.broadcast %squeeze3A_574 : f32 to vector<16xf32>
        %mul3A_576 = arith.constant 16 : i32
        %mul3A_577 = arith.muli %scan3A_134, %mul3A_576 : i32
        %add3A_578 = arith.constant 5 : i32
        %add3A_579 = arith.addi %mul3A_577, %add3A_578 : i32
        %get3A_580 = arith.index_cast %add3A_579 : i32 to index
        %get3A_581 = arith.constant 0 : index
        %get3A_582 = tpu.vector_load %arg13[%get3A_580, %get3A_581] {strides = array<i32>} : memref<80x128xf32, #tpu.memory_space<vmem>>, vector<1x16xf32>,
        %get3A_583 = vector.shape_cast %get3A_582 : vector<1x16xf32> to vector<16xf32>
        %mul3A_584 = arith.mulf %get3A_583, %broadcast_in_dim3A_575 : vector<16xf32>
        %swap3A_585 = arith.index_cast %add3A_579 : i32 to index
        %swap3A_586 = arith.constant 0 : index
        %swap3A_587 = tpu.vector_load %arg13[%swap3A_585, %swap3A_586] {strides = array<i32>} : memref<80x128xf32, #tpu.memory_space<vmem>>, vector<1x16xf32>,
        %swap3A_588 = vector.shape_cast %swap3A_587 : vector<1x16xf32> to vector<16xf32>
        %swap3A_589 = vector.shape_cast %mul3A_584 : vector<16xf32> to vector<1x16xf32>
        tpu.vector_store %arg13[%swap3A_585, %swap3A_586], %swap3A_589 {strides = array<i32>} : memref<80x128xf32, #tpu.memory_space<vmem>>, vector<1x16xf32>,
        %get3A_590 = arith.index_cast %add3A_579 : i32 to index
        %get3A_591 = arith.constant 16 : index
        %get3A_592 = tpu.vector_load %arg13[%get3A_590, %get3A_591] {strides = array<i32>} : memref<80x128xf32, #tpu.memory_space<vmem>>, vector<1x16xf32>,
        %get3A_593 = vector.shape_cast %get3A_592 : vector<1x16xf32> to vector<16xf32>
        %mul3A_594 = arith.mulf %get3A_593, %broadcast_in_dim3A_575 : vector<16xf32>
        %swap3A_595 = arith.index_cast %add3A_579 : i32 to index
        %swap3A_596 = arith.constant 16 : index
        %swap3A_597 = tpu.vector_load %arg13[%swap3A_595, %swap3A_596] {strides = array<i32>} : memref<80x128xf32, #tpu.memory_space<vmem>>, vector<1x16xf32>,
        %swap3A_598 = vector.shape_cast %swap3A_597 : vector<1x16xf32> to vector<16xf32>
        %swap3A_599 = vector.shape_cast %mul3A_594 : vector<16xf32> to vector<1x16xf32>
        tpu.vector_store %arg13[%swap3A_595, %swap3A_596], %swap3A_599 {strides = array<i32>} : memref<80x128xf32, #tpu.memory_space<vmem>>, vector<1x16xf32>,
        %get3A_600 = arith.index_cast %add3A_579 : i32 to index
        %get3A_601 = arith.constant 32 : index
        %get3A_602 = tpu.vector_load %arg13[%get3A_600, %get3A_601] {strides = array<i32>} : memref<80x128xf32, #tpu.memory_space<vmem>>, vector<1x16xf32>,
        %get3A_603 = vector.shape_cast %get3A_602 : vector<1x16xf32> to vector<16xf32>
        %mul3A_604 = arith.mulf %get3A_603, %broadcast_in_dim3A_575 : vector<16xf32>
        %swap3A_605 = arith.index_cast %add3A_579 : i32 to index
        %swap3A_606 = arith.constant 32 : index
        %swap3A_607 = tpu.vector_load %arg13[%swap3A_605, %swap3A_606] {strides = array<i32>} : memref<80x128xf32, #tpu.memory_space<vmem>>, vector<1x16xf32>,
        %swap3A_608 = vector.shape_cast %swap3A_607 : vector<1x16xf32> to vector<16xf32>
        %swap3A_609 = vector.shape_cast %mul3A_604 : vector<16xf32> to vector<1x16xf32>
        tpu.vector_store %arg13[%swap3A_605, %swap3A_606], %swap3A_609 {strides = array<i32>} : memref<80x128xf32, #tpu.memory_space<vmem>>, vector<1x16xf32>,
        %get3A_610 = arith.index_cast %add3A_579 : i32 to index
        %get3A_611 = arith.constant 48 : index
        %get3A_612 = tpu.vector_load %arg13[%get3A_610, %get3A_611] {strides = array<i32>} : memref<80x128xf32, #tpu.memory_space<vmem>>, vector<1x16xf32>,
        %get3A_613 = vector.shape_cast %get3A_612 : vector<1x16xf32> to vector<16xf32>
        %mul3A_614 = arith.mulf %get3A_613, %broadcast_in_dim3A_575 : vector<16xf32>
        %swap3A_615 = arith.index_cast %add3A_579 : i32 to index
        %swap3A_616 = arith.constant 48 : index
        %swap3A_617 = tpu.vector_load %arg13[%swap3A_615, %swap3A_616] {strides = array<i32>} : memref<80x128xf32, #tpu.memory_space<vmem>>, vector<1x16xf32>,
        %swap3A_618 = vector.shape_cast %swap3A_617 : vector<1x16xf32> to vector<16xf32>
        %swap3A_619 = vector.shape_cast %mul3A_614 : vector<16xf32> to vector<1x16xf32>
        tpu.vector_store %arg13[%swap3A_615, %swap3A_616], %swap3A_619 {strides = array<i32>} : memref<80x128xf32, #tpu.memory_space<vmem>>, vector<1x16xf32>,
        %get3A_620 = arith.index_cast %add3A_579 : i32 to index
        %get3A_621 = arith.constant 64 : index
        %get3A_622 = tpu.vector_load %arg13[%get3A_620, %get3A_621] {strides = array<i32>} : memref<80x128xf32, #tpu.memory_space<vmem>>, vector<1x16xf32>,
        %get3A_623 = vector.shape_cast %get3A_622 : vector<1x16xf32> to vector<16xf32>
        %mul3A_624 = arith.mulf %get3A_623, %broadcast_in_dim3A_575 : vector<16xf32>
        %swap3A_625 = arith.index_cast %add3A_579 : i32 to index
        %swap3A_626 = arith.constant 64 : index
        %swap3A_627 = tpu.vector_load %arg13[%swap3A_625, %swap3A_626] {strides = array<i32>} : memref<80x128xf32, #tpu.memory_space<vmem>>, vector<1x16xf32>,
        %swap3A_628 = vector.shape_cast %swap3A_627 : vector<1x16xf32> to vector<16xf32>
        %swap3A_629 = vector.shape_cast %mul3A_624 : vector<16xf32> to vector<1x16xf32>
        tpu.vector_store %arg13[%swap3A_625, %swap3A_626], %swap3A_629 {strides = array<i32>} : memref<80x128xf32, #tpu.memory_space<vmem>>, vector<1x16xf32>,
        %get3A_630 = arith.index_cast %add3A_579 : i32 to index
        %get3A_631 = arith.constant 80 : index
        %get3A_632 = tpu.vector_load %arg13[%get3A_630, %get3A_631] {strides = array<i32>} : memref<80x128xf32, #tpu.memory_space<vmem>>, vector<1x16xf32>,
        %get3A_633 = vector.shape_cast %get3A_632 : vector<1x16xf32> to vector<16xf32>
        %mul3A_634 = arith.mulf %get3A_633, %broadcast_in_dim3A_575 : vector<16xf32>
        %swap3A_635 = arith.index_cast %add3A_579 : i32 to index
        %swap3A_636 = arith.constant 80 : index
        %swap3A_637 = tpu.vector_load %arg13[%swap3A_635, %swap3A_636] {strides = array<i32>} : memref<80x128xf32, #tpu.memory_space<vmem>>, vector<1x16xf32>,
        %swap3A_638 = vector.shape_cast %swap3A_637 : vector<1x16xf32> to vector<16xf32>
        %swap3A_639 = vector.shape_cast %mul3A_634 : vector<16xf32> to vector<1x16xf32>
        tpu.vector_store %arg13[%swap3A_635, %swap3A_636], %swap3A_639 {strides = array<i32>} : memref<80x128xf32, #tpu.memory_space<vmem>>, vector<1x16xf32>,
        %get3A_640 = arith.index_cast %add3A_579 : i32 to index
        %get3A_641 = arith.constant 96 : index
        %get3A_642 = tpu.vector_load %arg13[%get3A_640, %get3A_641] {strides = array<i32>} : memref<80x128xf32, #tpu.memory_space<vmem>>, vector<1x16xf32>,
        %get3A_643 = vector.shape_cast %get3A_642 : vector<1x16xf32> to vector<16xf32>
        %mul3A_644 = arith.mulf %get3A_643, %broadcast_in_dim3A_575 : vector<16xf32>
        %swap3A_645 = arith.index_cast %add3A_579 : i32 to index
        %swap3A_646 = arith.constant 96 : index
        %swap3A_647 = tpu.vector_load %arg13[%swap3A_645, %swap3A_646] {strides = array<i32>} : memref<80x128xf32, #tpu.memory_space<vmem>>, vector<1x16xf32>,
        %swap3A_648 = vector.shape_cast %swap3A_647 : vector<1x16xf32> to vector<16xf32>
        %swap3A_649 = vector.shape_cast %mul3A_644 : vector<16xf32> to vector<1x16xf32>
        tpu.vector_store %arg13[%swap3A_645, %swap3A_646], %swap3A_649 {strides = array<i32>} : memref<80x128xf32, #tpu.memory_space<vmem>>, vector<1x16xf32>,
        %get3A_650 = arith.index_cast %add3A_579 : i32 to index
        %get3A_651 = arith.constant 112 : index
        %get3A_652 = tpu.vector_load %arg13[%get3A_650, %get3A_651] {strides = array<i32>} : memref<80x128xf32, #tpu.memory_space<vmem>>, vector<1x16xf32>,
        %get3A_653 = vector.shape_cast %get3A_652 : vector<1x16xf32> to vector<16xf32>
        %mul3A_654 = arith.mulf %get3A_653, %broadcast_in_dim3A_575 : vector<16xf32>
        %swap3A_655 = arith.index_cast %add3A_579 : i32 to index
        %swap3A_656 = arith.constant 112 : index
        %swap3A_657 = tpu.vector_load %arg13[%swap3A_655, %swap3A_656] {strides = array<i32>} : memref<80x128xf32, #tpu.memory_space<vmem>>, vector<1x16xf32>,
        %swap3A_658 = vector.shape_cast %swap3A_657 : vector<1x16xf32> to vector<16xf32>
        %swap3A_659 = vector.shape_cast %mul3A_654 : vector<16xf32> to vector<1x16xf32>
        tpu.vector_store %arg13[%swap3A_655, %swap3A_656], %swap3A_659 {strides = array<i32>} : memref<80x128xf32, #tpu.memory_space<vmem>>, vector<1x16xf32>,
        %slice3A_660 = vector.extract_strided_slice %get3A_139 {offsets = [6], sizes = [1], strides = [1]} : vector<16xf32> to vector<1xf32>
        %squeeze3A_661 = vector.extract %slice3A_660[0] : f32 from vector<1xf32>
        %broadcast_in_dim3A_662 = vector.broadcast %squeeze3A_661 : f32 to vector<16xf32>
        %mul3A_663 = arith.constant 16 : i32
        %mul3A_664 = arith.muli %scan3A_134, %mul3A_663 : i32
        %add3A_665 = arith.constant 6 : i32
        %add3A_666 = arith.addi %mul3A_664, %add3A_665 : i32
        %get3A_667 = arith.index_cast %add3A_666 : i32 to index
        %get3A_668 = arith.constant 0 : index
        %get3A_669 = tpu.vector_load %arg13[%get3A_667, %get3A_668] {strides = array<i32>} : memref<80x128xf32, #tpu.memory_space<vmem>>, vector<1x16xf32>,
        %get3A_670 = vector.shape_cast %get3A_669 : vector<1x16xf32> to vector<16xf32>
        %mul3A_671 = arith.mulf %get3A_670, %broadcast_in_dim3A_662 : vector<16xf32>
        %swap3A_672 = arith.index_cast %add3A_666 : i32 to index
        %swap3A_673 = arith.constant 0 : index
        %swap3A_674 = tpu.vector_load %arg13[%swap3A_672, %swap3A_673] {strides = array<i32>} : memref<80x128xf32, #tpu.memory_space<vmem>>, vector<1x16xf32>,
        %swap3A_675 = vector.shape_cast %swap3A_674 : vector<1x16xf32> to vector<16xf32>
        %swap3A_676 = vector.shape_cast %mul3A_671 : vector<16xf32> to vector<1x16xf32>
        tpu.vector_store %arg13[%swap3A_672, %swap3A_673], %swap3A_676 {strides = array<i32>} : memref<80x128xf32, #tpu.memory_space<vmem>>, vector<1x16xf32>,
        %get3A_677 = arith.index_cast %add3A_666 : i32 to index
        %get3A_678 = arith.constant 16 : index
        %get3A_679 = tpu.vector_load %arg13[%get3A_677, %get3A_678] {strides = array<i32>} : memref<80x128xf32, #tpu.memory_space<vmem>>, vector<1x16xf32>,
        %get3A_680 = vector.shape_cast %get3A_679 : vector<1x16xf32> to vector<16xf32>
        %mul3A_681 = arith.mulf %get3A_680, %broadcast_in_dim3A_662 : vector<16xf32>
        %swap3A_682 = arith.index_cast %add3A_666 : i32 to index
        %swap3A_683 = arith.constant 16 : index
        %swap3A_684 = tpu.vector_load %arg13[%swap3A_682, %swap3A_683] {strides = array<i32>} : memref<80x128xf32, #tpu.memory_space<vmem>>, vector<1x16xf32>,
        %swap3A_685 = vector.shape_cast %swap3A_684 : vector<1x16xf32> to vector<16xf32>
        %swap3A_686 = vector.shape_cast %mul3A_681 : vector<16xf32> to vector<1x16xf32>
        tpu.vector_store %arg13[%swap3A_682, %swap3A_683], %swap3A_686 {strides = array<i32>} : memref<80x128xf32, #tpu.memory_space<vmem>>, vector<1x16xf32>,
        %get3A_687 = arith.index_cast %add3A_666 : i32 to index
        %get3A_688 = arith.constant 32 : index
        %get3A_689 = tpu.vector_load %arg13[%get3A_687, %get3A_688] {strides = array<i32>} : memref<80x128xf32, #tpu.memory_space<vmem>>, vector<1x16xf32>,
        %get3A_690 = vector.shape_cast %get3A_689 : vector<1x16xf32> to vector<16xf32>
        %mul3A_691 = arith.mulf %get3A_690, %broadcast_in_dim3A_662 : vector<16xf32>
        %swap3A_692 = arith.index_cast %add3A_666 : i32 to index
        %swap3A_693 = arith.constant 32 : index
        %swap3A_694 = tpu.vector_load %arg13[%swap3A_692, %swap3A_693] {strides = array<i32>} : memref<80x128xf32, #tpu.memory_space<vmem>>, vector<1x16xf32>,
        %swap3A_695 = vector.shape_cast %swap3A_694 : vector<1x16xf32> to vector<16xf32>
        %swap3A_696 = vector.shape_cast %mul3A_691 : vector<16xf32> to vector<1x16xf32>
        tpu.vector_store %arg13[%swap3A_692, %swap3A_693], %swap3A_696 {strides = array<i32>} : memref<80x128xf32, #tpu.memory_space<vmem>>, vector<1x16xf32>,
        %get3A_697 = arith.index_cast %add3A_666 : i32 to index
        %get3A_698 = arith.constant 48 : index
        %get3A_699 = tpu.vector_load %arg13[%get3A_697, %get3A_698] {strides = array<i32>} : memref<80x128xf32, #tpu.memory_space<vmem>>, vector<1x16xf32>,
        %get3A_700 = vector.shape_cast %get3A_699 : vector<1x16xf32> to vector<16xf32>
        %mul3A_701 = arith.mulf %get3A_700, %broadcast_in_dim3A_662 : vector<16xf32>
        %swap3A_702 = arith.index_cast %add3A_666 : i32 to index
        %swap3A_703 = arith.constant 48 : index
        %swap3A_704 = tpu.vector_load %arg13[%swap3A_702, %swap3A_703] {strides = array<i32>} : memref<80x128xf32, #tpu.memory_space<vmem>>, vector<1x16xf32>,
        %swap3A_705 = vector.shape_cast %swap3A_704 : vector<1x16xf32> to vector<16xf32>
        %swap3A_706 = vector.shape_cast %mul3A_701 : vector<16xf32> to vector<1x16xf32>
        tpu.vector_store %arg13[%swap3A_702, %swap3A_703], %swap3A_706 {strides = array<i32>} : memref<80x128xf32, #tpu.memory_space<vmem>>, vector<1x16xf32>,
        %get3A_707 = arith.index_cast %add3A_666 : i32 to index
        %get3A_708 = arith.constant 64 : index
        %get3A_709 = tpu.vector_load %arg13[%get3A_707, %get3A_708] {strides = array<i32>} : memref<80x128xf32, #tpu.memory_space<vmem>>, vector<1x16xf32>,
        %get3A_710 = vector.shape_cast %get3A_709 : vector<1x16xf32> to vector<16xf32>
        %mul3A_711 = arith.mulf %get3A_710, %broadcast_in_dim3A_662 : vector<16xf32>
        %swap3A_712 = arith.index_cast %add3A_666 : i32 to index
        %swap3A_713 = arith.constant 64 : index
        %swap3A_714 = tpu.vector_load %arg13[%swap3A_712, %swap3A_713] {strides = array<i32>} : memref<80x128xf32, #tpu.memory_space<vmem>>, vector<1x16xf32>,
        %swap3A_715 = vector.shape_cast %swap3A_714 : vector<1x16xf32> to vector<16xf32>
        %swap3A_716 = vector.shape_cast %mul3A_711 : vector<16xf32> to vector<1x16xf32>
        tpu.vector_store %arg13[%swap3A_712, %swap3A_713], %swap3A_716 {strides = array<i32>} : memref<80x128xf32, #tpu.memory_space<vmem>>, vector<1x16xf32>,
        %get3A_717 = arith.index_cast %add3A_666 : i32 to index
        %get3A_718 = arith.constant 80 : index
        %get3A_719 = tpu.vector_load %arg13[%get3A_717, %get3A_718] {strides = array<i32>} : memref<80x128xf32, #tpu.memory_space<vmem>>, vector<1x16xf32>,
        %get3A_720 = vector.shape_cast %get3A_719 : vector<1x16xf32> to vector<16xf32>
        %mul3A_721 = arith.mulf %get3A_720, %broadcast_in_dim3A_662 : vector<16xf32>
        %swap3A_722 = arith.index_cast %add3A_666 : i32 to index
        %swap3A_723 = arith.constant 80 : index
        %swap3A_724 = tpu.vector_load %arg13[%swap3A_722, %swap3A_723] {strides = array<i32>} : memref<80x128xf32, #tpu.memory_space<vmem>>, vector<1x16xf32>,
        %swap3A_725 = vector.shape_cast %swap3A_724 : vector<1x16xf32> to vector<16xf32>
        %swap3A_726 = vector.shape_cast %mul3A_721 : vector<16xf32> to vector<1x16xf32>
        tpu.vector_store %arg13[%swap3A_722, %swap3A_723], %swap3A_726 {strides = array<i32>} : memref<80x128xf32, #tpu.memory_space<vmem>>, vector<1x16xf32>,
        %get3A_727 = arith.index_cast %add3A_666 : i32 to index
        %get3A_728 = arith.constant 96 : index
        %get3A_729 = tpu.vector_load %arg13[%get3A_727, %get3A_728] {strides = array<i32>} : memref<80x128xf32, #tpu.memory_space<vmem>>, vector<1x16xf32>,
        %get3A_730 = vector.shape_cast %get3A_729 : vector<1x16xf32> to vector<16xf32>
        %mul3A_731 = arith.mulf %get3A_730, %broadcast_in_dim3A_662 : vector<16xf32>
        %swap3A_732 = arith.index_cast %add3A_666 : i32 to index
        %swap3A_733 = arith.constant 96 : index
        %swap3A_734 = tpu.vector_load %arg13[%swap3A_732, %swap3A_733] {strides = array<i32>} : memref<80x128xf32, #tpu.memory_space<vmem>>, vector<1x16xf32>,
        %swap3A_735 = vector.shape_cast %swap3A_734 : vector<1x16xf32> to vector<16xf32>
        %swap3A_736 = vector.shape_cast %mul3A_731 : vector<16xf32> to vector<1x16xf32>
        tpu.vector_store %arg13[%swap3A_732, %swap3A_733], %swap3A_736 {strides = array<i32>} : memref<80x128xf32, #tpu.memory_space<vmem>>, vector<1x16xf32>,
        %get3A_737 = arith.index_cast %add3A_666 : i32 to index
        %get3A_738 = arith.constant 112 : index
        %get3A_739 = tpu.vector_load %arg13[%get3A_737, %get3A_738] {strides = array<i32>} : memref<80x128xf32, #tpu.memory_space<vmem>>, vector<1x16xf32>,
        %get3A_740 = vector.shape_cast %get3A_739 : vector<1x16xf32> to vector<16xf32>
        %mul3A_741 = arith.mulf %get3A_740, %broadcast_in_dim3A_662 : vector<16xf32>
        %swap3A_742 = arith.index_cast %add3A_666 : i32 to index
        %swap3A_743 = arith.constant 112 : index
        %swap3A_744 = tpu.vector_load %arg13[%swap3A_742, %swap3A_743] {strides = array<i32>} : memref<80x128xf32, #tpu.memory_space<vmem>>, vector<1x16xf32>,
        %swap3A_745 = vector.shape_cast %swap3A_744 : vector<1x16xf32> to vector<16xf32>
        %swap3A_746 = vector.shape_cast %mul3A_741 : vector<16xf32> to vector<1x16xf32>
        tpu.vector_store %arg13[%swap3A_742, %swap3A_743], %swap3A_746 {strides = array<i32>} : memref<80x128xf32, #tpu.memory_space<vmem>>, vector<1x16xf32>,
        %slice3A_747 = vector.extract_strided_slice %get3A_139 {offsets = [7], sizes = [1], strides = [1]} : vector<16xf32> to vector<1xf32>
        %squeeze3A_748 = vector.extract %slice3A_747[0] : f32 from vector<1xf32>
        %broadcast_in_dim3A_749 = vector.broadcast %squeeze3A_748 : f32 to vector<16xf32>
        %mul3A_750 = arith.constant 16 : i32
        %mul3A_751 = arith.muli %scan3A_134, %mul3A_750 : i32
        %add3A_752 = arith.constant 7 : i32
        %add3A_753 = arith.addi %mul3A_751, %add3A_752 : i32
        %get3A_754 = arith.index_cast %add3A_753 : i32 to index
        %get3A_755 = arith.constant 0 : index
        %get3A_756 = tpu.vector_load %arg13[%get3A_754, %get3A_755] {strides = array<i32>} : memref<80x128xf32, #tpu.memory_space<vmem>>, vector<1x16xf32>,
        %get3A_757 = vector.shape_cast %get3A_756 : vector<1x16xf32> to vector<16xf32>
        %mul3A_758 = arith.mulf %get3A_757, %broadcast_in_dim3A_749 : vector<16xf32>
        %swap3A_759 = arith.index_cast %add3A_753 : i32 to index
        %swap3A_760 = arith.constant 0 : index
        %swap3A_761 = tpu.vector_load %arg13[%swap3A_759, %swap3A_760] {strides = array<i32>} : memref<80x128xf32, #tpu.memory_space<vmem>>, vector<1x16xf32>,
        %swap3A_762 = vector.shape_cast %swap3A_761 : vector<1x16xf32> to vector<16xf32>
        %swap3A_763 = vector.shape_cast %mul3A_758 : vector<16xf32> to vector<1x16xf32>
        tpu.vector_store %arg13[%swap3A_759, %swap3A_760], %swap3A_763 {strides = array<i32>} : memref<80x128xf32, #tpu.memory_space<vmem>>, vector<1x16xf32>,
        %get3A_764 = arith.index_cast %add3A_753 : i32 to index
        %get3A_765 = arith.constant 16 : index
        %get3A_766 = tpu.vector_load %arg13[%get3A_764, %get3A_765] {strides = array<i32>} : memref<80x128xf32, #tpu.memory_space<vmem>>, vector<1x16xf32>,
        %get3A_767 = vector.shape_cast %get3A_766 : vector<1x16xf32> to vector<16xf32>
        %mul3A_768 = arith.mulf %get3A_767, %broadcast_in_dim3A_749 : vector<16xf32>
        %swap3A_769 = arith.index_cast %add3A_753 : i32 to index
        %swap3A_770 = arith.constant 16 : index
        %swap3A_771 = tpu.vector_load %arg13[%swap3A_769, %swap3A_770] {strides = array<i32>} : memref<80x128xf32, #tpu.memory_space<vmem>>, vector<1x16xf32>,
        %swap3A_772 = vector.shape_cast %swap3A_771 : vector<1x16xf32> to vector<16xf32>
        %swap3A_773 = vector.shape_cast %mul3A_768 : vector<16xf32> to vector<1x16xf32>
        tpu.vector_store %arg13[%swap3A_769, %swap3A_770], %swap3A_773 {strides = array<i32>} : memref<80x128xf32, #tpu.memory_space<vmem>>, vector<1x16xf32>,
        %get3A_774 = arith.index_cast %add3A_753 : i32 to index
        %get3A_775 = arith.constant 32 : index
        %get3A_776 = tpu.vector_load %arg13[%get3A_774, %get3A_775] {strides = array<i32>} : memref<80x128xf32, #tpu.memory_space<vmem>>, vector<1x16xf32>,
        %get3A_777 = vector.shape_cast %get3A_776 : vector<1x16xf32> to vector<16xf32>
        %mul3A_778 = arith.mulf %get3A_777, %broadcast_in_dim3A_749 : vector<16xf32>
        %swap3A_779 = arith.index_cast %add3A_753 : i32 to index
        %swap3A_780 = arith.constant 32 : index
        %swap3A_781 = tpu.vector_load %arg13[%swap3A_779, %swap3A_780] {strides = array<i32>} : memref<80x128xf32, #tpu.memory_space<vmem>>, vector<1x16xf32>,
        %swap3A_782 = vector.shape_cast %swap3A_781 : vector<1x16xf32> to vector<16xf32>
        %swap3A_783 = vector.shape_cast %mul3A_778 : vector<16xf32> to vector<1x16xf32>
        tpu.vector_store %arg13[%swap3A_779, %swap3A_780], %swap3A_783 {strides = array<i32>} : memref<80x128xf32, #tpu.memory_space<vmem>>, vector<1x16xf32>,
        %get3A_784 = arith.index_cast %add3A_753 : i32 to index
        %get3A_785 = arith.constant 48 : index
        %get3A_786 = tpu.vector_load %arg13[%get3A_784, %get3A_785] {strides = array<i32>} : memref<80x128xf32, #tpu.memory_space<vmem>>, vector<1x16xf32>,
        %get3A_787 = vector.shape_cast %get3A_786 : vector<1x16xf32> to vector<16xf32>
        %mul3A_788 = arith.mulf %get3A_787, %broadcast_in_dim3A_749 : vector<16xf32>
        %swap3A_789 = arith.index_cast %add3A_753 : i32 to index
        %swap3A_790 = arith.constant 48 : index
        %swap3A_791 = tpu.vector_load %arg13[%swap3A_789, %swap3A_790] {strides = array<i32>} : memref<80x128xf32, #tpu.memory_space<vmem>>, vector<1x16xf32>,
        %swap3A_792 = vector.shape_cast %swap3A_791 : vector<1x16xf32> to vector<16xf32>
        %swap3A_793 = vector.shape_cast %mul3A_788 : vector<16xf32> to vector<1x16xf32>
        tpu.vector_store %arg13[%swap3A_789, %swap3A_790], %swap3A_793 {strides = array<i32>} : memref<80x128xf32, #tpu.memory_space<vmem>>, vector<1x16xf32>,
        %get3A_794 = arith.index_cast %add3A_753 : i32 to index
        %get3A_795 = arith.constant 64 : index
        %get3A_796 = tpu.vector_load %arg13[%get3A_794, %get3A_795] {strides = array<i32>} : memref<80x128xf32, #tpu.memory_space<vmem>>, vector<1x16xf32>,
        %get3A_797 = vector.shape_cast %get3A_796 : vector<1x16xf32> to vector<16xf32>
        %mul3A_798 = arith.mulf %get3A_797, %broadcast_in_dim3A_749 : vector<16xf32>
        %swap3A_799 = arith.index_cast %add3A_753 : i32 to index
        %swap3A_800 = arith.constant 64 : index
        %swap3A_801 = tpu.vector_load %arg13[%swap3A_799, %swap3A_800] {strides = array<i32>} : memref<80x128xf32, #tpu.memory_space<vmem>>, vector<1x16xf32>,
        %swap3A_802 = vector.shape_cast %swap3A_801 : vector<1x16xf32> to vector<16xf32>
        %swap3A_803 = vector.shape_cast %mul3A_798 : vector<16xf32> to vector<1x16xf32>
        tpu.vector_store %arg13[%swap3A_799, %swap3A_800], %swap3A_803 {strides = array<i32>} : memref<80x128xf32, #tpu.memory_space<vmem>>, vector<1x16xf32>,
        %get3A_804 = arith.index_cast %add3A_753 : i32 to index
        %get3A_805 = arith.constant 80 : index
        %get3A_806 = tpu.vector_load %arg13[%get3A_804, %get3A_805] {strides = array<i32>} : memref<80x128xf32, #tpu.memory_space<vmem>>, vector<1x16xf32>,
        %get3A_807 = vector.shape_cast %get3A_806 : vector<1x16xf32> to vector<16xf32>
        %mul3A_808 = arith.mulf %get3A_807, %broadcast_in_dim3A_749 : vector<16xf32>
        %swap3A_809 = arith.index_cast %add3A_753 : i32 to index
        %swap3A_810 = arith.constant 80 : index
        %swap3A_811 = tpu.vector_load %arg13[%swap3A_809, %swap3A_810] {strides = array<i32>} : memref<80x128xf32, #tpu.memory_space<vmem>>, vector<1x16xf32>,
        %swap3A_812 = vector.shape_cast %swap3A_811 : vector<1x16xf32> to vector<16xf32>
        %swap3A_813 = vector.shape_cast %mul3A_808 : vector<16xf32> to vector<1x16xf32>
        tpu.vector_store %arg13[%swap3A_809, %swap3A_810], %swap3A_813 {strides = array<i32>} : memref<80x128xf32, #tpu.memory_space<vmem>>, vector<1x16xf32>,
        %get3A_814 = arith.index_cast %add3A_753 : i32 to index
        %get3A_815 = arith.constant 96 : index
        %get3A_816 = tpu.vector_load %arg13[%get3A_814, %get3A_815] {strides = array<i32>} : memref<80x128xf32, #tpu.memory_space<vmem>>, vector<1x16xf32>,
        %get3A_817 = vector.shape_cast %get3A_816 : vector<1x16xf32> to vector<16xf32>
        %mul3A_818 = arith.mulf %get3A_817, %broadcast_in_dim3A_749 : vector<16xf32>
        %swap3A_819 = arith.index_cast %add3A_753 : i32 to index
        %swap3A_820 = arith.constant 96 : index
        %swap3A_821 = tpu.vector_load %arg13[%swap3A_819, %swap3A_820] {strides = array<i32>} : memref<80x128xf32, #tpu.memory_space<vmem>>, vector<1x16xf32>,
        %swap3A_822 = vector.shape_cast %swap3A_821 : vector<1x16xf32> to vector<16xf32>
        %swap3A_823 = vector.shape_cast %mul3A_818 : vector<16xf32> to vector<1x16xf32>
        tpu.vector_store %arg13[%swap3A_819, %swap3A_820], %swap3A_823 {strides = array<i32>} : memref<80x128xf32, #tpu.memory_space<vmem>>, vector<1x16xf32>,
        %get3A_824 = arith.index_cast %add3A_753 : i32 to index
        %get3A_825 = arith.constant 112 : index
        %get3A_826 = tpu.vector_load %arg13[%get3A_824, %get3A_825] {strides = array<i32>} : memref<80x128xf32, #tpu.memory_space<vmem>>, vector<1x16xf32>,
        %get3A_827 = vector.shape_cast %get3A_826 : vector<1x16xf32> to vector<16xf32>
        %mul3A_828 = arith.mulf %get3A_827, %broadcast_in_dim3A_749 : vector<16xf32>
        %swap3A_829 = arith.index_cast %add3A_753 : i32 to index
        %swap3A_830 = arith.constant 112 : index
        %swap3A_831 = tpu.vector_load %arg13[%swap3A_829, %swap3A_830] {strides = array<i32>} : memref<80x128xf32, #tpu.memory_space<vmem>>, vector<1x16xf32>,
        %swap3A_832 = vector.shape_cast %swap3A_831 : vector<1x16xf32> to vector<16xf32>
        %swap3A_833 = vector.shape_cast %mul3A_828 : vector<16xf32> to vector<1x16xf32>
        tpu.vector_store %arg13[%swap3A_829, %swap3A_830], %swap3A_833 {strides = array<i32>} : memref<80x128xf32, #tpu.memory_space<vmem>>, vector<1x16xf32>,
        %slice3A_834 = vector.extract_strided_slice %get3A_139 {offsets = [8], sizes = [1], strides = [1]} : vector<16xf32> to vector<1xf32>
        %squeeze3A_835 = vector.extract %slice3A_834[0] : f32 from vector<1xf32>
        %broadcast_in_dim3A_836 = vector.broadcast %squeeze3A_835 : f32 to vector<16xf32>
        %mul3A_837 = arith.constant 16 : i32
        %mul3A_838 = arith.muli %scan3A_134, %mul3A_837 : i32
        %add3A_839 = arith.constant 8 : i32
        %add3A_840 = arith.addi %mul3A_838, %add3A_839 : i32
        %get3A_841 = arith.index_cast %add3A_840 : i32 to index
        %get3A_842 = arith.constant 0 : index
        %get3A_843 = tpu.vector_load %arg13[%get3A_841, %get3A_842] {strides = array<i32>} : memref<80x128xf32, #tpu.memory_space<vmem>>, vector<1x16xf32>,
        %get3A_844 = vector.shape_cast %get3A_843 : vector<1x16xf32> to vector<16xf32>
        %mul3A_845 = arith.mulf %get3A_844, %broadcast_in_dim3A_836 : vector<16xf32>
        %swap3A_846 = arith.index_cast %add3A_840 : i32 to index
        %swap3A_847 = arith.constant 0 : index
        %swap3A_848 = tpu.vector_load %arg13[%swap3A_846, %swap3A_847] {strides = array<i32>} : memref<80x128xf32, #tpu.memory_space<vmem>>, vector<1x16xf32>,
        %swap3A_849 = vector.shape_cast %swap3A_848 : vector<1x16xf32> to vector<16xf32>
        %swap3A_850 = vector.shape_cast %mul3A_845 : vector<16xf32> to vector<1x16xf32>
        tpu.vector_store %arg13[%swap3A_846, %swap3A_847], %swap3A_850 {strides = array<i32>} : memref<80x128xf32, #tpu.memory_space<vmem>>, vector<1x16xf32>,
        %get3A_851 = arith.index_cast %add3A_840 : i32 to index
        %get3A_852 = arith.constant 16 : index
        %get3A_853 = tpu.vector_load %arg13[%get3A_851, %get3A_852] {strides = array<i32>} : memref<80x128xf32, #tpu.memory_space<vmem>>, vector<1x16xf32>,
        %get3A_854 = vector.shape_cast %get3A_853 : vector<1x16xf32> to vector<16xf32>
        %mul3A_855 = arith.mulf %get3A_854, %broadcast_in_dim3A_836 : vector<16xf32>
        %swap3A_856 = arith.index_cast %add3A_840 : i32 to index
        %swap3A_857 = arith.constant 16 : index
        %swap3A_858 = tpu.vector_load %arg13[%swap3A_856, %swap3A_857] {strides = array<i32>} : memref<80x128xf32, #tpu.memory_space<vmem>>, vector<1x16xf32>,
        %swap3A_859 = vector.shape_cast %swap3A_858 : vector<1x16xf32> to vector<16xf32>
        %swap3A_860 = vector.shape_cast %mul3A_855 : vector<16xf32> to vector<1x16xf32>
        tpu.vector_store %arg13[%swap3A_856, %swap3A_857], %swap3A_860 {strides = array<i32>} : memref<80x128xf32, #tpu.memory_space<vmem>>, vector<1x16xf32>,
        %get3A_861 = arith.index_cast %add3A_840 : i32 to index
        %get3A_862 = arith.constant 32 : index
        %get3A_863 = tpu.vector_load %arg13[%get3A_861, %get3A_862] {strides = array<i32>} : memref<80x128xf32, #tpu.memory_space<vmem>>, vector<1x16xf32>,
        %get3A_864 = vector.shape_cast %get3A_863 : vector<1x16xf32> to vector<16xf32>
        %mul3A_865 = arith.mulf %get3A_864, %broadcast_in_dim3A_836 : vector<16xf32>
        %swap3A_866 = arith.index_cast %add3A_840 : i32 to index
        %swap3A_867 = arith.constant 32 : index
        %swap3A_868 = tpu.vector_load %arg13[%swap3A_866, %swap3A_867] {strides = array<i32>} : memref<80x128xf32, #tpu.memory_space<vmem>>, vector<1x16xf32>,
        %swap3A_869 = vector.shape_cast %swap3A_868 : vector<1x16xf32> to vector<16xf32>
        %swap3A_870 = vector.shape_cast %mul3A_865 : vector<16xf32> to vector<1x16xf32>
        tpu.vector_store %arg13[%swap3A_866, %swap3A_867], %swap3A_870 {strides = array<i32>} : memref<80x128xf32, #tpu.memory_space<vmem>>, vector<1x16xf32>,
        %get3A_871 = arith.index_cast %add3A_840 : i32 to index
        %get3A_872 = arith.constant 48 : index
        %get3A_873 = tpu.vector_load %arg13[%get3A_871, %get3A_872] {strides = array<i32>} : memref<80x128xf32, #tpu.memory_space<vmem>>, vector<1x16xf32>,
        %get3A_874 = vector.shape_cast %get3A_873 : vector<1x16xf32> to vector<16xf32>
        %mul3A_875 = arith.mulf %get3A_874, %broadcast_in_dim3A_836 : vector<16xf32>
        %swap3A_876 = arith.index_cast %add3A_840 : i32 to index
        %swap3A_877 = arith.constant 48 : index
        %swap3A_878 = tpu.vector_load %arg13[%swap3A_876, %swap3A_877] {strides = array<i32>} : memref<80x128xf32, #tpu.memory_space<vmem>>, vector<1x16xf32>,
        %swap3A_879 = vector.shape_cast %swap3A_878 : vector<1x16xf32> to vector<16xf32>
        %swap3A_880 = vector.shape_cast %mul3A_875 : vector<16xf32> to vector<1x16xf32>
        tpu.vector_store %arg13[%swap3A_876, %swap3A_877], %swap3A_880 {strides = array<i32>} : memref<80x128xf32, #tpu.memory_space<vmem>>, vector<1x16xf32>,
        %get3A_881 = arith.index_cast %add3A_840 : i32 to index
        %get3A_882 = arith.constant 64 : index
        %get3A_883 = tpu.vector_load %arg13[%get3A_881, %get3A_882] {strides = array<i32>} : memref<80x128xf32, #tpu.memory_space<vmem>>, vector<1x16xf32>,
        %get3A_884 = vector.shape_cast %get3A_883 : vector<1x16xf32> to vector<16xf32>
        %mul3A_885 = arith.mulf %get3A_884, %broadcast_in_dim3A_836 : vector<16xf32>
        %swap3A_886 = arith.index_cast %add3A_840 : i32 to index
        %swap3A_887 = arith.constant 64 : index
        %swap3A_888 = tpu.vector_load %arg13[%swap3A_886, %swap3A_887] {strides = array<i32>} : memref<80x128xf32, #tpu.memory_space<vmem>>, vector<1x16xf32>,
        %swap3A_889 = vector.shape_cast %swap3A_888 : vector<1x16xf32> to vector<16xf32>
        %swap3A_890 = vector.shape_cast %mul3A_885 : vector<16xf32> to vector<1x16xf32>
        tpu.vector_store %arg13[%swap3A_886, %swap3A_887], %swap3A_890 {strides = array<i32>} : memref<80x128xf32, #tpu.memory_space<vmem>>, vector<1x16xf32>,
        %get3A_891 = arith.index_cast %add3A_840 : i32 to index
        %get3A_892 = arith.constant 80 : index
        %get3A_893 = tpu.vector_load %arg13[%get3A_891, %get3A_892] {strides = array<i32>} : memref<80x128xf32, #tpu.memory_space<vmem>>, vector<1x16xf32>,
        %get3A_894 = vector.shape_cast %get3A_893 : vector<1x16xf32> to vector<16xf32>
        %mul3A_895 = arith.mulf %get3A_894, %broadcast_in_dim3A_836 : vector<16xf32>
        %swap3A_896 = arith.index_cast %add3A_840 : i32 to index
        %swap3A_897 = arith.constant 80 : index
        %swap3A_898 = tpu.vector_load %arg13[%swap3A_896, %swap3A_897] {strides = array<i32>} : memref<80x128xf32, #tpu.memory_space<vmem>>, vector<1x16xf32>,
        %swap3A_899 = vector.shape_cast %swap3A_898 : vector<1x16xf32> to vector<16xf32>
        %swap3A_900 = vector.shape_cast %mul3A_895 : vector<16xf32> to vector<1x16xf32>
        tpu.vector_store %arg13[%swap3A_896, %swap3A_897], %swap3A_900 {strides = array<i32>} : memref<80x128xf32, #tpu.memory_space<vmem>>, vector<1x16xf32>,
        %get3A_901 = arith.index_cast %add3A_840 : i32 to index
        %get3A_902 = arith.constant 96 : index
        %get3A_903 = tpu.vector_load %arg13[%get3A_901, %get3A_902] {strides = array<i32>} : memref<80x128xf32, #tpu.memory_space<vmem>>, vector<1x16xf32>,
        %get3A_904 = vector.shape_cast %get3A_903 : vector<1x16xf32> to vector<16xf32>
        %mul3A_905 = arith.mulf %get3A_904, %broadcast_in_dim3A_836 : vector<16xf32>
        %swap3A_906 = arith.index_cast %add3A_840 : i32 to index
        %swap3A_907 = arith.constant 96 : index
        %swap3A_908 = tpu.vector_load %arg13[%swap3A_906, %swap3A_907] {strides = array<i32>} : memref<80x128xf32, #tpu.memory_space<vmem>>, vector<1x16xf32>,
        %swap3A_909 = vector.shape_cast %swap3A_908 : vector<1x16xf32> to vector<16xf32>
        %swap3A_910 = vector.shape_cast %mul3A_905 : vector<16xf32> to vector<1x16xf32>
        tpu.vector_store %arg13[%swap3A_906, %swap3A_907], %swap3A_910 {strides = array<i32>} : memref<80x128xf32, #tpu.memory_space<vmem>>, vector<1x16xf32>,
        %get3A_911 = arith.index_cast %add3A_840 : i32 to index
        %get3A_912 = arith.constant 112 : index
        %get3A_913 = tpu.vector_load %arg13[%get3A_911, %get3A_912] {strides = array<i32>} : memref<80x128xf32, #tpu.memory_space<vmem>>, vector<1x16xf32>,
        %get3A_914 = vector.shape_cast %get3A_913 : vector<1x16xf32> to vector<16xf32>
        %mul3A_915 = arith.mulf %get3A_914, %broadcast_in_dim3A_836 : vector<16xf32>
        %swap3A_916 = arith.index_cast %add3A_840 : i32 to index
        %swap3A_917 = arith.constant 112 : index
        %swap3A_918 = tpu.vector_load %arg13[%swap3A_916, %swap3A_917] {strides = array<i32>} : memref<80x128xf32, #tpu.memory_space<vmem>>, vector<1x16xf32>,
        %swap3A_919 = vector.shape_cast %swap3A_918 : vector<1x16xf32> to vector<16xf32>
        %swap3A_920 = vector.shape_cast %mul3A_915 : vector<16xf32> to vector<1x16xf32>
        tpu.vector_store %arg13[%swap3A_916, %swap3A_917], %swap3A_920 {strides = array<i32>} : memref<80x128xf32, #tpu.memory_space<vmem>>, vector<1x16xf32>,
        %slice3A_921 = vector.extract_strided_slice %get3A_139 {offsets = [9], sizes = [1], strides = [1]} : vector<16xf32> to vector<1xf32>
        %squeeze3A_922 = vector.extract %slice3A_921[0] : f32 from vector<1xf32>
        %broadcast_in_dim3A_923 = vector.broadcast %squeeze3A_922 : f32 to vector<16xf32>
        %mul3A_924 = arith.constant 16 : i32
        %mul3A_925 = arith.muli %scan3A_134, %mul3A_924 : i32
        %add3A_926 = arith.constant 9 : i32
        %add3A_927 = arith.addi %mul3A_925, %add3A_926 : i32
        %get3A_928 = arith.index_cast %add3A_927 : i32 to index
        %get3A_929 = arith.constant 0 : index
        %get3A_930 = tpu.vector_load %arg13[%get3A_928, %get3A_929] {strides = array<i32>} : memref<80x128xf32, #tpu.memory_space<vmem>>, vector<1x16xf32>,
        %get3A_931 = vector.shape_cast %get3A_930 : vector<1x16xf32> to vector<16xf32>
        %mul3A_932 = arith.mulf %get3A_931, %broadcast_in_dim3A_923 : vector<16xf32>
        %swap3A_933 = arith.index_cast %add3A_927 : i32 to index
        %swap3A_934 = arith.constant 0 : index
        %swap3A_935 = tpu.vector_load %arg13[%swap3A_933, %swap3A_934] {strides = array<i32>} : memref<80x128xf32, #tpu.memory_space<vmem>>, vector<1x16xf32>,
        %swap3A_936 = vector.shape_cast %swap3A_935 : vector<1x16xf32> to vector<16xf32>
        %swap3A_937 = vector.shape_cast %mul3A_932 : vector<16xf32> to vector<1x16xf32>
        tpu.vector_store %arg13[%swap3A_933, %swap3A_934], %swap3A_937 {strides = array<i32>} : memref<80x128xf32, #tpu.memory_space<vmem>>, vector<1x16xf32>,
        %get3A_938 = arith.index_cast %add3A_927 : i32 to index
        %get3A_939 = arith.constant 16 : index
        %get3A_940 = tpu.vector_load %arg13[%get3A_938, %get3A_939] {strides = array<i32>} : memref<80x128xf32, #tpu.memory_space<vmem>>, vector<1x16xf32>,
        %get3A_941 = vector.shape_cast %get3A_940 : vector<1x16xf32> to vector<16xf32>
        %mul3A_942 = arith.mulf %get3A_941, %broadcast_in_dim3A_923 : vector<16xf32>
        %swap3A_943 = arith.index_cast %add3A_927 : i32 to index
        %swap3A_944 = arith.constant 16 : index
        %swap3A_945 = tpu.vector_load %arg13[%swap3A_943, %swap3A_944] {strides = array<i32>} : memref<80x128xf32, #tpu.memory_space<vmem>>, vector<1x16xf32>,
        %swap3A_946 = vector.shape_cast %swap3A_945 : vector<1x16xf32> to vector<16xf32>
        %swap3A_947 = vector.shape_cast %mul3A_942 : vector<16xf32> to vector<1x16xf32>
        tpu.vector_store %arg13[%swap3A_943, %swap3A_944], %swap3A_947 {strides = array<i32>} : memref<80x128xf32, #tpu.memory_space<vmem>>, vector<1x16xf32>,
        %get3A_948 = arith.index_cast %add3A_927 : i32 to index
        %get3A_949 = arith.constant 32 : index
        %get3A_950 = tpu.vector_load %arg13[%get3A_948, %get3A_949] {strides = array<i32>} : memref<80x128xf32, #tpu.memory_space<vmem>>, vector<1x16xf32>,
        %get3A_951 = vector.shape_cast %get3A_950 : vector<1x16xf32> to vector<16xf32>
        %mul3A_952 = arith.mulf %get3A_951, %broadcast_in_dim3A_923 : vector<16xf32>
        %swap3A_953 = arith.index_cast %add3A_927 : i32 to index
        %swap3A_954 = arith.constant 32 : index
        %swap3A_955 = tpu.vector_load %arg13[%swap3A_953, %swap3A_954] {strides = array<i32>} : memref<80x128xf32, #tpu.memory_space<vmem>>, vector<1x16xf32>,
        %swap3A_956 = vector.shape_cast %swap3A_955 : vector<1x16xf32> to vector<16xf32>
        %swap3A_957 = vector.shape_cast %mul3A_952 : vector<16xf32> to vector<1x16xf32>
        tpu.vector_store %arg13[%swap3A_953, %swap3A_954], %swap3A_957 {strides = array<i32>} : memref<80x128xf32, #tpu.memory_space<vmem>>, vector<1x16xf32>,
        %get3A_958 = arith.index_cast %add3A_927 : i32 to index
        %get3A_959 = arith.constant 48 : index
        %get3A_960 = tpu.vector_load %arg13[%get3A_958, %get3A_959] {strides = array<i32>} : memref<80x128xf32, #tpu.memory_space<vmem>>, vector<1x16xf32>,
        %get3A_961 = vector.shape_cast %get3A_960 : vector<1x16xf32> to vector<16xf32>
        %mul3A_962 = arith.mulf %get3A_961, %broadcast_in_dim3A_923 : vector<16xf32>
        %swap3A_963 = arith.index_cast %add3A_927 : i32 to index
        %swap3A_964 = arith.constant 48 : index
        %swap3A_965 = tpu.vector_load %arg13[%swap3A_963, %swap3A_964] {strides = array<i32>} : memref<80x128xf32, #tpu.memory_space<vmem>>, vector<1x16xf32>,
        %swap3A_966 = vector.shape_cast %swap3A_965 : vector<1x16xf32> to vector<16xf32>
        %swap3A_967 = vector.shape_cast %mul3A_962 : vector<16xf32> to vector<1x16xf32>
        tpu.vector_store %arg13[%swap3A_963, %swap3A_964], %swap3A_967 {strides = array<i32>} : memref<80x128xf32, #tpu.memory_space<vmem>>, vector<1x16xf32>,
        %get3A_968 = arith.index_cast %add3A_927 : i32 to index
        %get3A_969 = arith.constant 64 : index
        %get3A_970 = tpu.vector_load %arg13[%get3A_968, %get3A_969] {strides = array<i32>} : memref<80x128xf32, #tpu.memory_space<vmem>>, vector<1x16xf32>,
        %get3A_971 = vector.shape_cast %get3A_970 : vector<1x16xf32> to vector<16xf32>
        %mul3A_972 = arith.mulf %get3A_971, %broadcast_in_dim3A_923 : vector<16xf32>
        %swap3A_973 = arith.index_cast %add3A_927 : i32 to index
        %swap3A_974 = arith.constant 64 : index
        %swap3A_975 = tpu.vector_load %arg13[%swap3A_973, %swap3A_974] {strides = array<i32>} : memref<80x128xf32, #tpu.memory_space<vmem>>, vector<1x16xf32>,
        %swap3A_976 = vector.shape_cast %swap3A_975 : vector<1x16xf32> to vector<16xf32>
        %swap3A_977 = vector.shape_cast %mul3A_972 : vector<16xf32> to vector<1x16xf32>
        tpu.vector_store %arg13[%swap3A_973, %swap3A_974], %swap3A_977 {strides = array<i32>} : memref<80x128xf32, #tpu.memory_space<vmem>>, vector<1x16xf32>,
        %get3A_978 = arith.index_cast %add3A_927 : i32 to index
        %get3A_979 = arith.constant 80 : index
        %get3A_980 = tpu.vector_load %arg13[%get3A_978, %get3A_979] {strides = array<i32>} : memref<80x128xf32, #tpu.memory_space<vmem>>, vector<1x16xf32>,
        %get3A_981 = vector.shape_cast %get3A_980 : vector<1x16xf32> to vector<16xf32>
        %mul3A_982 = arith.mulf %get3A_981, %broadcast_in_dim3A_923 : vector<16xf32>
        %swap3A_983 = arith.index_cast %add3A_927 : i32 to index
        %swap3A_984 = arith.constant 80 : index
        %swap3A_985 = tpu.vector_load %arg13[%swap3A_983, %swap3A_984] {strides = array<i32>} : memref<80x128xf32, #tpu.memory_space<vmem>>, vector<1x16xf32>,
        %swap3A_986 = vector.shape_cast %swap3A_985 : vector<1x16xf32> to vector<16xf32>
        %swap3A_987 = vector.shape_cast %mul3A_982 : vector<16xf32> to vector<1x16xf32>
        tpu.vector_store %arg13[%swap3A_983, %swap3A_984], %swap3A_987 {strides = array<i32>} : memref<80x128xf32, #tpu.memory_space<vmem>>, vector<1x16xf32>,
        %get3A_988 = arith.index_cast %add3A_927 : i32 to index
        %get3A_989 = arith.constant 96 : index
        %get3A_990 = tpu.vector_load %arg13[%get3A_988, %get3A_989] {strides = array<i32>} : memref<80x128xf32, #tpu.memory_space<vmem>>, vector<1x16xf32>,
        %get3A_991 = vector.shape_cast %get3A_990 : vector<1x16xf32> to vector<16xf32>
        %mul3A_992 = arith.mulf %get3A_991, %broadcast_in_dim3A_923 : vector<16xf32>
        %swap3A_993 = arith.index_cast %add3A_927 : i32 to index
        %swap3A_994 = arith.constant 96 : index
        %swap3A_995 = tpu.vector_load %arg13[%swap3A_993, %swap3A_994] {strides = array<i32>} : memref<80x128xf32, #tpu.memory_space<vmem>>, vector<1x16xf32>,
        %swap3A_996 = vector.shape_cast %swap3A_995 : vector<1x16xf32> to vector<16xf32>
        %swap3A_997 = vector.shape_cast %mul3A_992 : vector<16xf32> to vector<1x16xf32>
        tpu.vector_store %arg13[%swap3A_993, %swap3A_994], %swap3A_997 {strides = array<i32>} : memref<80x128xf32, #tpu.memory_space<vmem>>, vector<1x16xf32>,
        %get3A_998 = arith.index_cast %add3A_927 : i32 to index
        %get3A_999 = arith.constant 112 : index
        %get3A_1000 = tpu.vector_load %arg13[%get3A_998, %get3A_999] {strides = array<i32>} : memref<80x128xf32, #tpu.memory_space<vmem>>, vector<1x16xf32>,
        %get3A_1001 = vector.shape_cast %get3A_1000 : vector<1x16xf32> to vector<16xf32>
        %mul3A_1002 = arith.mulf %get3A_1001, %broadcast_in_dim3A_923 : vector<16xf32>
        %swap3A_1003 = arith.index_cast %add3A_927 : i32 to index
        %swap3A_1004 = arith.constant 112 : index
        %swap3A_1005 = tpu.vector_load %arg13[%swap3A_1003, %swap3A_1004] {strides = array<i32>} : memref<80x128xf32, #tpu.memory_space<vmem>>, vector<1x16xf32>,
        %swap3A_1006 = vector.shape_cast %swap3A_1005 : vector<1x16xf32> to vector<16xf32>
        %swap3A_1007 = vector.shape_cast %mul3A_1002 : vector<16xf32> to vector<1x16xf32>
        tpu.vector_store %arg13[%swap3A_1003, %swap3A_1004], %swap3A_1007 {strides = array<i32>} : memref<80x128xf32, #tpu.memory_space<vmem>>, vector<1x16xf32>,
        %slice3A_1008 = vector.extract_strided_slice %get3A_139 {offsets = [10], sizes = [1], strides = [1]} : vector<16xf32> to vector<1xf32>
        %squeeze3A_1009 = vector.extract %slice3A_1008[0] : f32 from vector<1xf32>
        %broadcast_in_dim3A_1010 = vector.broadcast %squeeze3A_1009 : f32 to vector<16xf32>
        %mul3A_1011 = arith.constant 16 : i32
        %mul3A_1012 = arith.muli %scan3A_134, %mul3A_1011 : i32
        %add3A_1013 = arith.constant 10 : i32
        %add3A_1014 = arith.addi %mul3A_1012, %add3A_1013 : i32
        %get3A_1015 = arith.index_cast %add3A_1014 : i32 to index
        %get3A_1016 = arith.constant 0 : index
        %get3A_1017 = tpu.vector_load %arg13[%get3A_1015, %get3A_1016] {strides = array<i32>} : memref<80x128xf32, #tpu.memory_space<vmem>>, vector<1x16xf32>,
        %get3A_1018 = vector.shape_cast %get3A_1017 : vector<1x16xf32> to vector<16xf32>
        %mul3A_1019 = arith.mulf %get3A_1018, %broadcast_in_dim3A_1010 : vector<16xf32>
        %swap3A_1020 = arith.index_cast %add3A_1014 : i32 to index
        %swap3A_1021 = arith.constant 0 : index
        %swap3A_1022 = tpu.vector_load %arg13[%swap3A_1020, %swap3A_1021] {strides = array<i32>} : memref<80x128xf32, #tpu.memory_space<vmem>>, vector<1x16xf32>,
        %swap3A_1023 = vector.shape_cast %swap3A_1022 : vector<1x16xf32> to vector<16xf32>
        %swap3A_1024 = vector.shape_cast %mul3A_1019 : vector<16xf32> to vector<1x16xf32>
        tpu.vector_store %arg13[%swap3A_1020, %swap3A_1021], %swap3A_1024 {strides = array<i32>} : memref<80x128xf32, #tpu.memory_space<vmem>>, vector<1x16xf32>,
        %get3A_1025 = arith.index_cast %add3A_1014 : i32 to index
        %get3A_1026 = arith.constant 16 : index
        %get3A_1027 = tpu.vector_load %arg13[%get3A_1025, %get3A_1026] {strides = array<i32>} : memref<80x128xf32, #tpu.memory_space<vmem>>, vector<1x16xf32>,
        %get3A_1028 = vector.shape_cast %get3A_1027 : vector<1x16xf32> to vector<16xf32>
        %mul3A_1029 = arith.mulf %get3A_1028, %broadcast_in_dim3A_1010 : vector<16xf32>
        %swap3A_1030 = arith.index_cast %add3A_1014 : i32 to index
        %swap3A_1031 = arith.constant 16 : index
        %swap3A_1032 = tpu.vector_load %arg13[%swap3A_1030, %swap3A_1031] {strides = array<i32>} : memref<80x128xf32, #tpu.memory_space<vmem>>, vector<1x16xf32>,
        %swap3A_1033 = vector.shape_cast %swap3A_1032 : vector<1x16xf32> to vector<16xf32>
        %swap3A_1034 = vector.shape_cast %mul3A_1029 : vector<16xf32> to vector<1x16xf32>
        tpu.vector_store %arg13[%swap3A_1030, %swap3A_1031], %swap3A_1034 {strides = array<i32>} : memref<80x128xf32, #tpu.memory_space<vmem>>, vector<1x16xf32>,
        %get3A_1035 = arith.index_cast %add3A_1014 : i32 to index
        %get3A_1036 = arith.constant 32 : index
        %get3A_1037 = tpu.vector_load %arg13[%get3A_1035, %get3A_1036] {strides = array<i32>} : memref<80x128xf32, #tpu.memory_space<vmem>>, vector<1x16xf32>,
        %get3A_1038 = vector.shape_cast %get3A_1037 : vector<1x16xf32> to vector<16xf32>
        %mul3A_1039 = arith.mulf %get3A_1038, %broadcast_in_dim3A_1010 : vector<16xf32>
        %swap3A_1040 = arith.index_cast %add3A_1014 : i32 to index
        %swap3A_1041 = arith.constant 32 : index
        %swap3A_1042 = tpu.vector_load %arg13[%swap3A_1040, %swap3A_1041] {strides = array<i32>} : memref<80x128xf32, #tpu.memory_space<vmem>>, vector<1x16xf32>,
        %swap3A_1043 = vector.shape_cast %swap3A_1042 : vector<1x16xf32> to vector<16xf32>
        %swap3A_1044 = vector.shape_cast %mul3A_1039 : vector<16xf32> to vector<1x16xf32>
        tpu.vector_store %arg13[%swap3A_1040, %swap3A_1041], %swap3A_1044 {strides = array<i32>} : memref<80x128xf32, #tpu.memory_space<vmem>>, vector<1x16xf32>,
        %get3A_1045 = arith.index_cast %add3A_1014 : i32 to index
        %get3A_1046 = arith.constant 48 : index
        %get3A_1047 = tpu.vector_load %arg13[%get3A_1045, %get3A_1046] {strides = array<i32>} : memref<80x128xf32, #tpu.memory_space<vmem>>, vector<1x16xf32>,
        %get3A_1048 = vector.shape_cast %get3A_1047 : vector<1x16xf32> to vector<16xf32>
        %mul3A_1049 = arith.mulf %get3A_1048, %broadcast_in_dim3A_1010 : vector<16xf32>
        %swap3A_1050 = arith.index_cast %add3A_1014 : i32 to index
        %swap3A_1051 = arith.constant 48 : index
        %swap3A_1052 = tpu.vector_load %arg13[%swap3A_1050, %swap3A_1051] {strides = array<i32>} : memref<80x128xf32, #tpu.memory_space<vmem>>, vector<1x16xf32>,
        %swap3A_1053 = vector.shape_cast %swap3A_1052 : vector<1x16xf32> to vector<16xf32>
        %swap3A_1054 = vector.shape_cast %mul3A_1049 : vector<16xf32> to vector<1x16xf32>
        tpu.vector_store %arg13[%swap3A_1050, %swap3A_1051], %swap3A_1054 {strides = array<i32>} : memref<80x128xf32, #tpu.memory_space<vmem>>, vector<1x16xf32>,
        %get3A_1055 = arith.index_cast %add3A_1014 : i32 to index
        %get3A_1056 = arith.constant 64 : index
        %get3A_1057 = tpu.vector_load %arg13[%get3A_1055, %get3A_1056] {strides = array<i32>} : memref<80x128xf32, #tpu.memory_space<vmem>>, vector<1x16xf32>,
        %get3A_1058 = vector.shape_cast %get3A_1057 : vector<1x16xf32> to vector<16xf32>
        %mul3A_1059 = arith.mulf %get3A_1058, %broadcast_in_dim3A_1010 : vector<16xf32>
        %swap3A_1060 = arith.index_cast %add3A_1014 : i32 to index
        %swap3A_1061 = arith.constant 64 : index
        %swap3A_1062 = tpu.vector_load %arg13[%swap3A_1060, %swap3A_1061] {strides = array<i32>} : memref<80x128xf32, #tpu.memory_space<vmem>>, vector<1x16xf32>,
        %swap3A_1063 = vector.shape_cast %swap3A_1062 : vector<1x16xf32> to vector<16xf32>
        %swap3A_1064 = vector.shape_cast %mul3A_1059 : vector<16xf32> to vector<1x16xf32>
        tpu.vector_store %arg13[%swap3A_1060, %swap3A_1061], %swap3A_1064 {strides = array<i32>} : memref<80x128xf32, #tpu.memory_space<vmem>>, vector<1x16xf32>,
        %get3A_1065 = arith.index_cast %add3A_1014 : i32 to index
        %get3A_1066 = arith.constant 80 : index
        %get3A_1067 = tpu.vector_load %arg13[%get3A_1065, %get3A_1066] {strides = array<i32>} : memref<80x128xf32, #tpu.memory_space<vmem>>, vector<1x16xf32>,
        %get3A_1068 = vector.shape_cast %get3A_1067 : vector<1x16xf32> to vector<16xf32>
        %mul3A_1069 = arith.mulf %get3A_1068, %broadcast_in_dim3A_1010 : vector<16xf32>
        %swap3A_1070 = arith.index_cast %add3A_1014 : i32 to index
        %swap3A_1071 = arith.constant 80 : index
        %swap3A_1072 = tpu.vector_load %arg13[%swap3A_1070, %swap3A_1071] {strides = array<i32>} : memref<80x128xf32, #tpu.memory_space<vmem>>, vector<1x16xf32>,
        %swap3A_1073 = vector.shape_cast %swap3A_1072 : vector<1x16xf32> to vector<16xf32>
        %swap3A_1074 = vector.shape_cast %mul3A_1069 : vector<16xf32> to vector<1x16xf32>
        tpu.vector_store %arg13[%swap3A_1070, %swap3A_1071], %swap3A_1074 {strides = array<i32>} : memref<80x128xf32, #tpu.memory_space<vmem>>, vector<1x16xf32>,
        %get3A_1075 = arith.index_cast %add3A_1014 : i32 to index
        %get3A_1076 = arith.constant 96 : index
        %get3A_1077 = tpu.vector_load %arg13[%get3A_1075, %get3A_1076] {strides = array<i32>} : memref<80x128xf32, #tpu.memory_space<vmem>>, vector<1x16xf32>,
        %get3A_1078 = vector.shape_cast %get3A_1077 : vector<1x16xf32> to vector<16xf32>
        %mul3A_1079 = arith.mulf %get3A_1078, %broadcast_in_dim3A_1010 : vector<16xf32>
        %swap3A_1080 = arith.index_cast %add3A_1014 : i32 to index
        %swap3A_1081 = arith.constant 96 : index
        %swap3A_1082 = tpu.vector_load %arg13[%swap3A_1080, %swap3A_1081] {strides = array<i32>} : memref<80x128xf32, #tpu.memory_space<vmem>>, vector<1x16xf32>,
        %swap3A_1083 = vector.shape_cast %swap3A_1082 : vector<1x16xf32> to vector<16xf32>
        %swap3A_1084 = vector.shape_cast %mul3A_1079 : vector<16xf32> to vector<1x16xf32>
        tpu.vector_store %arg13[%swap3A_1080, %swap3A_1081], %swap3A_1084 {strides = array<i32>} : memref<80x128xf32, #tpu.memory_space<vmem>>, vector<1x16xf32>,
        %get3A_1085 = arith.index_cast %add3A_1014 : i32 to index
        %get3A_1086 = arith.constant 112 : index
        %get3A_1087 = tpu.vector_load %arg13[%get3A_1085, %get3A_1086] {strides = array<i32>} : memref<80x128xf32, #tpu.memory_space<vmem>>, vector<1x16xf32>,
        %get3A_1088 = vector.shape_cast %get3A_1087 : vector<1x16xf32> to vector<16xf32>
        %mul3A_1089 = arith.mulf %get3A_1088, %broadcast_in_dim3A_1010 : vector<16xf32>
        %swap3A_1090 = arith.index_cast %add3A_1014 : i32 to index
        %swap3A_1091 = arith.constant 112 : index
        %swap3A_1092 = tpu.vector_load %arg13[%swap3A_1090, %swap3A_1091] {strides = array<i32>} : memref<80x128xf32, #tpu.memory_space<vmem>>, vector<1x16xf32>,
        %swap3A_1093 = vector.shape_cast %swap3A_1092 : vector<1x16xf32> to vector<16xf32>
        %swap3A_1094 = vector.shape_cast %mul3A_1089 : vector<16xf32> to vector<1x16xf32>
        tpu.vector_store %arg13[%swap3A_1090, %swap3A_1091], %swap3A_1094 {strides = array<i32>} : memref<80x128xf32, #tpu.memory_space<vmem>>, vector<1x16xf32>,
        %slice3A_1095 = vector.extract_strided_slice %get3A_139 {offsets = [11], sizes = [1], strides = [1]} : vector<16xf32> to vector<1xf32>
        %squeeze3A_1096 = vector.extract %slice3A_1095[0] : f32 from vector<1xf32>
        %broadcast_in_dim3A_1097 = vector.broadcast %squeeze3A_1096 : f32 to vector<16xf32>
        %mul3A_1098 = arith.constant 16 : i32
        %mul3A_1099 = arith.muli %scan3A_134, %mul3A_1098 : i32
        %add3A_1100 = arith.constant 11 : i32
        %add3A_1101 = arith.addi %mul3A_1099, %add3A_1100 : i32
        %get3A_1102 = arith.index_cast %add3A_1101 : i32 to index
        %get3A_1103 = arith.constant 0 : index
        %get3A_1104 = tpu.vector_load %arg13[%get3A_1102, %get3A_1103] {strides = array<i32>} : memref<80x128xf32, #tpu.memory_space<vmem>>, vector<1x16xf32>,
        %get3A_1105 = vector.shape_cast %get3A_1104 : vector<1x16xf32> to vector<16xf32>
        %mul3A_1106 = arith.mulf %get3A_1105, %broadcast_in_dim3A_1097 : vector<16xf32>
        %swap3A_1107 = arith.index_cast %add3A_1101 : i32 to index
        %swap3A_1108 = arith.constant 0 : index
        %swap3A_1109 = tpu.vector_load %arg13[%swap3A_1107, %swap3A_1108] {strides = array<i32>} : memref<80x128xf32, #tpu.memory_space<vmem>>, vector<1x16xf32>,
        %swap3A_1110 = vector.shape_cast %swap3A_1109 : vector<1x16xf32> to vector<16xf32>
        %swap3A_1111 = vector.shape_cast %mul3A_1106 : vector<16xf32> to vector<1x16xf32>
        tpu.vector_store %arg13[%swap3A_1107, %swap3A_1108], %swap3A_1111 {strides = array<i32>} : memref<80x128xf32, #tpu.memory_space<vmem>>, vector<1x16xf32>,
        %get3A_1112 = arith.index_cast %add3A_1101 : i32 to index
        %get3A_1113 = arith.constant 16 : index
        %get3A_1114 = tpu.vector_load %arg13[%get3A_1112, %get3A_1113] {strides = array<i32>} : memref<80x128xf32, #tpu.memory_space<vmem>>, vector<1x16xf32>,
        %get3A_1115 = vector.shape_cast %get3A_1114 : vector<1x16xf32> to vector<16xf32>
        %mul3A_1116 = arith.mulf %get3A_1115, %broadcast_in_dim3A_1097 : vector<16xf32>
        %swap3A_1117 = arith.index_cast %add3A_1101 : i32 to index
        %swap3A_1118 = arith.constant 16 : index
        %swap3A_1119 = tpu.vector_load %arg13[%swap3A_1117, %swap3A_1118] {strides = array<i32>} : memref<80x128xf32, #tpu.memory_space<vmem>>, vector<1x16xf32>,
        %swap3A_1120 = vector.shape_cast %swap3A_1119 : vector<1x16xf32> to vector<16xf32>
        %swap3A_1121 = vector.shape_cast %mul3A_1116 : vector<16xf32> to vector<1x16xf32>
        tpu.vector_store %arg13[%swap3A_1117, %swap3A_1118], %swap3A_1121 {strides = array<i32>} : memref<80x128xf32, #tpu.memory_space<vmem>>, vector<1x16xf32>,
        %get3A_1122 = arith.index_cast %add3A_1101 : i32 to index
        %get3A_1123 = arith.constant 32 : index
        %get3A_1124 = tpu.vector_load %arg13[%get3A_1122, %get3A_1123] {strides = array<i32>} : memref<80x128xf32, #tpu.memory_space<vmem>>, vector<1x16xf32>,
        %get3A_1125 = vector.shape_cast %get3A_1124 : vector<1x16xf32> to vector<16xf32>
        %mul3A_1126 = arith.mulf %get3A_1125, %broadcast_in_dim3A_1097 : vector<16xf32>
        %swap3A_1127 = arith.index_cast %add3A_1101 : i32 to index
        %swap3A_1128 = arith.constant 32 : index
        %swap3A_1129 = tpu.vector_load %arg13[%swap3A_1127, %swap3A_1128] {strides = array<i32>} : memref<80x128xf32, #tpu.memory_space<vmem>>, vector<1x16xf32>,
        %swap3A_1130 = vector.shape_cast %swap3A_1129 : vector<1x16xf32> to vector<16xf32>
        %swap3A_1131 = vector.shape_cast %mul3A_1126 : vector<16xf32> to vector<1x16xf32>
        tpu.vector_store %arg13[%swap3A_1127, %swap3A_1128], %swap3A_1131 {strides = array<i32>} : memref<80x128xf32, #tpu.memory_space<vmem>>, vector<1x16xf32>,
        %get3A_1132 = arith.index_cast %add3A_1101 : i32 to index
        %get3A_1133 = arith.constant 48 : index
        %get3A_1134 = tpu.vector_load %arg13[%get3A_1132, %get3A_1133] {strides = array<i32>} : memref<80x128xf32, #tpu.memory_space<vmem>>, vector<1x16xf32>,
        %get3A_1135 = vector.shape_cast %get3A_1134 : vector<1x16xf32> to vector<16xf32>
        %mul3A_1136 = arith.mulf %get3A_1135, %broadcast_in_dim3A_1097 : vector<16xf32>
        %swap3A_1137 = arith.index_cast %add3A_1101 : i32 to index
        %swap3A_1138 = arith.constant 48 : index
        %swap3A_1139 = tpu.vector_load %arg13[%swap3A_1137, %swap3A_1138] {strides = array<i32>} : memref<80x128xf32, #tpu.memory_space<vmem>>, vector<1x16xf32>,
        %swap3A_1140 = vector.shape_cast %swap3A_1139 : vector<1x16xf32> to vector<16xf32>
        %swap3A_1141 = vector.shape_cast %mul3A_1136 : vector<16xf32> to vector<1x16xf32>
        tpu.vector_store %arg13[%swap3A_1137, %swap3A_1138], %swap3A_1141 {strides = array<i32>} : memref<80x128xf32, #tpu.memory_space<vmem>>, vector<1x16xf32>,
        %get3A_1142 = arith.index_cast %add3A_1101 : i32 to index
        %get3A_1143 = arith.constant 64 : index
        %get3A_1144 = tpu.vector_load %arg13[%get3A_1142, %get3A_1143] {strides = array<i32>} : memref<80x128xf32, #tpu.memory_space<vmem>>, vector<1x16xf32>,
        %get3A_1145 = vector.shape_cast %get3A_1144 : vector<1x16xf32> to vector<16xf32>
        %mul3A_1146 = arith.mulf %get3A_1145, %broadcast_in_dim3A_1097 : vector<16xf32>
        %swap3A_1147 = arith.index_cast %add3A_1101 : i32 to index
        %swap3A_1148 = arith.constant 64 : index
        %swap3A_1149 = tpu.vector_load %arg13[%swap3A_1147, %swap3A_1148] {strides = array<i32>} : memref<80x128xf32, #tpu.memory_space<vmem>>, vector<1x16xf32>,
        %swap3A_1150 = vector.shape_cast %swap3A_1149 : vector<1x16xf32> to vector<16xf32>
        %swap3A_1151 = vector.shape_cast %mul3A_1146 : vector<16xf32> to vector<1x16xf32>
        tpu.vector_store %arg13[%swap3A_1147, %swap3A_1148], %swap3A_1151 {strides = array<i32>} : memref<80x128xf32, #tpu.memory_space<vmem>>, vector<1x16xf32>,
        %get3A_1152 = arith.index_cast %add3A_1101 : i32 to index
        %get3A_1153 = arith.constant 80 : index
        %get3A_1154 = tpu.vector_load %arg13[%get3A_1152, %get3A_1153] {strides = array<i32>} : memref<80x128xf32, #tpu.memory_space<vmem>>, vector<1x16xf32>,
        %get3A_1155 = vector.shape_cast %get3A_1154 : vector<1x16xf32> to vector<16xf32>
        %mul3A_1156 = arith.mulf %get3A_1155, %broadcast_in_dim3A_1097 : vector<16xf32>
        %swap3A_1157 = arith.index_cast %add3A_1101 : i32 to index
        %swap3A_1158 = arith.constant 80 : index
        %swap3A_1159 = tpu.vector_load %arg13[%swap3A_1157, %swap3A_1158] {strides = array<i32>} : memref<80x128xf32, #tpu.memory_space<vmem>>, vector<1x16xf32>,
        %swap3A_1160 = vector.shape_cast %swap3A_1159 : vector<1x16xf32> to vector<16xf32>
        %swap3A_1161 = vector.shape_cast %mul3A_1156 : vector<16xf32> to vector<1x16xf32>
        tpu.vector_store %arg13[%swap3A_1157, %swap3A_1158], %swap3A_1161 {strides = array<i32>} : memref<80x128xf32, #tpu.memory_space<vmem>>, vector<1x16xf32>,
        %get3A_1162 = arith.index_cast %add3A_1101 : i32 to index
        %get3A_1163 = arith.constant 96 : index
        %get3A_1164 = tpu.vector_load %arg13[%get3A_1162, %get3A_1163] {strides = array<i32>} : memref<80x128xf32, #tpu.memory_space<vmem>>, vector<1x16xf32>,
        %get3A_1165 = vector.shape_cast %get3A_1164 : vector<1x16xf32> to vector<16xf32>
        %mul3A_1166 = arith.mulf %get3A_1165, %broadcast_in_dim3A_1097 : vector<16xf32>
        %swap3A_1167 = arith.index_cast %add3A_1101 : i32 to index
        %swap3A_1168 = arith.constant 96 : index
        %swap3A_1169 = tpu.vector_load %arg13[%swap3A_1167, %swap3A_1168] {strides = array<i32>} : memref<80x128xf32, #tpu.memory_space<vmem>>, vector<1x16xf32>,
        %swap3A_1170 = vector.shape_cast %swap3A_1169 : vector<1x16xf32> to vector<16xf32>
        %swap3A_1171 = vector.shape_cast %mul3A_1166 : vector<16xf32> to vector<1x16xf32>
        tpu.vector_store %arg13[%swap3A_1167, %swap3A_1168], %swap3A_1171 {strides = array<i32>} : memref<80x128xf32, #tpu.memory_space<vmem>>, vector<1x16xf32>,
        %get3A_1172 = arith.index_cast %add3A_1101 : i32 to index
        %get3A_1173 = arith.constant 112 : index
        %get3A_1174 = tpu.vector_load %arg13[%get3A_1172, %get3A_1173] {strides = array<i32>} : memref<80x128xf32, #tpu.memory_space<vmem>>, vector<1x16xf32>,
        %get3A_1175 = vector.shape_cast %get3A_1174 : vector<1x16xf32> to vector<16xf32>
        %mul3A_1176 = arith.mulf %get3A_1175, %broadcast_in_dim3A_1097 : vector<16xf32>
        %swap3A_1177 = arith.index_cast %add3A_1101 : i32 to index
        %swap3A_1178 = arith.constant 112 : index
        %swap3A_1179 = tpu.vector_load %arg13[%swap3A_1177, %swap3A_1178] {strides = array<i32>} : memref<80x128xf32, #tpu.memory_space<vmem>>, vector<1x16xf32>,
        %swap3A_1180 = vector.shape_cast %swap3A_1179 : vector<1x16xf32> to vector<16xf32>
        %swap3A_1181 = vector.shape_cast %mul3A_1176 : vector<16xf32> to vector<1x16xf32>
        tpu.vector_store %arg13[%swap3A_1177, %swap3A_1178], %swap3A_1181 {strides = array<i32>} : memref<80x128xf32, #tpu.memory_space<vmem>>, vector<1x16xf32>,
        %slice3A_1182 = vector.extract_strided_slice %get3A_139 {offsets = [12], sizes = [1], strides = [1]} : vector<16xf32> to vector<1xf32>
        %squeeze3A_1183 = vector.extract %slice3A_1182[0] : f32 from vector<1xf32>
        %broadcast_in_dim3A_1184 = vector.broadcast %squeeze3A_1183 : f32 to vector<16xf32>
        %mul3A_1185 = arith.constant 16 : i32
        %mul3A_1186 = arith.muli %scan3A_134, %mul3A_1185 : i32
        %add3A_1187 = arith.constant 12 : i32
        %add3A_1188 = arith.addi %mul3A_1186, %add3A_1187 : i32
        %get3A_1189 = arith.index_cast %add3A_1188 : i32 to index
        %get3A_1190 = arith.constant 0 : index
        %get3A_1191 = tpu.vector_load %arg13[%get3A_1189, %get3A_1190] {strides = array<i32>} : memref<80x128xf32, #tpu.memory_space<vmem>>, vector<1x16xf32>,
        %get3A_1192 = vector.shape_cast %get3A_1191 : vector<1x16xf32> to vector<16xf32>
        %mul3A_1193 = arith.mulf %get3A_1192, %broadcast_in_dim3A_1184 : vector<16xf32>
        %swap3A_1194 = arith.index_cast %add3A_1188 : i32 to index
        %swap3A_1195 = arith.constant 0 : index
        %swap3A_1196 = tpu.vector_load %arg13[%swap3A_1194, %swap3A_1195] {strides = array<i32>} : memref<80x128xf32, #tpu.memory_space<vmem>>, vector<1x16xf32>,
        %swap3A_1197 = vector.shape_cast %swap3A_1196 : vector<1x16xf32> to vector<16xf32>
        %swap3A_1198 = vector.shape_cast %mul3A_1193 : vector<16xf32> to vector<1x16xf32>
        tpu.vector_store %arg13[%swap3A_1194, %swap3A_1195], %swap3A_1198 {strides = array<i32>} : memref<80x128xf32, #tpu.memory_space<vmem>>, vector<1x16xf32>,
        %get3A_1199 = arith.index_cast %add3A_1188 : i32 to index
        %get3A_1200 = arith.constant 16 : index
        %get3A_1201 = tpu.vector_load %arg13[%get3A_1199, %get3A_1200] {strides = array<i32>} : memref<80x128xf32, #tpu.memory_space<vmem>>, vector<1x16xf32>,
        %get3A_1202 = vector.shape_cast %get3A_1201 : vector<1x16xf32> to vector<16xf32>
        %mul3A_1203 = arith.mulf %get3A_1202, %broadcast_in_dim3A_1184 : vector<16xf32>
        %swap3A_1204 = arith.index_cast %add3A_1188 : i32 to index
        %swap3A_1205 = arith.constant 16 : index
        %swap3A_1206 = tpu.vector_load %arg13[%swap3A_1204, %swap3A_1205] {strides = array<i32>} : memref<80x128xf32, #tpu.memory_space<vmem>>, vector<1x16xf32>,
        %swap3A_1207 = vector.shape_cast %swap3A_1206 : vector<1x16xf32> to vector<16xf32>
        %swap3A_1208 = vector.shape_cast %mul3A_1203 : vector<16xf32> to vector<1x16xf32>
        tpu.vector_store %arg13[%swap3A_1204, %swap3A_1205], %swap3A_1208 {strides = array<i32>} : memref<80x128xf32, #tpu.memory_space<vmem>>, vector<1x16xf32>,
        %get3A_1209 = arith.index_cast %add3A_1188 : i32 to index
        %get3A_1210 = arith.constant 32 : index
        %get3A_1211 = tpu.vector_load %arg13[%get3A_1209, %get3A_1210] {strides = array<i32>} : memref<80x128xf32, #tpu.memory_space<vmem>>, vector<1x16xf32>,
        %get3A_1212 = vector.shape_cast %get3A_1211 : vector<1x16xf32> to vector<16xf32>
        %mul3A_1213 = arith.mulf %get3A_1212, %broadcast_in_dim3A_1184 : vector<16xf32>
        %swap3A_1214 = arith.index_cast %add3A_1188 : i32 to index
        %swap3A_1215 = arith.constant 32 : index
        %swap3A_1216 = tpu.vector_load %arg13[%swap3A_1214, %swap3A_1215] {strides = array<i32>} : memref<80x128xf32, #tpu.memory_space<vmem>>, vector<1x16xf32>,
        %swap3A_1217 = vector.shape_cast %swap3A_1216 : vector<1x16xf32> to vector<16xf32>
        %swap3A_1218 = vector.shape_cast %mul3A_1213 : vector<16xf32> to vector<1x16xf32>
        tpu.vector_store %arg13[%swap3A_1214, %swap3A_1215], %swap3A_1218 {strides = array<i32>} : memref<80x128xf32, #tpu.memory_space<vmem>>, vector<1x16xf32>,
        %get3A_1219 = arith.index_cast %add3A_1188 : i32 to index
        %get3A_1220 = arith.constant 48 : index
        %get3A_1221 = tpu.vector_load %arg13[%get3A_1219, %get3A_1220] {strides = array<i32>} : memref<80x128xf32, #tpu.memory_space<vmem>>, vector<1x16xf32>,
        %get3A_1222 = vector.shape_cast %get3A_1221 : vector<1x16xf32> to vector<16xf32>
        %mul3A_1223 = arith.mulf %get3A_1222, %broadcast_in_dim3A_1184 : vector<16xf32>
        %swap3A_1224 = arith.index_cast %add3A_1188 : i32 to index
        %swap3A_1225 = arith.constant 48 : index
        %swap3A_1226 = tpu.vector_load %arg13[%swap3A_1224, %swap3A_1225] {strides = array<i32>} : memref<80x128xf32, #tpu.memory_space<vmem>>, vector<1x16xf32>,
        %swap3A_1227 = vector.shape_cast %swap3A_1226 : vector<1x16xf32> to vector<16xf32>
        %swap3A_1228 = vector.shape_cast %mul3A_1223 : vector<16xf32> to vector<1x16xf32>
        tpu.vector_store %arg13[%swap3A_1224, %swap3A_1225], %swap3A_1228 {strides = array<i32>} : memref<80x128xf32, #tpu.memory_space<vmem>>, vector<1x16xf32>,
        %get3A_1229 = arith.index_cast %add3A_1188 : i32 to index
        %get3A_1230 = arith.constant 64 : index
        %get3A_1231 = tpu.vector_load %arg13[%get3A_1229, %get3A_1230] {strides = array<i32>} : memref<80x128xf32, #tpu.memory_space<vmem>>, vector<1x16xf32>,
        %get3A_1232 = vector.shape_cast %get3A_1231 : vector<1x16xf32> to vector<16xf32>
        %mul3A_1233 = arith.mulf %get3A_1232, %broadcast_in_dim3A_1184 : vector<16xf32>
        %swap3A_1234 = arith.index_cast %add3A_1188 : i32 to index
        %swap3A_1235 = arith.constant 64 : index
        %swap3A_1236 = tpu.vector_load %arg13[%swap3A_1234, %swap3A_1235] {strides = array<i32>} : memref<80x128xf32, #tpu.memory_space<vmem>>, vector<1x16xf32>,
        %swap3A_1237 = vector.shape_cast %swap3A_1236 : vector<1x16xf32> to vector<16xf32>
        %swap3A_1238 = vector.shape_cast %mul3A_1233 : vector<16xf32> to vector<1x16xf32>
        tpu.vector_store %arg13[%swap3A_1234, %swap3A_1235], %swap3A_1238 {strides = array<i32>} : memref<80x128xf32, #tpu.memory_space<vmem>>, vector<1x16xf32>,
        %get3A_1239 = arith.index_cast %add3A_1188 : i32 to index
        %get3A_1240 = arith.constant 80 : index
        %get3A_1241 = tpu.vector_load %arg13[%get3A_1239, %get3A_1240] {strides = array<i32>} : memref<80x128xf32, #tpu.memory_space<vmem>>, vector<1x16xf32>,
        %get3A_1242 = vector.shape_cast %get3A_1241 : vector<1x16xf32> to vector<16xf32>
        %mul3A_1243 = arith.mulf %get3A_1242, %broadcast_in_dim3A_1184 : vector<16xf32>
        %swap3A_1244 = arith.index_cast %add3A_1188 : i32 to index
        %swap3A_1245 = arith.constant 80 : index
        %swap3A_1246 = tpu.vector_load %arg13[%swap3A_1244, %swap3A_1245] {strides = array<i32>} : memref<80x128xf32, #tpu.memory_space<vmem>>, vector<1x16xf32>,
        %swap3A_1247 = vector.shape_cast %swap3A_1246 : vector<1x16xf32> to vector<16xf32>
        %swap3A_1248 = vector.shape_cast %mul3A_1243 : vector<16xf32> to vector<1x16xf32>
        tpu.vector_store %arg13[%swap3A_1244, %swap3A_1245], %swap3A_1248 {strides = array<i32>} : memref<80x128xf32, #tpu.memory_space<vmem>>, vector<1x16xf32>,
        %get3A_1249 = arith.index_cast %add3A_1188 : i32 to index
        %get3A_1250 = arith.constant 96 : index
        %get3A_1251 = tpu.vector_load %arg13[%get3A_1249, %get3A_1250] {strides = array<i32>} : memref<80x128xf32, #tpu.memory_space<vmem>>, vector<1x16xf32>,
        %get3A_1252 = vector.shape_cast %get3A_1251 : vector<1x16xf32> to vector<16xf32>
        %mul3A_1253 = arith.mulf %get3A_1252, %broadcast_in_dim3A_1184 : vector<16xf32>
        %swap3A_1254 = arith.index_cast %add3A_1188 : i32 to index
        %swap3A_1255 = arith.constant 96 : index
        %swap3A_1256 = tpu.vector_load %arg13[%swap3A_1254, %swap3A_1255] {strides = array<i32>} : memref<80x128xf32, #tpu.memory_space<vmem>>, vector<1x16xf32>,
        %swap3A_1257 = vector.shape_cast %swap3A_1256 : vector<1x16xf32> to vector<16xf32>
        %swap3A_1258 = vector.shape_cast %mul3A_1253 : vector<16xf32> to vector<1x16xf32>
        tpu.vector_store %arg13[%swap3A_1254, %swap3A_1255], %swap3A_1258 {strides = array<i32>} : memref<80x128xf32, #tpu.memory_space<vmem>>, vector<1x16xf32>,
        %get3A_1259 = arith.index_cast %add3A_1188 : i32 to index
        %get3A_1260 = arith.constant 112 : index
        %get3A_1261 = tpu.vector_load %arg13[%get3A_1259, %get3A_1260] {strides = array<i32>} : memref<80x128xf32, #tpu.memory_space<vmem>>, vector<1x16xf32>,
        %get3A_1262 = vector.shape_cast %get3A_1261 : vector<1x16xf32> to vector<16xf32>
        %mul3A_1263 = arith.mulf %get3A_1262, %broadcast_in_dim3A_1184 : vector<16xf32>
        %swap3A_1264 = arith.index_cast %add3A_1188 : i32 to index
        %swap3A_1265 = arith.constant 112 : index
        %swap3A_1266 = tpu.vector_load %arg13[%swap3A_1264, %swap3A_1265] {strides = array<i32>} : memref<80x128xf32, #tpu.memory_space<vmem>>, vector<1x16xf32>,
        %swap3A_1267 = vector.shape_cast %swap3A_1266 : vector<1x16xf32> to vector<16xf32>
        %swap3A_1268 = vector.shape_cast %mul3A_1263 : vector<16xf32> to vector<1x16xf32>
        tpu.vector_store %arg13[%swap3A_1264, %swap3A_1265], %swap3A_1268 {strides = array<i32>} : memref<80x128xf32, #tpu.memory_space<vmem>>, vector<1x16xf32>,
        %slice3A_1269 = vector.extract_strided_slice %get3A_139 {offsets = [13], sizes = [1], strides = [1]} : vector<16xf32> to vector<1xf32>
        %squeeze3A_1270 = vector.extract %slice3A_1269[0] : f32 from vector<1xf32>
        %broadcast_in_dim3A_1271 = vector.broadcast %squeeze3A_1270 : f32 to vector<16xf32>
        %mul3A_1272 = arith.constant 16 : i32
        %mul3A_1273 = arith.muli %scan3A_134, %mul3A_1272 : i32
        %add3A_1274 = arith.constant 13 : i32
        %add3A_1275 = arith.addi %mul3A_1273, %add3A_1274 : i32
        %get3A_1276 = arith.index_cast %add3A_1275 : i32 to index
        %get3A_1277 = arith.constant 0 : index
        %get3A_1278 = tpu.vector_load %arg13[%get3A_1276, %get3A_1277] {strides = array<i32>} : memref<80x128xf32, #tpu.memory_space<vmem>>, vector<1x16xf32>,
        %get3A_1279 = vector.shape_cast %get3A_1278 : vector<1x16xf32> to vector<16xf32>
        %mul3A_1280 = arith.mulf %get3A_1279, %broadcast_in_dim3A_1271 : vector<16xf32>
        %swap3A_1281 = arith.index_cast %add3A_1275 : i32 to index
        %swap3A_1282 = arith.constant 0 : index
        %swap3A_1283 = tpu.vector_load %arg13[%swap3A_1281, %swap3A_1282] {strides = array<i32>} : memref<80x128xf32, #tpu.memory_space<vmem>>, vector<1x16xf32>,
        %swap3A_1284 = vector.shape_cast %swap3A_1283 : vector<1x16xf32> to vector<16xf32>
        %swap3A_1285 = vector.shape_cast %mul3A_1280 : vector<16xf32> to vector<1x16xf32>
        tpu.vector_store %arg13[%swap3A_1281, %swap3A_1282], %swap3A_1285 {strides = array<i32>} : memref<80x128xf32, #tpu.memory_space<vmem>>, vector<1x16xf32>,
        %get3A_1286 = arith.index_cast %add3A_1275 : i32 to index
        %get3A_1287 = arith.constant 16 : index
        %get3A_1288 = tpu.vector_load %arg13[%get3A_1286, %get3A_1287] {strides = array<i32>} : memref<80x128xf32, #tpu.memory_space<vmem>>, vector<1x16xf32>,
        %get3A_1289 = vector.shape_cast %get3A_1288 : vector<1x16xf32> to vector<16xf32>
        %mul3A_1290 = arith.mulf %get3A_1289, %broadcast_in_dim3A_1271 : vector<16xf32>
        %swap3A_1291 = arith.index_cast %add3A_1275 : i32 to index
        %swap3A_1292 = arith.constant 16 : index
        %swap3A_1293 = tpu.vector_load %arg13[%swap3A_1291, %swap3A_1292] {strides = array<i32>} : memref<80x128xf32, #tpu.memory_space<vmem>>, vector<1x16xf32>,
        %swap3A_1294 = vector.shape_cast %swap3A_1293 : vector<1x16xf32> to vector<16xf32>
        %swap3A_1295 = vector.shape_cast %mul3A_1290 : vector<16xf32> to vector<1x16xf32>
        tpu.vector_store %arg13[%swap3A_1291, %swap3A_1292], %swap3A_1295 {strides = array<i32>} : memref<80x128xf32, #tpu.memory_space<vmem>>, vector<1x16xf32>,
        %get3A_1296 = arith.index_cast %add3A_1275 : i32 to index
        %get3A_1297 = arith.constant 32 : index
        %get3A_1298 = tpu.vector_load %arg13[%get3A_1296, %get3A_1297] {strides = array<i32>} : memref<80x128xf32, #tpu.memory_space<vmem>>, vector<1x16xf32>,
        %get3A_1299 = vector.shape_cast %get3A_1298 : vector<1x16xf32> to vector<16xf32>
        %mul3A_1300 = arith.mulf %get3A_1299, %broadcast_in_dim3A_1271 : vector<16xf32>
        %swap3A_1301 = arith.index_cast %add3A_1275 : i32 to index
        %swap3A_1302 = arith.constant 32 : index
        %swap3A_1303 = tpu.vector_load %arg13[%swap3A_1301, %swap3A_1302] {strides = array<i32>} : memref<80x128xf32, #tpu.memory_space<vmem>>, vector<1x16xf32>,
        %swap3A_1304 = vector.shape_cast %swap3A_1303 : vector<1x16xf32> to vector<16xf32>
        %swap3A_1305 = vector.shape_cast %mul3A_1300 : vector<16xf32> to vector<1x16xf32>
        tpu.vector_store %arg13[%swap3A_1301, %swap3A_1302], %swap3A_1305 {strides = array<i32>} : memref<80x128xf32, #tpu.memory_space<vmem>>, vector<1x16xf32>,
        %get3A_1306 = arith.index_cast %add3A_1275 : i32 to index
        %get3A_1307 = arith.constant 48 : index
        %get3A_1308 = tpu.vector_load %arg13[%get3A_1306, %get3A_1307] {strides = array<i32>} : memref<80x128xf32, #tpu.memory_space<vmem>>, vector<1x16xf32>,
        %get3A_1309 = vector.shape_cast %get3A_1308 : vector<1x16xf32> to vector<16xf32>
        %mul3A_1310 = arith.mulf %get3A_1309, %broadcast_in_dim3A_1271 : vector<16xf32>
        %swap3A_1311 = arith.index_cast %add3A_1275 : i32 to index
        %swap3A_1312 = arith.constant 48 : index
        %swap3A_1313 = tpu.vector_load %arg13[%swap3A_1311, %swap3A_1312] {strides = array<i32>} : memref<80x128xf32, #tpu.memory_space<vmem>>, vector<1x16xf32>,
        %swap3A_1314 = vector.shape_cast %swap3A_1313 : vector<1x16xf32> to vector<16xf32>
        %swap3A_1315 = vector.shape_cast %mul3A_1310 : vector<16xf32> to vector<1x16xf32>
        tpu.vector_store %arg13[%swap3A_1311, %swap3A_1312], %swap3A_1315 {strides = array<i32>} : memref<80x128xf32, #tpu.memory_space<vmem>>, vector<1x16xf32>,
        %get3A_1316 = arith.index_cast %add3A_1275 : i32 to index
        %get3A_1317 = arith.constant 64 : index
        %get3A_1318 = tpu.vector_load %arg13[%get3A_1316, %get3A_1317] {strides = array<i32>} : memref<80x128xf32, #tpu.memory_space<vmem>>, vector<1x16xf32>,
        %get3A_1319 = vector.shape_cast %get3A_1318 : vector<1x16xf32> to vector<16xf32>
        %mul3A_1320 = arith.mulf %get3A_1319, %broadcast_in_dim3A_1271 : vector<16xf32>
        %swap3A_1321 = arith.index_cast %add3A_1275 : i32 to index
        %swap3A_1322 = arith.constant 64 : index
        %swap3A_1323 = tpu.vector_load %arg13[%swap3A_1321, %swap3A_1322] {strides = array<i32>} : memref<80x128xf32, #tpu.memory_space<vmem>>, vector<1x16xf32>,
        %swap3A_1324 = vector.shape_cast %swap3A_1323 : vector<1x16xf32> to vector<16xf32>
        %swap3A_1325 = vector.shape_cast %mul3A_1320 : vector<16xf32> to vector<1x16xf32>
        tpu.vector_store %arg13[%swap3A_1321, %swap3A_1322], %swap3A_1325 {strides = array<i32>} : memref<80x128xf32, #tpu.memory_space<vmem>>, vector<1x16xf32>,
        %get3A_1326 = arith.index_cast %add3A_1275 : i32 to index
        %get3A_1327 = arith.constant 80 : index
        %get3A_1328 = tpu.vector_load %arg13[%get3A_1326, %get3A_1327] {strides = array<i32>} : memref<80x128xf32, #tpu.memory_space<vmem>>, vector<1x16xf32>,
        %get3A_1329 = vector.shape_cast %get3A_1328 : vector<1x16xf32> to vector<16xf32>
        %mul3A_1330 = arith.mulf %get3A_1329, %broadcast_in_dim3A_1271 : vector<16xf32>
        %swap3A_1331 = arith.index_cast %add3A_1275 : i32 to index
        %swap3A_1332 = arith.constant 80 : index
        %swap3A_1333 = tpu.vector_load %arg13[%swap3A_1331, %swap3A_1332] {strides = array<i32>} : memref<80x128xf32, #tpu.memory_space<vmem>>, vector<1x16xf32>,
        %swap3A_1334 = vector.shape_cast %swap3A_1333 : vector<1x16xf32> to vector<16xf32>
        %swap3A_1335 = vector.shape_cast %mul3A_1330 : vector<16xf32> to vector<1x16xf32>
        tpu.vector_store %arg13[%swap3A_1331, %swap3A_1332], %swap3A_1335 {strides = array<i32>} : memref<80x128xf32, #tpu.memory_space<vmem>>, vector<1x16xf32>,
        %get3A_1336 = arith.index_cast %add3A_1275 : i32 to index
        %get3A_1337 = arith.constant 96 : index
        %get3A_1338 = tpu.vector_load %arg13[%get3A_1336, %get3A_1337] {strides = array<i32>} : memref<80x128xf32, #tpu.memory_space<vmem>>, vector<1x16xf32>,
        %get3A_1339 = vector.shape_cast %get3A_1338 : vector<1x16xf32> to vector<16xf32>
        %mul3A_1340 = arith.mulf %get3A_1339, %broadcast_in_dim3A_1271 : vector<16xf32>
        %swap3A_1341 = arith.index_cast %add3A_1275 : i32 to index
        %swap3A_1342 = arith.constant 96 : index
        %swap3A_1343 = tpu.vector_load %arg13[%swap3A_1341, %swap3A_1342] {strides = array<i32>} : memref<80x128xf32, #tpu.memory_space<vmem>>, vector<1x16xf32>,
        %swap3A_1344 = vector.shape_cast %swap3A_1343 : vector<1x16xf32> to vector<16xf32>
        %swap3A_1345 = vector.shape_cast %mul3A_1340 : vector<16xf32> to vector<1x16xf32>
        tpu.vector_store %arg13[%swap3A_1341, %swap3A_1342], %swap3A_1345 {strides = array<i32>} : memref<80x128xf32, #tpu.memory_space<vmem>>, vector<1x16xf32>,
        %get3A_1346 = arith.index_cast %add3A_1275 : i32 to index
        %get3A_1347 = arith.constant 112 : index
        %get3A_1348 = tpu.vector_load %arg13[%get3A_1346, %get3A_1347] {strides = array<i32>} : memref<80x128xf32, #tpu.memory_space<vmem>>, vector<1x16xf32>,
        %get3A_1349 = vector.shape_cast %get3A_1348 : vector<1x16xf32> to vector<16xf32>
        %mul3A_1350 = arith.mulf %get3A_1349, %broadcast_in_dim3A_1271 : vector<16xf32>
        %swap3A_1351 = arith.index_cast %add3A_1275 : i32 to index
        %swap3A_1352 = arith.constant 112 : index
        %swap3A_1353 = tpu.vector_load %arg13[%swap3A_1351, %swap3A_1352] {strides = array<i32>} : memref<80x128xf32, #tpu.memory_space<vmem>>, vector<1x16xf32>,
        %swap3A_1354 = vector.shape_cast %swap3A_1353 : vector<1x16xf32> to vector<16xf32>
        %swap3A_1355 = vector.shape_cast %mul3A_1350 : vector<16xf32> to vector<1x16xf32>
        tpu.vector_store %arg13[%swap3A_1351, %swap3A_1352], %swap3A_1355 {strides = array<i32>} : memref<80x128xf32, #tpu.memory_space<vmem>>, vector<1x16xf32>,
        %slice3A_1356 = vector.extract_strided_slice %get3A_139 {offsets = [14], sizes = [1], strides = [1]} : vector<16xf32> to vector<1xf32>
        %squeeze3A_1357 = vector.extract %slice3A_1356[0] : f32 from vector<1xf32>
        %broadcast_in_dim3A_1358 = vector.broadcast %squeeze3A_1357 : f32 to vector<16xf32>
        %mul3A_1359 = arith.constant 16 : i32
        %mul3A_1360 = arith.muli %scan3A_134, %mul3A_1359 : i32
        %add3A_1361 = arith.constant 14 : i32
        %add3A_1362 = arith.addi %mul3A_1360, %add3A_1361 : i32
        %get3A_1363 = arith.index_cast %add3A_1362 : i32 to index
        %get3A_1364 = arith.constant 0 : index
        %get3A_1365 = tpu.vector_load %arg13[%get3A_1363, %get3A_1364] {strides = array<i32>} : memref<80x128xf32, #tpu.memory_space<vmem>>, vector<1x16xf32>,
        %get3A_1366 = vector.shape_cast %get3A_1365 : vector<1x16xf32> to vector<16xf32>
        %mul3A_1367 = arith.mulf %get3A_1366, %broadcast_in_dim3A_1358 : vector<16xf32>
        %swap3A_1368 = arith.index_cast %add3A_1362 : i32 to index
        %swap3A_1369 = arith.constant 0 : index
        %swap3A_1370 = tpu.vector_load %arg13[%swap3A_1368, %swap3A_1369] {strides = array<i32>} : memref<80x128xf32, #tpu.memory_space<vmem>>, vector<1x16xf32>,
        %swap3A_1371 = vector.shape_cast %swap3A_1370 : vector<1x16xf32> to vector<16xf32>
        %swap3A_1372 = vector.shape_cast %mul3A_1367 : vector<16xf32> to vector<1x16xf32>
        tpu.vector_store %arg13[%swap3A_1368, %swap3A_1369], %swap3A_1372 {strides = array<i32>} : memref<80x128xf32, #tpu.memory_space<vmem>>, vector<1x16xf32>,
        %get3A_1373 = arith.index_cast %add3A_1362 : i32 to index
        %get3A_1374 = arith.constant 16 : index
        %get3A_1375 = tpu.vector_load %arg13[%get3A_1373, %get3A_1374] {strides = array<i32>} : memref<80x128xf32, #tpu.memory_space<vmem>>, vector<1x16xf32>,
        %get3A_1376 = vector.shape_cast %get3A_1375 : vector<1x16xf32> to vector<16xf32>
        %mul3A_1377 = arith.mulf %get3A_1376, %broadcast_in_dim3A_1358 : vector<16xf32>
        %swap3A_1378 = arith.index_cast %add3A_1362 : i32 to index
        %swap3A_1379 = arith.constant 16 : index
        %swap3A_1380 = tpu.vector_load %arg13[%swap3A_1378, %swap3A_1379] {strides = array<i32>} : memref<80x128xf32, #tpu.memory_space<vmem>>, vector<1x16xf32>,
        %swap3A_1381 = vector.shape_cast %swap3A_1380 : vector<1x16xf32> to vector<16xf32>
        %swap3A_1382 = vector.shape_cast %mul3A_1377 : vector<16xf32> to vector<1x16xf32>
        tpu.vector_store %arg13[%swap3A_1378, %swap3A_1379], %swap3A_1382 {strides = array<i32>} : memref<80x128xf32, #tpu.memory_space<vmem>>, vector<1x16xf32>,
        %get3A_1383 = arith.index_cast %add3A_1362 : i32 to index
        %get3A_1384 = arith.constant 32 : index
        %get3A_1385 = tpu.vector_load %arg13[%get3A_1383, %get3A_1384] {strides = array<i32>} : memref<80x128xf32, #tpu.memory_space<vmem>>, vector<1x16xf32>,
        %get3A_1386 = vector.shape_cast %get3A_1385 : vector<1x16xf32> to vector<16xf32>
        %mul3A_1387 = arith.mulf %get3A_1386, %broadcast_in_dim3A_1358 : vector<16xf32>
        %swap3A_1388 = arith.index_cast %add3A_1362 : i32 to index
        %swap3A_1389 = arith.constant 32 : index
        %swap3A_1390 = tpu.vector_load %arg13[%swap3A_1388, %swap3A_1389] {strides = array<i32>} : memref<80x128xf32, #tpu.memory_space<vmem>>, vector<1x16xf32>,
        %swap3A_1391 = vector.shape_cast %swap3A_1390 : vector<1x16xf32> to vector<16xf32>
        %swap3A_1392 = vector.shape_cast %mul3A_1387 : vector<16xf32> to vector<1x16xf32>
        tpu.vector_store %arg13[%swap3A_1388, %swap3A_1389], %swap3A_1392 {strides = array<i32>} : memref<80x128xf32, #tpu.memory_space<vmem>>, vector<1x16xf32>,
        %get3A_1393 = arith.index_cast %add3A_1362 : i32 to index
        %get3A_1394 = arith.constant 48 : index
        %get3A_1395 = tpu.vector_load %arg13[%get3A_1393, %get3A_1394] {strides = array<i32>} : memref<80x128xf32, #tpu.memory_space<vmem>>, vector<1x16xf32>,
        %get3A_1396 = vector.shape_cast %get3A_1395 : vector<1x16xf32> to vector<16xf32>
        %mul3A_1397 = arith.mulf %get3A_1396, %broadcast_in_dim3A_1358 : vector<16xf32>
        %swap3A_1398 = arith.index_cast %add3A_1362 : i32 to index
        %swap3A_1399 = arith.constant 48 : index
        %swap3A_1400 = tpu.vector_load %arg13[%swap3A_1398, %swap3A_1399] {strides = array<i32>} : memref<80x128xf32, #tpu.memory_space<vmem>>, vector<1x16xf32>,
        %swap3A_1401 = vector.shape_cast %swap3A_1400 : vector<1x16xf32> to vector<16xf32>
        %swap3A_1402 = vector.shape_cast %mul3A_1397 : vector<16xf32> to vector<1x16xf32>
        tpu.vector_store %arg13[%swap3A_1398, %swap3A_1399], %swap3A_1402 {strides = array<i32>} : memref<80x128xf32, #tpu.memory_space<vmem>>, vector<1x16xf32>,
        %get3A_1403 = arith.index_cast %add3A_1362 : i32 to index
        %get3A_1404 = arith.constant 64 : index
        %get3A_1405 = tpu.vector_load %arg13[%get3A_1403, %get3A_1404] {strides = array<i32>} : memref<80x128xf32, #tpu.memory_space<vmem>>, vector<1x16xf32>,
        %get3A_1406 = vector.shape_cast %get3A_1405 : vector<1x16xf32> to vector<16xf32>
        %mul3A_1407 = arith.mulf %get3A_1406, %broadcast_in_dim3A_1358 : vector<16xf32>
        %swap3A_1408 = arith.index_cast %add3A_1362 : i32 to index
        %swap3A_1409 = arith.constant 64 : index
        %swap3A_1410 = tpu.vector_load %arg13[%swap3A_1408, %swap3A_1409] {strides = array<i32>} : memref<80x128xf32, #tpu.memory_space<vmem>>, vector<1x16xf32>,
        %swap3A_1411 = vector.shape_cast %swap3A_1410 : vector<1x16xf32> to vector<16xf32>
        %swap3A_1412 = vector.shape_cast %mul3A_1407 : vector<16xf32> to vector<1x16xf32>
        tpu.vector_store %arg13[%swap3A_1408, %swap3A_1409], %swap3A_1412 {strides = array<i32>} : memref<80x128xf32, #tpu.memory_space<vmem>>, vector<1x16xf32>,
        %get3A_1413 = arith.index_cast %add3A_1362 : i32 to index
        %get3A_1414 = arith.constant 80 : index
        %get3A_1415 = tpu.vector_load %arg13[%get3A_1413, %get3A_1414] {strides = array<i32>} : memref<80x128xf32, #tpu.memory_space<vmem>>, vector<1x16xf32>,
        %get3A_1416 = vector.shape_cast %get3A_1415 : vector<1x16xf32> to vector<16xf32>
        %mul3A_1417 = arith.mulf %get3A_1416, %broadcast_in_dim3A_1358 : vector<16xf32>
        %swap3A_1418 = arith.index_cast %add3A_1362 : i32 to index
        %swap3A_1419 = arith.constant 80 : index
        %swap3A_1420 = tpu.vector_load %arg13[%swap3A_1418, %swap3A_1419] {strides = array<i32>} : memref<80x128xf32, #tpu.memory_space<vmem>>, vector<1x16xf32>,
        %swap3A_1421 = vector.shape_cast %swap3A_1420 : vector<1x16xf32> to vector<16xf32>
        %swap3A_1422 = vector.shape_cast %mul3A_1417 : vector<16xf32> to vector<1x16xf32>
        tpu.vector_store %arg13[%swap3A_1418, %swap3A_1419], %swap3A_1422 {strides = array<i32>} : memref<80x128xf32, #tpu.memory_space<vmem>>, vector<1x16xf32>,
        %get3A_1423 = arith.index_cast %add3A_1362 : i32 to index
        %get3A_1424 = arith.constant 96 : index
        %get3A_1425 = tpu.vector_load %arg13[%get3A_1423, %get3A_1424] {strides = array<i32>} : memref<80x128xf32, #tpu.memory_space<vmem>>, vector<1x16xf32>,
        %get3A_1426 = vector.shape_cast %get3A_1425 : vector<1x16xf32> to vector<16xf32>
        %mul3A_1427 = arith.mulf %get3A_1426, %broadcast_in_dim3A_1358 : vector<16xf32>
        %swap3A_1428 = arith.index_cast %add3A_1362 : i32 to index
        %swap3A_1429 = arith.constant 96 : index
        %swap3A_1430 = tpu.vector_load %arg13[%swap3A_1428, %swap3A_1429] {strides = array<i32>} : memref<80x128xf32, #tpu.memory_space<vmem>>, vector<1x16xf32>,
        %swap3A_1431 = vector.shape_cast %swap3A_1430 : vector<1x16xf32> to vector<16xf32>
        %swap3A_1432 = vector.shape_cast %mul3A_1427 : vector<16xf32> to vector<1x16xf32>
        tpu.vector_store %arg13[%swap3A_1428, %swap3A_1429], %swap3A_1432 {strides = array<i32>} : memref<80x128xf32, #tpu.memory_space<vmem>>, vector<1x16xf32>,
        %get3A_1433 = arith.index_cast %add3A_1362 : i32 to index
        %get3A_1434 = arith.constant 112 : index
        %get3A_1435 = tpu.vector_load %arg13[%get3A_1433, %get3A_1434] {strides = array<i32>} : memref<80x128xf32, #tpu.memory_space<vmem>>, vector<1x16xf32>,
        %get3A_1436 = vector.shape_cast %get3A_1435 : vector<1x16xf32> to vector<16xf32>
        %mul3A_1437 = arith.mulf %get3A_1436, %broadcast_in_dim3A_1358 : vector<16xf32>
        %swap3A_1438 = arith.index_cast %add3A_1362 : i32 to index
        %swap3A_1439 = arith.constant 112 : index
        %swap3A_1440 = tpu.vector_load %arg13[%swap3A_1438, %swap3A_1439] {strides = array<i32>} : memref<80x128xf32, #tpu.memory_space<vmem>>, vector<1x16xf32>,
        %swap3A_1441 = vector.shape_cast %swap3A_1440 : vector<1x16xf32> to vector<16xf32>
        %swap3A_1442 = vector.shape_cast %mul3A_1437 : vector<16xf32> to vector<1x16xf32>
        tpu.vector_store %arg13[%swap3A_1438, %swap3A_1439], %swap3A_1442 {strides = array<i32>} : memref<80x128xf32, #tpu.memory_space<vmem>>, vector<1x16xf32>,
        %slice3A_1443 = vector.extract_strided_slice %get3A_139 {offsets = [15], sizes = [1], strides = [1]} : vector<16xf32> to vector<1xf32>
        %squeeze3A_1444 = vector.extract %slice3A_1443[0] : f32 from vector<1xf32>
        %broadcast_in_dim3A_1445 = vector.broadcast %squeeze3A_1444 : f32 to vector<16xf32>
        %mul3A_1446 = arith.constant 16 : i32
        %mul3A_1447 = arith.muli %scan3A_134, %mul3A_1446 : i32
        %add3A_1448 = arith.constant 15 : i32
        %add3A_1449 = arith.addi %mul3A_1447, %add3A_1448 : i32
        %get3A_1450 = arith.index_cast %add3A_1449 : i32 to index
        %get3A_1451 = arith.constant 0 : index
        %get3A_1452 = tpu.vector_load %arg13[%get3A_1450, %get3A_1451] {strides = array<i32>} : memref<80x128xf32, #tpu.memory_space<vmem>>, vector<1x16xf32>,
        %get3A_1453 = vector.shape_cast %get3A_1452 : vector<1x16xf32> to vector<16xf32>
        %mul3A_1454 = arith.mulf %get3A_1453, %broadcast_in_dim3A_1445 : vector<16xf32>
        %swap3A_1455 = arith.index_cast %add3A_1449 : i32 to index
        %swap3A_1456 = arith.constant 0 : index
        %swap3A_1457 = tpu.vector_load %arg13[%swap3A_1455, %swap3A_1456] {strides = array<i32>} : memref<80x128xf32, #tpu.memory_space<vmem>>, vector<1x16xf32>,
        %swap3A_1458 = vector.shape_cast %swap3A_1457 : vector<1x16xf32> to vector<16xf32>
        %swap3A_1459 = vector.shape_cast %mul3A_1454 : vector<16xf32> to vector<1x16xf32>
        tpu.vector_store %arg13[%swap3A_1455, %swap3A_1456], %swap3A_1459 {strides = array<i32>} : memref<80x128xf32, #tpu.memory_space<vmem>>, vector<1x16xf32>,
        %get3A_1460 = arith.index_cast %add3A_1449 : i32 to index
        %get3A_1461 = arith.constant 16 : index
        %get3A_1462 = tpu.vector_load %arg13[%get3A_1460, %get3A_1461] {strides = array<i32>} : memref<80x128xf32, #tpu.memory_space<vmem>>, vector<1x16xf32>,
        %get3A_1463 = vector.shape_cast %get3A_1462 : vector<1x16xf32> to vector<16xf32>
        %mul3A_1464 = arith.mulf %get3A_1463, %broadcast_in_dim3A_1445 : vector<16xf32>
        %swap3A_1465 = arith.index_cast %add3A_1449 : i32 to index
        %swap3A_1466 = arith.constant 16 : index
        %swap3A_1467 = tpu.vector_load %arg13[%swap3A_1465, %swap3A_1466] {strides = array<i32>} : memref<80x128xf32, #tpu.memory_space<vmem>>, vector<1x16xf32>,
        %swap3A_1468 = vector.shape_cast %swap3A_1467 : vector<1x16xf32> to vector<16xf32>
        %swap3A_1469 = vector.shape_cast %mul3A_1464 : vector<16xf32> to vector<1x16xf32>
        tpu.vector_store %arg13[%swap3A_1465, %swap3A_1466], %swap3A_1469 {strides = array<i32>} : memref<80x128xf32, #tpu.memory_space<vmem>>, vector<1x16xf32>,
        %get3A_1470 = arith.index_cast %add3A_1449 : i32 to index
        %get3A_1471 = arith.constant 32 : index
        %get3A_1472 = tpu.vector_load %arg13[%get3A_1470, %get3A_1471] {strides = array<i32>} : memref<80x128xf32, #tpu.memory_space<vmem>>, vector<1x16xf32>,
        %get3A_1473 = vector.shape_cast %get3A_1472 : vector<1x16xf32> to vector<16xf32>
        %mul3A_1474 = arith.mulf %get3A_1473, %broadcast_in_dim3A_1445 : vector<16xf32>
        %swap3A_1475 = arith.index_cast %add3A_1449 : i32 to index
        %swap3A_1476 = arith.constant 32 : index
        %swap3A_1477 = tpu.vector_load %arg13[%swap3A_1475, %swap3A_1476] {strides = array<i32>} : memref<80x128xf32, #tpu.memory_space<vmem>>, vector<1x16xf32>,
        %swap3A_1478 = vector.shape_cast %swap3A_1477 : vector<1x16xf32> to vector<16xf32>
        %swap3A_1479 = vector.shape_cast %mul3A_1474 : vector<16xf32> to vector<1x16xf32>
        tpu.vector_store %arg13[%swap3A_1475, %swap3A_1476], %swap3A_1479 {strides = array<i32>} : memref<80x128xf32, #tpu.memory_space<vmem>>, vector<1x16xf32>,
        %get3A_1480 = arith.index_cast %add3A_1449 : i32 to index
        %get3A_1481 = arith.constant 48 : index
        %get3A_1482 = tpu.vector_load %arg13[%get3A_1480, %get3A_1481] {strides = array<i32>} : memref<80x128xf32, #tpu.memory_space<vmem>>, vector<1x16xf32>,
        %get3A_1483 = vector.shape_cast %get3A_1482 : vector<1x16xf32> to vector<16xf32>
        %mul3A_1484 = arith.mulf %get3A_1483, %broadcast_in_dim3A_1445 : vector<16xf32>
        %swap3A_1485 = arith.index_cast %add3A_1449 : i32 to index
        %swap3A_1486 = arith.constant 48 : index
        %swap3A_1487 = tpu.vector_load %arg13[%swap3A_1485, %swap3A_1486] {strides = array<i32>} : memref<80x128xf32, #tpu.memory_space<vmem>>, vector<1x16xf32>,
        %swap3A_1488 = vector.shape_cast %swap3A_1487 : vector<1x16xf32> to vector<16xf32>
        %swap3A_1489 = vector.shape_cast %mul3A_1484 : vector<16xf32> to vector<1x16xf32>
        tpu.vector_store %arg13[%swap3A_1485, %swap3A_1486], %swap3A_1489 {strides = array<i32>} : memref<80x128xf32, #tpu.memory_space<vmem>>, vector<1x16xf32>,
        %get3A_1490 = arith.index_cast %add3A_1449 : i32 to index
        %get3A_1491 = arith.constant 64 : index
        %get3A_1492 = tpu.vector_load %arg13[%get3A_1490, %get3A_1491] {strides = array<i32>} : memref<80x128xf32, #tpu.memory_space<vmem>>, vector<1x16xf32>,
        %get3A_1493 = vector.shape_cast %get3A_1492 : vector<1x16xf32> to vector<16xf32>
        %mul3A_1494 = arith.mulf %get3A_1493, %broadcast_in_dim3A_1445 : vector<16xf32>
        %swap3A_1495 = arith.index_cast %add3A_1449 : i32 to index
        %swap3A_1496 = arith.constant 64 : index
        %swap3A_1497 = tpu.vector_load %arg13[%swap3A_1495, %swap3A_1496] {strides = array<i32>} : memref<80x128xf32, #tpu.memory_space<vmem>>, vector<1x16xf32>,
        %swap3A_1498 = vector.shape_cast %swap3A_1497 : vector<1x16xf32> to vector<16xf32>
        %swap3A_1499 = vector.shape_cast %mul3A_1494 : vector<16xf32> to vector<1x16xf32>
        tpu.vector_store %arg13[%swap3A_1495, %swap3A_1496], %swap3A_1499 {strides = array<i32>} : memref<80x128xf32, #tpu.memory_space<vmem>>, vector<1x16xf32>,
        %get3A_1500 = arith.index_cast %add3A_1449 : i32 to index
        %get3A_1501 = arith.constant 80 : index
        %get3A_1502 = tpu.vector_load %arg13[%get3A_1500, %get3A_1501] {strides = array<i32>} : memref<80x128xf32, #tpu.memory_space<vmem>>, vector<1x16xf32>,
        %get3A_1503 = vector.shape_cast %get3A_1502 : vector<1x16xf32> to vector<16xf32>
        %mul3A_1504 = arith.mulf %get3A_1503, %broadcast_in_dim3A_1445 : vector<16xf32>
        %swap3A_1505 = arith.index_cast %add3A_1449 : i32 to index
        %swap3A_1506 = arith.constant 80 : index
        %swap3A_1507 = tpu.vector_load %arg13[%swap3A_1505, %swap3A_1506] {strides = array<i32>} : memref<80x128xf32, #tpu.memory_space<vmem>>, vector<1x16xf32>,
        %swap3A_1508 = vector.shape_cast %swap3A_1507 : vector<1x16xf32> to vector<16xf32>
        %swap3A_1509 = vector.shape_cast %mul3A_1504 : vector<16xf32> to vector<1x16xf32>
        tpu.vector_store %arg13[%swap3A_1505, %swap3A_1506], %swap3A_1509 {strides = array<i32>} : memref<80x128xf32, #tpu.memory_space<vmem>>, vector<1x16xf32>,
        %get3A_1510 = arith.index_cast %add3A_1449 : i32 to index
        %get3A_1511 = arith.constant 96 : index
        %get3A_1512 = tpu.vector_load %arg13[%get3A_1510, %get3A_1511] {strides = array<i32>} : memref<80x128xf32, #tpu.memory_space<vmem>>, vector<1x16xf32>,
        %get3A_1513 = vector.shape_cast %get3A_1512 : vector<1x16xf32> to vector<16xf32>
        %mul3A_1514 = arith.mulf %get3A_1513, %broadcast_in_dim3A_1445 : vector<16xf32>
        %swap3A_1515 = arith.index_cast %add3A_1449 : i32 to index
        %swap3A_1516 = arith.constant 96 : index
        %swap3A_1517 = tpu.vector_load %arg13[%swap3A_1515, %swap3A_1516] {strides = array<i32>} : memref<80x128xf32, #tpu.memory_space<vmem>>, vector<1x16xf32>,
        %swap3A_1518 = vector.shape_cast %swap3A_1517 : vector<1x16xf32> to vector<16xf32>
        %swap3A_1519 = vector.shape_cast %mul3A_1514 : vector<16xf32> to vector<1x16xf32>
        tpu.vector_store %arg13[%swap3A_1515, %swap3A_1516], %swap3A_1519 {strides = array<i32>} : memref<80x128xf32, #tpu.memory_space<vmem>>, vector<1x16xf32>,
        %get3A_1520 = arith.index_cast %add3A_1449 : i32 to index
        %get3A_1521 = arith.constant 112 : index
        %get3A_1522 = tpu.vector_load %arg13[%get3A_1520, %get3A_1521] {strides = array<i32>} : memref<80x128xf32, #tpu.memory_space<vmem>>, vector<1x16xf32>,
        %get3A_1523 = vector.shape_cast %get3A_1522 : vector<1x16xf32> to vector<16xf32>
        %mul3A_1524 = arith.mulf %get3A_1523, %broadcast_in_dim3A_1445 : vector<16xf32>
        %swap3A_1525 = arith.index_cast %add3A_1449 : i32 to index
        %swap3A_1526 = arith.constant 112 : index
        %swap3A_1527 = tpu.vector_load %arg13[%swap3A_1525, %swap3A_1526] {strides = array<i32>} : memref<80x128xf32, #tpu.memory_space<vmem>>, vector<1x16xf32>,
        %swap3A_1528 = vector.shape_cast %swap3A_1527 : vector<1x16xf32> to vector<16xf32>
        %swap3A_1529 = vector.shape_cast %mul3A_1524 : vector<16xf32> to vector<1x16xf32>
        tpu.vector_store %arg13[%swap3A_1525, %swap3A_1526], %swap3A_1529 {strides = array<i32>} : memref<80x128xf32, #tpu.memory_space<vmem>>, vector<1x16xf32>,
      }
      %scan3A_133 = arith.constant 5 : i32
      "tpu.region"() ({
        %run_scoped3A = tpu.sem_alloc : memref<!tpu.dma_semaphore, #tpu.memory_space<semaphore_mem>>
        %dma_start3A_134 = arith.constant 0 : i32
        %dma_start3A_135 = arith.constant 0 : i32
        %dma_start3A_136 = tpu.memref_slice %arg14[%dma_start3A_134, %dma_start3A_135] : memref<10240x128xf32, #tpu.memory_space<vmem_shared>> -> memref<10240x128xf32, #tpu.memory_space<vmem_shared>>
        tpu.enqueue_indirect_dma source(%arg13 : memref<80x128xf32, #tpu.memory_space<vmem>>) target(%dma_start3A_136 : memref<10240x128xf32, #tpu.memory_space<vmem_shared>>) offsets(%arg9 : memref<80xi32, #tpu.memory_space<vmem>>) semaphore(%run_scoped3A : memref<!tpu.dma_semaphore, #tpu.memory_space<semaphore_mem>>) {add = true}
        %dma_wait3A_137 = arith.constant 0 : i32
        %dma_wait3A_138 = arith.constant 0 : i32
        %dma_wait3A_139 = tpu.memref_slice %arg14[%dma_wait3A_137, %dma_wait3A_138] : memref<10240x128xf32, #tpu.memory_space<vmem_shared>> -> memref<10240x128xf32, #tpu.memory_space<vmem_shared>>
        tpu.wait_indirect_dma semaphore(%run_scoped3A : memref<!tpu.dma_semaphore, #tpu.memory_space<semaphore_mem>>) src(%arg13 : memref<80x128xf32, #tpu.memory_space<vmem>>) dst(%dma_wait3A_139 : memref<10240x128xf32, #tpu.memory_space<vmem_shared>>)
        tpu.yield
      }) : () -> ()
    }
    %scan3A_44 = arith.constant 125 : i32
    %barrier3A_45 = arith.constant 0 : index
    tpu.barrier barrier_id(%barrier3A_45)
    %mul3A_46 = arith.constant 640 : i32
    %mul3A_47 = arith.muli %arg1, %mul3A_46 : i32
    %mul3A_48 = arith.constant 640 : i32
    %mul3A_49 = arith.muli %arg1, %mul3A_48 : i32
    "tpu.region"() ({
      %run_scoped3A = tpu.sem_alloc : memref<!tpu.dma_semaphore, #tpu.memory_space<semaphore_mem>>
      %dma_start3A = arith.constant 0 : i32
      %dma_start3A_50 = tpu.memref_slice %arg7[%arg0, %mul3A_49, %dma_start3A] : memref<2x10240x128xf32, #tpu.memory_space<hbm>> -> memref<1x640x128xf32, #tpu.memory_space<hbm>>
      %dma_start3A_51 = tpu.memref_squeeze %dma_start3A_50 : memref<1x640x128xf32, #tpu.memory_space<hbm>> -> memref<640x128xf32, #tpu.memory_space<hbm>>
      %dma_start3A_52 = arith.constant 0 : i32
      %dma_start3A_53 = tpu.memref_slice %arg14[%mul3A_47, %dma_start3A_52] : memref<10240x128xf32, #tpu.memory_space<vmem_shared>> -> memref<640x128xf32, #tpu.memory_space<vmem_shared>>
      tpu.enqueue_dma source(%dma_start3A_53 : memref<640x128xf32, #tpu.memory_space<vmem_shared>>) target(%dma_start3A_51 : memref<640x128xf32, #tpu.memory_space<hbm>>) target_semaphore(%run_scoped3A : memref<!tpu.dma_semaphore, #tpu.memory_space<semaphore_mem>>)
      %dma_wait3A = arith.constant 0 : i32
      %dma_wait3A_54 = tpu.memref_slice %arg7[%arg0, %mul3A_49, %dma_wait3A] : memref<2x10240x128xf32, #tpu.memory_space<hbm>> -> memref<1x640x128xf32, #tpu.memory_space<hbm>>
      %dma_wait3A_55 = tpu.memref_squeeze %dma_wait3A_54 : memref<1x640x128xf32, #tpu.memory_space<hbm>> -> memref<640x128xf32, #tpu.memory_space<hbm>>
      %dma_wait3A_56 = arith.constant 0 : i32
      %dma_wait3A_57 = tpu.memref_slice %arg14[%mul3A_47, %dma_wait3A_56] : memref<10240x128xf32, #tpu.memory_space<vmem_shared>> -> memref<640x128xf32, #tpu.memory_space<vmem_shared>>
      tpu.wait_dma2 semaphore(%run_scoped3A : memref<!tpu.dma_semaphore, #tpu.memory_space<semaphore_mem>>) src(%dma_wait3A_57 : memref<640x128xf32, #tpu.memory_space<vmem_shared>>) dst(%dma_wait3A_55 : memref<640x128xf32, #tpu.memory_space<hbm>>)
      tpu.yield
    }) : () -> ()
    return
  }
}

module attributes {stable_mosaic.version = 14 : i64} {
  func.func @_matmul_body(%arg0: i32, %arg1: i32, %arg2: memref<1000x128xf32, #tpu.memory_space<vmem>>, %arg3: memref<1x128x128xf32, #tpu.memory_space<vmem>>, %arg4: memref<1x1000x128xf32, #tpu.memory_space<vmem>>) attributes {dimension_semantics = [#tpu.dimension_semantics<arbitrary>, #tpu.dimension_semantics<arbitrary>], iteration_bounds = array<i64: 17, 10>, scalar_prefetch = 0 : i64, scratch_operands = 0 : i64, tpu.core_type = #tpu.core_type<tc>, window_params = [{transform_indices = @transform_0, window_bounds = array<i64: 1000, 128>}, {transform_indices = @transform_1, window_bounds = array<i64: 1, 128, 128>}, {transform_indices = @transform_2, window_bounds = array<i64: 1, 1000, 128>}]} {
    %get3A = arith.constant 0 : index
    %get3A_0 = arith.constant 0 : index
    %get3A_1 = vector.load %arg2[%get3A, %get3A_0] : memref<1000x128xf32, #tpu.memory_space<vmem>>, vector<1000x128xf32>
    %get3A_2 = arith.constant 0 : index
    %get3A_3 = arith.constant 0 : index
    %get3A_4 = arith.constant 0 : index
    %get3A_5 = vector.load %arg3[%get3A_2, %get3A_3, %get3A_4] : memref<1x128x128xf32, #tpu.memory_space<vmem>>, vector<1x128x128xf32>
    %get3A_6 = vector.shape_cast %get3A_5 : vector<1x128x128xf32> to vector<128x128xf32>
    %dot_general3A = arith.constant dense<0.000000e+00> : vector<1000x128xf32>
    %dot_general3A_7 = tpu.matmul %get3A_1, %get3A_6, %dot_general3A {dimension_numbers = #tpu.dot_dimension_numbers<[1], [0], [0], [1], [0, 0, 1, 1], [], []>, transpose_lhs_hint = false} : vector<1000x128xf32>, vector<128x128xf32>, vector<1000x128xf32> -> vector<1000x128xf32>
    %swap3A = arith.constant 0 : index
    %swap3A_8 = arith.constant 0 : index
    %swap3A_9 = arith.constant 0 : index
    %swap3A_10 = vector.load %arg4[%swap3A, %swap3A_8, %swap3A_9] : memref<1x1000x128xf32, #tpu.memory_space<vmem>>, vector<1x1000x128xf32>
    %swap3A_11 = vector.shape_cast %swap3A_10 : vector<1x1000x128xf32> to vector<1000x128xf32>
    %swap3A_12 = vector.shape_cast %dot_general3A_7 : vector<1000x128xf32> to vector<1x1000x128xf32>
    tpu.vector_store %arg4[%swap3A, %swap3A_8, %swap3A_9], %swap3A_12 {strides = array<i32>} : memref<1x1000x128xf32, #tpu.memory_space<vmem>>, vector<1x1000x128xf32>,
    return
  }
  func.func @transform_0(%arg0: i32, %arg1: i32) -> (i32, i32) {
    %c0_i32 = arith.constant 0 : i32
    %c0_i32_0 = arith.constant 0 : i32
    return %arg1, %c0_i32 : i32, i32
  }
  func.func @transform_1(%arg0: i32, %arg1: i32) -> (i32, i32, i32) {
    %c0_i32 = arith.constant 0 : i32
    %c0_i32_0 = arith.constant 0 : i32
    %c0_i32_1 = arith.constant 0 : i32
    return %arg0, %c0_i32, %c0_i32_0 : i32, i32, i32
  }
  func.func @transform_2(%arg0: i32, %arg1: i32) -> (i32, i32, i32) {
    %c0_i32 = arith.constant 0 : i32
    %c0_i32_0 = arith.constant 0 : i32
    return %arg0, %arg1, %c0_i32 : i32, i32, i32
  }
}

module attributes {stable_mosaic.version = 14 : i64} {
  func.func @_epilogue_body(%arg0: i32, %arg1: memref<2x2000x128xf32, #tpu.memory_space<vmem>>, %arg2: memref<2000x128xf32, #tpu.memory_space<vmem>>, %arg3: memref<3x128xf32, #tpu.memory_space<vmem>>, %arg4: memref<2000x128xf32, #tpu.memory_space<vmem>>) attributes {dimension_semantics = [#tpu.dimension_semantics<arbitrary>], iteration_bounds = array<i64: 5>, scalar_prefetch = 0 : i64, scratch_operands = 0 : i64, tpu.core_type = #tpu.core_type<tc>, window_params = [{transform_indices = @transform_0, window_bounds = array<i64: 2, 2000, 128>}, {transform_indices = @transform_1, window_bounds = array<i64: 2000, 128>}, {pipeline_mode = #tpu.pipeline_mode<synchronous>, transform_indices = @transform_2, window_bounds = array<i64: 3, 128>}, {transform_indices = @transform_3, window_bounds = array<i64: 2000, 128>}]} {
    %get3A = arith.constant 0 : index
    %get3A_0 = arith.constant 0 : index
    %get3A_1 = arith.constant 0 : index
    %get3A_2 = vector.load %arg1[%get3A, %get3A_0, %get3A_1] : memref<2x2000x128xf32, #tpu.memory_space<vmem>>, vector<1x2000x128xf32>
    %get3A_3 = vector.shape_cast %get3A_2 : vector<1x2000x128xf32> to vector<2000x128xf32>
    %get3A_4 = arith.constant 1 : index
    %get3A_5 = arith.constant 0 : index
    %get3A_6 = arith.constant 0 : index
    %get3A_7 = vector.load %arg1[%get3A_4, %get3A_5, %get3A_6] : memref<2x2000x128xf32, #tpu.memory_space<vmem>>, vector<1x2000x128xf32>
    %get3A_8 = vector.shape_cast %get3A_7 : vector<1x2000x128xf32> to vector<2000x128xf32>
    %add3A = arith.addf %get3A_3, %get3A_8 : vector<2000x128xf32>
    %reduce_sum3A = arith.constant dense<0.000000e+00> : vector<2000xf32>
    %reduce_sum3A_9 = vector.multi_reduction <add>, %add3A, %reduce_sum3A [1] : vector<2000x128xf32> to vector<2000xf32>
    %broadcast_in_dim3A = vector.shape_cast %reduce_sum3A_9 : vector<2000xf32> to vector<2000x1xf32>
    %div3A = arith.constant 1.280000e+02 : f32
    %div3A_10 = vector.broadcast %div3A : f32 to vector<2000x1xf32>
    %div3A_11 = arith.divf %broadcast_in_dim3A, %div3A_10 : vector<2000x1xf32>
    %sub3A = vector.broadcast %div3A_11 : vector<2000x1xf32> to vector<2000x128xf32>
    %sub3A_12 = arith.subf %add3A, %sub3A : vector<2000x128xf32>
    %integer_pow3A = arith.mulf %sub3A_12, %sub3A_12 : vector<2000x128xf32>
    %reduce_sum3A_13 = arith.constant dense<0.000000e+00> : vector<2000xf32>
    %reduce_sum3A_14 = vector.multi_reduction <add>, %integer_pow3A, %reduce_sum3A_13 [1] : vector<2000x128xf32> to vector<2000xf32>
    %broadcast_in_dim3A_15 = vector.shape_cast %reduce_sum3A_14 : vector<2000xf32> to vector<2000x1xf32>
    %div3A_16 = arith.constant 1.280000e+02 : f32
    %div3A_17 = vector.broadcast %div3A_16 : f32 to vector<2000x1xf32>
    %div3A_18 = arith.divf %broadcast_in_dim3A_15, %div3A_17 : vector<2000x1xf32>
    %sub3A_19 = vector.broadcast %div3A_11 : vector<2000x1xf32> to vector<2000x128xf32>
    %sub3A_20 = arith.subf %add3A, %sub3A_19 : vector<2000x128xf32>
    %add3A_21 = arith.constant 9.99999974E-6 : f32
    %add3A_22 = vector.broadcast %add3A_21 : f32 to vector<2000x1xf32>
    %add3A_23 = arith.addf %div3A_18, %add3A_22 : vector<2000x1xf32>
    %rsqrt3A = math.rsqrt %add3A_23 : vector<2000x1xf32>
    %mul3A = vector.broadcast %rsqrt3A : vector<2000x1xf32> to vector<2000x128xf32>
    %mul3A_24 = arith.mulf %sub3A_20, %mul3A : vector<2000x128xf32>
    %get3A_25 = arith.constant 0 : index
    %get3A_26 = arith.constant 0 : index
    %get3A_27 = vector.load %arg3[%get3A_25, %get3A_26] : memref<3x128xf32, #tpu.memory_space<vmem>>, vector<1x128xf32>
    %get3A_28 = vector.shape_cast %get3A_27 : vector<1x128xf32> to vector<128xf32>
    %broadcast_in_dim3A_29 = vector.shape_cast %get3A_28 : vector<128xf32> to vector<1x128xf32>
    %mul3A_30 = vector.broadcast %broadcast_in_dim3A_29 : vector<1x128xf32> to vector<2000x128xf32>
    %mul3A_31 = arith.mulf %mul3A_24, %mul3A_30 : vector<2000x128xf32>
    %get3A_32 = arith.constant 1 : index
    %get3A_33 = arith.constant 0 : index
    %get3A_34 = vector.load %arg3[%get3A_32, %get3A_33] : memref<3x128xf32, #tpu.memory_space<vmem>>, vector<1x128xf32>
    %get3A_35 = vector.shape_cast %get3A_34 : vector<1x128xf32> to vector<128xf32>
    %broadcast_in_dim3A_36 = vector.shape_cast %get3A_35 : vector<128xf32> to vector<1x128xf32>
    %add3A_37 = vector.broadcast %broadcast_in_dim3A_36 : vector<1x128xf32> to vector<2000x128xf32>
    %add3A_38 = arith.addf %mul3A_31, %add3A_37 : vector<2000x128xf32>
    %get3A_39 = arith.constant 2 : index
    %get3A_40 = arith.constant 0 : index
    %get3A_41 = vector.load %arg3[%get3A_39, %get3A_40] : memref<3x128xf32, #tpu.memory_space<vmem>>, vector<1x128xf32>
    %get3A_42 = vector.shape_cast %get3A_41 : vector<1x128xf32> to vector<128xf32>
    %broadcast_in_dim3A_43 = vector.shape_cast %get3A_42 : vector<128xf32> to vector<1x128xf32>
    %add3A_44 = vector.broadcast %broadcast_in_dim3A_43 : vector<1x128xf32> to vector<2000x128xf32>
    %add3A_45 = arith.addf %add3A_38, %add3A_44 : vector<2000x128xf32>
    %get3A_46 = arith.constant 0 : index
    %get3A_47 = arith.constant 0 : index
    %get3A_48 = vector.load %arg2[%get3A_46, %get3A_47] : memref<2000x128xf32, #tpu.memory_space<vmem>>, vector<2000x128xf32>
    %add3A_49 = arith.addf %add3A_45, %get3A_48 : vector<2000x128xf32>
    %swap3A = arith.constant 0 : index
    %swap3A_50 = arith.constant 0 : index
    %swap3A_51 = vector.load %arg4[%swap3A, %swap3A_50] : memref<2000x128xf32, #tpu.memory_space<vmem>>, vector<2000x128xf32>
    tpu.vector_store %arg4[%swap3A, %swap3A_50], %add3A_49 {strides = array<i32>} : memref<2000x128xf32, #tpu.memory_space<vmem>>, vector<2000x128xf32>,
    return
  }
  func.func @transform_0(%arg0: i32) -> (i32, i32, i32) {
    %c0_i32 = arith.constant 0 : i32
    %c0_i32_0 = arith.constant 0 : i32
    %c0_i32_1 = arith.constant 0 : i32
    return %c0_i32, %arg0, %c0_i32_0 : i32, i32, i32
  }
  func.func @transform_1(%arg0: i32) -> (i32, i32) {
    %c0_i32 = arith.constant 0 : i32
    %c0_i32_0 = arith.constant 0 : i32
    return %arg0, %c0_i32 : i32, i32
  }
  func.func @transform_2(%arg0: i32) -> (i32, i32) {
    %c0_i32 = arith.constant 0 : i32
    %c0_i32_0 = arith.constant 0 : i32
    %c0_i32_1 = arith.constant 0 : i32
    return %c0_i32, %c0_i32_0 : i32, i32
  }
  func.func @transform_3(%arg0: i32) -> (i32, i32) {
    %c0_i32 = arith.constant 0 : i32
    %c0_i32_0 = arith.constant 0 : i32
    return %arg0, %c0_i32 : i32, i32
  }
}

</mosaic_0001>

<sc_bundles>
// kernel: gather_offload_async_start
scs
__scs_entry_jumppad:
0x0: {  	(pc) =	sbr.rel $0x88, $3  }
0x1: {  	(tag) =	ssettag $0x0;
	lr =	simm.s32 $0x1  }
0x2: {  	[smem:$0x3F97] =	sst lr;
	_ =	strace $0xD0000000  }
0x3: {  	_ = 	snop  }
0x4: {  	_ = 	snop  }
0x5: {  	_ = 	snop  }
0x6: {  	_ = 	snop  }
0x7: {  	_ = 	snop  }
__scs_overlays_trampoline_lowered:
0x8: {  	[smem:$0x3FA6] =	sst s0  }
0x9: {  	[smem:$0x3FA7] =	sst s1  }
0xa: {  	[smem:$0x3FA8] =	sst s2  }
0xb: {  	[smem:$0x3FA9] =	sst s3  }
0xc: {  	[smem:$0x3FAA] =	sst s4  }
0xd: {  	[smem:$0x3FAB] =	sst s5  }
0xe: {  	[smem:$0x3FAC] =	sst s6  }
0xf: {  	[smem:$0x3FAD] =	sst s7  }
0x10: {  	[smem:$0x3FAE] =	sst s8  }
0x11: {  	[smem:$0x3FAF] =	sst s9;
	s0 =	simm.s32 @!p0 $0x0  }
0x12: {  	s1 =	sld [smem:$0x3F95];
	s0 =	simm.s32 @p0 $0x1  }
0x13: {  	[smem:$0x3FB0] =	sst s0;
	s0 =	simm.s32 @!p1 $0x0  }
0x14: {  	s2 =	sld [smem:$0x3F94];
	s0 =	simm.s32 @p1 $0x1  }
0x15: {  	[smem:$0x3FB1] =	sst s0;
	s0 =	simm.s32 @!p2 $0x0  }
0x16: {  	s3 =	sld [smem:$0x3FDB];
	s0 =	simm.s32 @p2 $0x1  }
0x17: {  	s4 =	simm.s32 $0x1BF5;
	[smem:$0x3FB3] =	sst s0  }
0x18: {  	s0 =	sld [smem:$0x3F96];
	_ =	swait.ge [sflag:s4], $0x0  }
0x19: {  	s7 =	sld [smem:$0x3F97]  }
0x1a: {  	s8 =	sadd.s32 $0xFFFFE003, lr  }
0x1b: {  	s9 =	sadd.s32 $0xFFFFFEF7, lr;
	s5 =	simm.s32 $0xFFFFFFFF;
	p2 =	slt.u32 s8, $0xFFFFF086  }
0x1c: {  	p1 =	slt.u32 s9, $0xF7A;
	s5 =	simm.s32 @!p2 $0x0  }
0x1d: {  	s5 =	simm.s32 @p1 $0x1;
	p0 =	seq.s32 s7, s2  }
0x1e: {  	s7 =	smul.u32 @!p0 $0xF7A, s2;
	p2 =	seq.s32 @!p0 s5, $0x0  }
0x1f: {  	s9 =	smul.u32 $0xF7A, s1;
	s8 =	simm.s32 @!p0 $0x1BF5;
	p2 =	por !p2, p0  }
0x20: {  	[sflag:s8] =	ssyncset.s32 @!p0 $0xFFFFF086;
	s6 =	sadd.s32 @!p0 s3, s7;
	s7 =	simm.s32 @!p0 $0x108  }
0x21: {  	s3 =	sadd.s32 s3, s9;
	s6 =	sadd.s32 @!p0 $0x88, s6;
	s7 =	simm.s32 @p2 $0x1082  }
0x22: {  	[simem:s7], [sflag:s8] =	dma.local @!p0 [hbm:s6], $0xF7A  }
0x23: {  	s9 =	sor.u32 $0xD0000000, s2;
	s6 =	simm.s32 $0x108;
	_ =	swait.ge @!p0 [sflag:s8], $0x0  }
0x24: {  	s3 =	sadd.s32 $0x88, s3;
	s6 =	simm.s32 @!p1 $0x1082;
	[sflag:s4] =	ssyncset.s32 $0xFFFFF086  }
0x25: {  	[simem:s6], [sflag:s4] =	dma.local [hbm:s3], $0xF7A  }
0x26: {  	[smem:$0x3F97] =	sst s1;
	(tag) =	ssettag s2;
	_ =	strace s9  }
0x27: {  	s1 =	sld [smem:$0x3FA7]  }
0x28: {  	s2 =	sld [smem:$0x3FA8]  }
0x29: {  	s4 =	sld [smem:$0x3FAA]  }
0x2a: {  	p0 =	seq.s32 s5, $0x0;
	s5 =	sld [smem:$0x3FAB]  }
0x2b: {  	s6 =	sld [smem:$0x3FAC]  }
0x2c: {  	s7 =	sld [smem:$0x3FAD]  }
0x2d: {  	s3 =	simm.s32 $0x108;
	s8 =	sld [smem:$0x3FAE]  }
0x2e: {  	s3 =	simm.s32 @!p0 $0x1082;
	s9 =	sld [smem:$0x3FAF]  }
0x2f: {  	lr =	sadd.s32 s0, s3;
	s0 =	sld [smem:$0x3FA6]  }
0x30: {  	s3 =	sld [smem:$0x3FA9]  }
0x31: {  	[smem:$0x3FB2] =	sst s10  }
0x32: {  	s10 =	sld [smem:$0x3FB0];
	_ =	sdelay $0x3  }
0x33: {  	p0 =	seq.s32 s10, $0x1;
	s10 =	sld [smem:$0x3FB2];
	_ =	sdelay $0x3  }
0x34: {  	[smem:$0x3FB2] =	sst s10  }
0x35: {  	s10 =	sld [smem:$0x3FB1];
	_ =	sdelay $0x3  }
0x36: {  	p1 =	seq.s32 s10, $0x1;
	s10 =	sld [smem:$0x3FB2];
	_ =	sdelay $0x3  }
0x37: {  	[smem:$0x3FB2] =	sst s10  }
0x38: {  	s10 =	sld [smem:$0x3FB3]  }
0x39: {  	_ = 	snop;
	(pc) =	sbr.ind lr, $3  }
0x3a: {  	_ = 	snop  }
0x3b: {  	_ = 	snop  }
0x3c: {  	p2 =	seq.s32 s10, $0x1;
	s10 =	sld [smem:$0x3FB2]  }
0x3d: {  	_ =	shalt  }
0x3e: {  	_ =	shalt  }
0x3f: {  	_ =	shalt  }
0x40: {  	_ =	shalt  }
0x41: {  	_ =	shalt  }
0x42: {  	_ =	shalt  }
0x43: {  	_ =	shalt  }
0x44: {  	_ =	shalt  }
0x45: {  	_ =	shalt  }
0x46: {  	_ =	shalt  }
0x47: {  	_ =	shalt  }
0x48: {  	_ =	shalt  }
0x49: {  	_ =	shalt  }
0x4a: {  	_ =	shalt  }
0x4b: {  	_ =	shalt  }
0x4c: {  	_ =	shalt  }
0x4d: {  	_ =	shalt  }
0x4e: {  	_ =	shalt  }
0x4f: {  	_ =	shalt  }
0x50: {  	_ =	shalt  }
0x51: {  	_ =	shalt  }
0x52: {  	_ =	shalt  }
0x53: {  	_ =	shalt  }
0x54: {  	_ =	shalt  }
0x55: {  	_ =	shalt  }
0x56: {  	_ =	shalt  }
0x57: {  	_ =	shalt  }
0x58: {  	_ =	shalt  }
0x59: {  	_ =	shalt  }
0x5a: {  	_ =	shalt  }
0x5b: {  	_ =	shalt  }
0x5c: {  	_ =	shalt  }
0x5d: {  	_ =	shalt  }
0x5e: {  	_ =	shalt  }
0x5f: {  	_ =	shalt  }
0x60: {  	_ =	shalt  }
0x61: {  	_ =	shalt  }
0x62: {  	_ =	shalt  }
0x63: {  	_ =	shalt  }
0x64: {  	_ =	shalt  }
0x65: {  	_ =	shalt  }
0x66: {  	_ =	shalt  }
0x67: {  	_ =	shalt  }
0x68: {  	_ =	shalt  }
0x69: {  	_ =	shalt  }
0x6a: {  	_ =	shalt  }
0x6b: {  	_ =	shalt  }
0x6c: {  	_ =	shalt  }
0x6d: {  	_ =	shalt  }
0x6e: {  	_ =	shalt  }
0x6f: {  	_ =	shalt  }
0x70: {  	_ =	shalt  }
0x71: {  	_ =	shalt  }
0x72: {  	_ =	shalt  }
0x73: {  	_ =	shalt  }
0x74: {  	_ =	shalt  }
0x75: {  	_ =	shalt  }
0x76: {  	_ =	shalt  }
0x77: {  	_ =	shalt  }
0x78: {  	_ =	shalt  }
0x79: {  	_ =	shalt  }
0x7a: {  	_ =	shalt  }
0x7b: {  	_ =	shalt  }
0x7c: {  	_ =	shalt  }
0x7d: {  	_ =	shalt  }
0x7e: {  	_ =	shalt  }
0x7f: {  	_ =	shalt  }
0x80: {  	_ =	shalt  }
0x81: {  	_ =	shalt  }
0x82: {  	_ =	shalt  }
0x83: {  	_ =	shalt  }
0x84: {  	_ =	shalt  }
0x85: {  	_ =	shalt  }
0x86: {  	_ =	shalt  }
0x87: {  	_ =	shalt  }
.Lfunc_end0:
.L_simem_size_0:
called_computation_lowered:
.L_overlay_start_0:
0x88: {  	s0 =	sld [smem:$0x3FD9]  }
0x89: {  	s1 =	sld [smem:$0x3FFE];
	_ =	sdelay $0x3  }
0x8a: {  	s0 =	sadd.s32 s1, s0  }
0x8b: {  	[smem:$0x3FBE] =	sst s0  }
0x8c: {  	_ = 	snop  }
0x8d: {  	s0 =	sld [smem:$0x3FC5]  }
0x8e: {  	s16 =	sld [smem:$0x3FD0];
	(tm) =	ssettm $0x1  }
0x8f: {  	s2 =	sld [smem:$0x3FFB];
	_ =	sdelay $0x3  }
0x90: {  	_ =	strace s2  }
0x91: {  	s2 =	sld [smem:$0x3FFC];
	_ =	sdelay $0x3  }
0x92: {  	_ =	strace s2  }
0x93: {  	s2 =	sld [smem:$0x3FFD];
	_ =	sdelay $0x3  }
0x94: {  	_ =	strace s2  }
0x95: {  	_ =	strace $0x8FFFFFFF  }
0x96: {  	s17 =	sld [smem:$0x3FDB];
	_ =	sdelay $0x1  }
0x97: {  	s3 =	simm.s32 $_scs_section_size  }
0x98: {  	s4 =	simm.s32 $_size__tile_overlayer_lowered;
	s5 =	simm.s32 $_tile_overlayer_lowered  }
0x99: {  	s20 =	simm.s32 $0x1BFF;
	s19 =	sshll.u32 s5, $0x1;
	s2 =	sadd.s32 s3, s17  }
0x9a: {  	s6 =	simm.s32 $0x0;
	s18 =	sshll.u32 s4, $0x1;
	s4 =	sadd.s32 s19, s2  }
0x9b: {  	[timem:s6], [sflag:s20] =	dma.local [hbm:s4], s18  }
0x9c: {  	_ =	swait.ge [sflag:s20], s18  }
0x9d: {  	s3 =	ssub.s32 $0x0, s18;
	[sflag:s20] =	ssyncset.done $0x0  }
0x9e: {  	[sflag:s20] =	ssyncadd.s32 s3;
	_ =	sdelay $0x1  }
0x9f: {  	s21 =	simm.s32 $0x1B8B  }
0xa0: {  	_ =	swait.ge [sflag:s21], $0x1  }
0xa1: {  	[sflag:s21] =	ssyncset.done $0x0  }
0xa2: {  	s23 =	simm.s32 $0x1B8E;
	s22 =	sld [smem:$0x3FFE];
	[sflag:s21] =	ssyncadd.s32 $0xFFFFFFFF  }
0xa3: {  	s24 =	simm.s32 $execute0_lowered;
	[smem:$0x3FD2] =	sst s23  }
0xa4: {  	s4 =	sshll.u32 s24, $0x1;
	_ =	strace $0x80000046;
	[dreg:$0x1] =	wrdreg $0xFFFFFFFF  }
0xa5: {  	s25 =	simm.s32 $_size_execute0_lowered;
	s2 =	sadd.s32 s2, s4;
	[dreg:$0x0] =	wrdreg $0x0  }
0xa6: {  	s4 =	sshll.u32 s25, $0x1;
	[dreg:$0x2] =	wrdreg s2  }
0xa7: {  	[dreg:$0x3] =	wrdreg s4  }
0xa8: {  	[dreg:$0x4] =	wrdreg $0xC0  }
0xa9: {  	_ =	task [dreg:s6], $0x5FFFF  }
0xaa: {  	[dreg:$0x1] =	wrdreg $0xFFFFFFFF  }
0xab: {  	[dreg:$0x0] =	wrdreg $0x60  }
0xac: {  	[dreg:$0x2] =	wrdreg s0  }
0xad: {  	[dreg:$0x3] =	wrdreg s22  }
0xae: {  	[dreg:$0x4] =	wrdreg s16  }
0xaf: {  	[dreg:$0x5] =	wrdreg $0x9  }
0xb0: {  	_ =	task.clear_ibuf [dreg:s6], $0x6FFFF;
	_ =	strace $0x90000046  }
0xb1: {  	s26 =	simm.s32 $0x9;
	_ =	strace $0x80000048  }
0xb2: {  	_ =	swait.ge [sflag:s26], $0x1  }
0xb3: {  	[sflag:s26] =	ssyncadd.s32 $0xFFFFFFFF  }
0xb4: {  	_ =	strace $0x90000048  }
0xb5: {  	_ =	sfence  }
0xb6: {  	s28 =	sld [smem:$0x0];
	_ =	sdelay $0x1  }
0xb7: {  	s29 =	srdreg.scid  }
0xb8: {  	s30 =	sshll.u32 s29, $0xD;
	s31 =	sshrl.u32 s29, $0x2  }
0xb9: {  	s1 =	sand.u32 $0x1, s29;
	s2 =	sand.u32 $0x4000, s30;
	s0 =	sadd.s32 s31, s28  }
0xba: {  	s1 =	sor.u32 s2, s1;
	s0 =	sshll.u32 s0, $0x11  }
0xbb: {  	s0 =	sor.u32 s0, s1  }
0xbc: {  	s0 =	sadd.s32 $0x8F2B, s0  }
0xbd: {  	[sflag:s0] =	ssyncadd.remote.s32 $0x1  }
0xbe: {  	_ =	sfence.sel $0xFFFF  }
0xbf: {  	[dreg:$0x0] =	wrdreg $0xFFFFFFFF;
	(pc) =	sbr.abs _section_cstart, $3  }
0xc0: {  	[dreg:$0x1] =	wrdreg $0xFFFFFFFF  }
0xc1: {  	_ =	task.clear_ibuf [dreg:s6], $0x2FFFF;
	_ =	strace $0x9FFFFFFF  }
0xc2: {  	(tm) =	ssettm $0x7FFFFFFF  }
0xc3: {  	_ =	shalt  }
tec
execute0_lowered:
.L_overlay_start_1:
0x0: {  	(tag) =	ssettag $0x1  }
0x1: {  	s0 =	stileid.u32  }
0x2: {  	s1 =	smin.u32 s0, $0x9  }
0x3: {  	s1 =	sadd.s32 s0, s1  }
0x4: {  	s2 =	simm.s32 $0x320;
	p0 =	slt.u32 s0, $0x9;
	s1 =	smul.u32 $0x190, s1  }
0x5: {  	s2 =	simm.s32 @!p0 $0x190  }
0x6: {  	s2 =	sadd.s32 s2, s1  }
0x7: {  	s3 =	smin.u32 s2, $0x2710  }
0x8: {  	s7 =	ssub.s32 s3, s1  }
0x9: {  	p0 =	sgt.s32 s7, $0x0  }
0xa: {  	s7 =	simm.s32 @!p0 $0x0  }
0xb: {  	s31 =	sand.u32 $0xFFF0, s7  }
0xc: {  	s4 =	rddreg [dreg:$0x0];
	s2 =	sshrl.u32 s31, $0x4  }
0xd: {  	s9 =	rddreg [dreg:$0x1];
	s2 =	smul.u32 $0xA3E, s2  }
0xe: {  	s5 =	rddreg [dreg:$0x2]  }
0xf: {  	s6 =	simm.s32 $0x1;
	s11 =	simm.s32 $0x3;
	s8 =	sshrl.u32 s2, $0x10  }
0x10: {  	s13 =	simm.s32 $0x0;
	s12 =	simm.s32 $0x0;
	s10 =	smul.u32 $0x190, s8  }
.Ltmp0:
0x11: {  	s9 =	sadd.s32 $0xE00, s9;
	s2 =	rddreg [dreg:$0x3];
	(pc) =	sbr.rel .LBB2_1-.Ltmp0, $4  }
0x12: {  	_ =	strace $0x80000047;
	p0 =	sne.s32 s7, s10;
	s10 =	simm.s32 $0x1  }
0x13: {  	[sflag:s6] =	ssyncpa.u1 $0x0;
	s7 =	simm.s32 $0x2;
	s10 =	simm.s32 @!p0 $0x0  }
0x14: {  	[sflag:s7] =	ssyncpa.u1 $0x0;
	p0 =	por $0x0, $0x0;
	s8 =	sadd.s32 s8, s10  }
0x15: {  	vm0 =	vmmov $0xff;
	vm1 =	vcmask $0x3F20;
	[sflag:s11] =	ssyncpa.u1 $0x0;
	s11 =	smov.u32 s1;
	s10 =	sadd.s32 $0x1, s8  }
.LBB2_6:
0x16: {  	[hbm:s17] =	stream.linear.scatter [tilespmem:s14], [sflag:$0x3], $0x400, $0x38;
	[tilespmem:$0x19320] =	vst v63  }
.LBB2_7:
0x17: {  	s13 =	sadd.s32 $0x190, s11  }
0x18: {  	s15 =	smov.u32 s1;
	p2 =	slt.s32 s13, s3  }
0x19: {  	s15 =	smov.u32 @p2 s13;
	p2 =	sne.s32 s12, s10  }
.Ltmp1:
0x1a: {  	p1 =	slt.u32 s12, $0x2;
	(pc) =	sbr.rel @!p2 .LBB2_8-.Ltmp1, $4  }
0x1b: {  	s14 =	simm.s32 @!p1 $0x3  }
0x1c: {  	s16 =	sadd.s32 $0x1, s12;
	_ =	swait.ge @!p1 [sflag:s14], $0xC800  }
0x1d: {  	p0 =	por !p0, !p0;
	s13 =	smov.u32 s11;
	[sflag:s14] =	ssyncset.done @!p1 $0x0  }
0x1e: {  	s12 =	smov.u32 s16;
	s11 =	smov.u32 s15;
	[sflag:s14] =	ssyncadd.s32 @!p1 $0xFFFF3800  }
.LBB2_1:
0x1f: {  	p1 =	sge.u32 s12, s8  }
0x20: {  	s14 =	sxor.u32 @!p1 $0xFFFFFFFF, s12  }
0x21: {  	s14 =	sand.u32 @!p1 $0x1, s14  }
0x22: {  	s14 =	smul.u32 @!p1 $0x640, s14  }
0x23: {  	s31 =	sadd.s32 $0xFFFFFFFF, s12;
	s15 =	sshrl.u32 @!p1 s11, $0x3  }
0x24: {  	s16 =	sand.u32 @!p1 $0x7, s11;
	s15 =	sadd.s32 @!p1 s9, s15;
	s14 =	sshrl.u32 @!p1 s14, $0x2  }
0x25: {  	[tilespmem:s14], [sflag:$0x2] =	stream.linear.gather @!p1 [hbm4b:s15+s16], $0x190, $0x38;
	[tilespmem:$0x19320] =	vst v63  }
0x26: {  	p1 =	sge.u32 s31, s8  }
.Ltmp2:
0x27: {  	_ = 	snop;
	(pc) =	sbr.rel @p1 .LBB2_7-.Ltmp2, $1  }
0x28: {  	_ =	sdelay $0x3  }
0x29: {  	s14 =	simm.s32 $0x1  }
0x2a: {  	s14 =	simm.s32 @!p0 $0x0  }
0x2b: {  	s15 =	smul.u32 $0x640, s14  }
0x2c: {  	_ =	swait.ge [sflag:s7], $0x190  }
0x2d: {  	[sflag:s7] =	ssyncset.done $0x0;
	s16 =	sshrl.u32 s15, $0x2  }
0x2e: {  	[sflag:s7] =	ssyncadd.s32 $0xFFFFFE70;
	s15 =	sadd.s32 $0x0, s16  }
0x2f: {  	v0 =	vld.msk [tilespmem:s15+$0x0 ss:$0x1], $0xffff;
	_ =	sdelay $0x4  }
0x30: {  	vm2 =	vgt.s32 v0, $0x0  }
0x31: {  	v0 =	vnsel vm2, $0x0, v0  }
0x32: {  	v0 =	vmin.u32 v0, $0x270F  }
0x33: {  	v0 =	vshll.u32 v0, $0x4  }
0x34: {  	s14 =	smul.u32 $0x32000, s14;
	_ =	sdelay $0x1  }
0x35: {  	s14 =	sshrl.u32 s14, $0x2  }
0x36: {  	s14 =	sor.u32 $0x320, s14  }
0x37: {  	[tilespmem:s14], [sflag:$0x1] =	stream.indirect_vreg.gather [hbm:s4], $0x80, v0, vm0, $0x38;
	[tilespmem:$0x19320] =	vst v63  }
0x38: {  	s17 =	sadd.s32 $0x10, s16;
	s15 =	sadd.s32 $0x400, s14  }
0x39: {  	[tilespmem:s15], [sflag:$0x1] =	stream.indirect_vreg.gather [hbm:s4], $0x80, v0, vm1, $0x38;
	[tilespmem:$0x19320] =	vst v63  }
0x3a: {  	s18 =	simm.s32 $0x80;
	v0 =	vld.msk [tilespmem:s17+$0x0 ss:$0x1], $0xffff;
	s17 =	smov.u32 s14  }
.LBB2_3:
0x3b: {  	p1 =	sne.s32 s18, $0x600;
	_ =	sdelay $0x4  }
0x3c: {  	vm2 =	vgt.s32 v0, $0x0  }
0x3d: {  	v0 =	vnsel vm2, $0x0, v0  }
0x3e: {  	v0 =	vmin.u32 v0, $0x270F  }
0x3f: {  	v0 =	vshll.u32 v0, $0x4;
	_ =	sdelay $0x3  }
.Ltmp3:
0x40: {  	s19 =	sshra.s32 s18, $0x2;
	s17 =	sadd.s32 $0x800, s17;
	(pc) =	sbr.rel @p1 .LBB2_3-.Ltmp3, $4  }
0x41: {  	[tilespmem:s17], [sflag:$0x1] =	stream.indirect_vreg.gather [hbm:s4], $0x80, v0, vm0, $0x38;
	[tilespmem:$0x19320] =	vst v63  }
0x42: {  	s19 =	sadd.s32 s19, s16;
	s20 =	sadd.s32 $0x400, s17  }
0x43: {  	[tilespmem:s20], [sflag:$0x1] =	stream.indirect_vreg.gather [hbm:s4], $0x80, v0, vm1, $0x38;
	[tilespmem:$0x19320] =	vst v63  }
0x44: {  	s18 =	sadd.s32 $0x40, s18;
	v0 =	vld.msk [tilespmem:s19+$0x0 ss:$0x1], $0xffff  }
0x45: {  	_ =	sdelay $0x3  }
0x46: {  	vm2 =	vgt.s32 v0, $0x0  }
0x47: {  	v0 =	vnsel vm2, $0x0, v0  }
0x48: {  	v0 =	vmin.u32 v0, $0x270F  }
0x49: {  	v0 =	vshll.u32 v0, $0x4;
	_ =	sdelay $0x3  }
0x4a: {  	s16 =	sadd.s32 $0x800, s17  }
0x4b: {  	[tilespmem:s16], [sflag:$0x1] =	stream.indirect_vreg.gather [hbm:s4], $0x80, v0, vm0, $0x38;
	[tilespmem:$0x19320] =	vst v63  }
0x4c: {  	s16 =	sadd.s32 $0x400, s16  }
0x4d: {  	[tilespmem:s16], [sflag:$0x1] =	stream.indirect_vreg.gather [hbm:s4], $0x80, v0, vm1, $0x38;
	[tilespmem:$0x19320] =	vst v63  }
0x4e: {  	s13 =	sshll.u32 s13, $0x4;
	_ =	swait.ge [sflag:s6], $0xC800  }
0x4f: {  	s13 =	sadd.s32 s13, s5;
	[sflag:s6] =	ssyncset.done $0x0  }
0x50: {  	s17 =	sadd.s32 $0x0, s13;
	s16 =	simm.s32 $0x80;
	[sflag:s6] =	ssyncadd.s32 $0xFFFF3800  }
.LBB2_5:
0x51: {  	[hbm:s17] =	stream.linear.scatter [tilespmem:s14], [sflag:$0x3], $0x400, $0x38;
	[tilespmem:$0x19320] =	vst v63  }
0x52: {  	s17 =	smov.u32 s16;
	s14 =	smov.u32 s15;
	p1 =	sne.s32 s16, $0x1880  }
.Ltmp4:
0x53: {  	s16 =	sadd.s32 $0x80, s16;
	(pc) =	sbr.rel @p1 .LBB2_5-.Ltmp4, $2  }
0x54: {  	_ =	sdelay $0x2  }
0x55: {  	s15 =	sadd.s32 $0x400, s15;
	s17 =	sadd.s32 s17, s13  }
.Ltmp5:
0x56: {  	_ = 	snop;
	(pc) =	sbr.rel .LBB2_6-.Ltmp5, $1  }
0x57: {  	_ =	sdelay $0x3  }
.LBB2_8:
0x58: {  	_ =	sfence.sel $0x180000  }
0x59: {  	s1 =	simm.s32 $0x2;
	[bflag:$0x0] =	sbarrier.arrive $0xFFFF  }
0x5a: {  	s30 =	simm.s32 $0x3;
	[sflag:s1] =	ssyncpa.u1 $0x1  }
0x5b: {  	s31 =	simm.s32 $0x1;
	[sflag:s30] =	ssyncpa.u1 $0x1  }
0x5c: {  	[sflag:s31] =	ssyncpa.u1 $0x1  }
0x5d: {  	p0 =	sne.s32 s0, $0x0;
	_ =	strace $0x90000047  }
0x5e: {  	s0 =	sadd.s32 @!p0 $0x100000, s2;
	[bflag:$0x2] =	sbarrier.arrive $0xFFFF  }
0x5f: {  	[sflag:s0] =	ssyncadd.tile.s32 @!p0 $0x1;
	_ =	shalt  }
.Lfunc_end2:
_tile_overlayer_lowered:
.L_overlay_start_2:
0x60: {  	(tag) =	ssettag $0x2  }
0x61: {  	s0 =	rddreg [dreg:$0x0];
	s2 =	stileid.u32  }
0x62: {  	s1 =	rddreg [dreg:$0x1];
	p0 =	sne.s32 s2, $0x0  }
0x63: {  	s3 =	rddreg [dreg:$0x2];
	[bflag:$0x3] =	sbarrier.arrive $0xFFFF;
	s2 =	simm.s32 @!p0 $0x1C01  }
0x64: {  	[timem:s3], [sflag:s2] =	dma.local @!p0 [hbm:s0], s1  }
0x65: {  	s0 =	simm.s32 @!p0 $0x1  }
0x66: {  	_ =	swait.ge @!p0 [sflag:s0], s1  }
0x67: {  	s1 =	ssub.s32 @!p0 $0x0, s1;
	[sflag:s0] =	ssyncset.done @!p0 $0x0  }
0x68: {  	[sflag:s0] =	ssyncadd.s32 @!p0 s1  }
0x69: {  	[bflag:$0x3] =	sbarrier.arrive $0xFFFF  }
0x6a: {  	_ =	shalt  }

// kernel: kernel.5.cloned.1.call-start
scs
__scs_entry_jumppad:
0x0: {  	(pc) =	sbr.rel $0x88, $3  }
0x1: {  	(tag) =	ssettag $0x0;
	lr =	simm.s32 $0x1  }
0x2: {  	[smem:$0x3F97] =	sst lr;
	_ =	strace $0xD0000000  }
0x3: {  	_ = 	snop  }
0x4: {  	_ = 	snop  }
0x5: {  	_ = 	snop  }
0x6: {  	_ = 	snop  }
0x7: {  	_ = 	snop  }
__scs_overlays_trampoline_lowered:
0x8: {  	[smem:$0x3FA6] =	sst s0  }
0x9: {  	[smem:$0x3FA7] =	sst s1  }
0xa: {  	[smem:$0x3FA8] =	sst s2  }
0xb: {  	[smem:$0x3FA9] =	sst s3  }
0xc: {  	[smem:$0x3FAA] =	sst s4  }
0xd: {  	[smem:$0x3FAB] =	sst s5  }
0xe: {  	[smem:$0x3FAC] =	sst s6  }
0xf: {  	[smem:$0x3FAD] =	sst s7  }
0x10: {  	[smem:$0x3FAE] =	sst s8  }
0x11: {  	[smem:$0x3FAF] =	sst s9;
	s0 =	simm.s32 @!p0 $0x0  }
0x12: {  	s1 =	sld [smem:$0x3F95];
	s0 =	simm.s32 @p0 $0x1  }
0x13: {  	[smem:$0x3FB0] =	sst s0;
	s0 =	simm.s32 @!p1 $0x0  }
0x14: {  	s2 =	sld [smem:$0x3F94];
	s0 =	simm.s32 @p1 $0x1  }
0x15: {  	[smem:$0x3FB1] =	sst s0;
	s0 =	simm.s32 @!p2 $0x0  }
0x16: {  	s3 =	sld [smem:$0x3FDB];
	s0 =	simm.s32 @p2 $0x1  }
0x17: {  	s4 =	simm.s32 $0x1BF5;
	[smem:$0x3FB3] =	sst s0  }
0x18: {  	s0 =	sld [smem:$0x3F96];
	_ =	swait.ge [sflag:s4], $0x0  }
0x19: {  	s7 =	sld [smem:$0x3F97]  }
0x1a: {  	s8 =	sadd.s32 $0xFFFFE003, lr  }
0x1b: {  	s9 =	sadd.s32 $0xFFFFFEF7, lr;
	s5 =	simm.s32 $0xFFFFFFFF;
	p2 =	slt.u32 s8, $0xFFFFF086  }
0x1c: {  	p1 =	slt.u32 s9, $0xF7A;
	s5 =	simm.s32 @!p2 $0x0  }
0x1d: {  	s5 =	simm.s32 @p1 $0x1;
	p0 =	seq.s32 s7, s2  }
0x1e: {  	s7 =	smul.u32 @!p0 $0xF7A, s2;
	p2 =	seq.s32 @!p0 s5, $0x0  }
0x1f: {  	s9 =	smul.u32 $0xF7A, s1;
	s8 =	simm.s32 @!p0 $0x1BF5;
	p2 =	por !p2, p0  }
0x20: {  	[sflag:s8] =	ssyncset.s32 @!p0 $0xFFFFF086;
	s6 =	sadd.s32 @!p0 s3, s7;
	s7 =	simm.s32 @!p0 $0x108  }
0x21: {  	s3 =	sadd.s32 s3, s9;
	s6 =	sadd.s32 @!p0 $0x88, s6;
	s7 =	simm.s32 @p2 $0x1082  }
0x22: {  	[simem:s7], [sflag:s8] =	dma.local @!p0 [hbm:s6], $0xF7A  }
0x23: {  	s9 =	sor.u32 $0xD0000000, s2;
	s6 =	simm.s32 $0x108;
	_ =	swait.ge @!p0 [sflag:s8], $0x0  }
0x24: {  	s3 =	sadd.s32 $0x88, s3;
	s6 =	simm.s32 @!p1 $0x1082;
	[sflag:s4] =	ssyncset.s32 $0xFFFFF086  }
0x25: {  	[simem:s6], [sflag:s4] =	dma.local [hbm:s3], $0xF7A  }
0x26: {  	[smem:$0x3F97] =	sst s1;
	(tag) =	ssettag s2;
	_ =	strace s9  }
0x27: {  	s1 =	sld [smem:$0x3FA7]  }
0x28: {  	s2 =	sld [smem:$0x3FA8]  }
0x29: {  	s4 =	sld [smem:$0x3FAA]  }
0x2a: {  	p0 =	seq.s32 s5, $0x0;
	s5 =	sld [smem:$0x3FAB]  }
0x2b: {  	s6 =	sld [smem:$0x3FAC]  }
0x2c: {  	s7 =	sld [smem:$0x3FAD]  }
0x2d: {  	s3 =	simm.s32 $0x108;
	s8 =	sld [smem:$0x3FAE]  }
0x2e: {  	s3 =	simm.s32 @!p0 $0x1082;
	s9 =	sld [smem:$0x3FAF]  }
0x2f: {  	lr =	sadd.s32 s0, s3;
	s0 =	sld [smem:$0x3FA6]  }
0x30: {  	s3 =	sld [smem:$0x3FA9]  }
0x31: {  	[smem:$0x3FB2] =	sst s10  }
0x32: {  	s10 =	sld [smem:$0x3FB0];
	_ =	sdelay $0x3  }
0x33: {  	p0 =	seq.s32 s10, $0x1;
	s10 =	sld [smem:$0x3FB2];
	_ =	sdelay $0x3  }
0x34: {  	[smem:$0x3FB2] =	sst s10  }
0x35: {  	s10 =	sld [smem:$0x3FB1];
	_ =	sdelay $0x3  }
0x36: {  	p1 =	seq.s32 s10, $0x1;
	s10 =	sld [smem:$0x3FB2];
	_ =	sdelay $0x3  }
0x37: {  	[smem:$0x3FB2] =	sst s10  }
0x38: {  	s10 =	sld [smem:$0x3FB3]  }
0x39: {  	_ = 	snop;
	(pc) =	sbr.ind lr, $3  }
0x3a: {  	_ = 	snop  }
0x3b: {  	_ = 	snop  }
0x3c: {  	p2 =	seq.s32 s10, $0x1;
	s10 =	sld [smem:$0x3FB2]  }
0x3d: {  	_ =	shalt  }
0x3e: {  	_ =	shalt  }
0x3f: {  	_ =	shalt  }
0x40: {  	_ =	shalt  }
0x41: {  	_ =	shalt  }
0x42: {  	_ =	shalt  }
0x43: {  	_ =	shalt  }
0x44: {  	_ =	shalt  }
0x45: {  	_ =	shalt  }
0x46: {  	_ =	shalt  }
0x47: {  	_ =	shalt  }
0x48: {  	_ =	shalt  }
0x49: {  	_ =	shalt  }
0x4a: {  	_ =	shalt  }
0x4b: {  	_ =	shalt  }
0x4c: {  	_ =	shalt  }
0x4d: {  	_ =	shalt  }
0x4e: {  	_ =	shalt  }
0x4f: {  	_ =	shalt  }
0x50: {  	_ =	shalt  }
0x51: {  	_ =	shalt  }
0x52: {  	_ =	shalt  }
0x53: {  	_ =	shalt  }
0x54: {  	_ =	shalt  }
0x55: {  	_ =	shalt  }
0x56: {  	_ =	shalt  }
0x57: {  	_ =	shalt  }
0x58: {  	_ =	shalt  }
0x59: {  	_ =	shalt  }
0x5a: {  	_ =	shalt  }
0x5b: {  	_ =	shalt  }
0x5c: {  	_ =	shalt  }
0x5d: {  	_ =	shalt  }
0x5e: {  	_ =	shalt  }
0x5f: {  	_ =	shalt  }
0x60: {  	_ =	shalt  }
0x61: {  	_ =	shalt  }
0x62: {  	_ =	shalt  }
0x63: {  	_ =	shalt  }
0x64: {  	_ =	shalt  }
0x65: {  	_ =	shalt  }
0x66: {  	_ =	shalt  }
0x67: {  	_ =	shalt  }
0x68: {  	_ =	shalt  }
0x69: {  	_ =	shalt  }
0x6a: {  	_ =	shalt  }
0x6b: {  	_ =	shalt  }
0x6c: {  	_ =	shalt  }
0x6d: {  	_ =	shalt  }
0x6e: {  	_ =	shalt  }
0x6f: {  	_ =	shalt  }
0x70: {  	_ =	shalt  }
0x71: {  	_ =	shalt  }
0x72: {  	_ =	shalt  }
0x73: {  	_ =	shalt  }
0x74: {  	_ =	shalt  }
0x75: {  	_ =	shalt  }
0x76: {  	_ =	shalt  }
0x77: {  	_ =	shalt  }
0x78: {  	_ =	shalt  }
0x79: {  	_ =	shalt  }
0x7a: {  	_ =	shalt  }
0x7b: {  	_ =	shalt  }
0x7c: {  	_ =	shalt  }
0x7d: {  	_ =	shalt  }
0x7e: {  	_ =	shalt  }
0x7f: {  	_ =	shalt  }
0x80: {  	_ =	shalt  }
0x81: {  	_ =	shalt  }
0x82: {  	_ =	shalt  }
0x83: {  	_ =	shalt  }
0x84: {  	_ =	shalt  }
0x85: {  	_ =	shalt  }
0x86: {  	_ =	shalt  }
0x87: {  	_ =	shalt  }
.Lfunc_end0:
.L_simem_size_0:
called_computation.1_lowered:
.L_overlay_start_0:
0x88: {  	s2 =	sld [smem:$0x3FD9]  }
0x89: {  	s3 =	sld [smem:$0x3FFE];
	_ =	sdelay $0x1  }
0x8a: {  	s1 =	srdreg.scid  }
0x8b: {  	s0 =	sand.u32 $0x1, s1  }
0x8c: {  	s17 =	sshll.u32 s0, $0xA;
	s2 =	sadd.s32 s3, s2  }
0x8d: {  	s2 =	sadd.s32 s2, s17  }
0x8e: {  	[smem:$0x3FBE] =	sst s2  }
0x8f: {  	_ = 	snop  }
0x90: {  	s2 =	sld [smem:$0x3FC7];
	(tm) =	ssettm $0x1  }
0x91: {  	s18 =	sld [smem:$0x3FFB];
	_ =	sdelay $0x3  }
0x92: {  	_ =	strace s18  }
0x93: {  	s3 =	sld [smem:$0x3FFC];
	_ =	sdelay $0x3  }
0x94: {  	_ =	strace s3  }
0x95: {  	s3 =	sld [smem:$0x3FFD];
	_ =	sdelay $0x3  }
0x96: {  	_ =	strace s3  }
0x97: {  	_ =	strace $0x8FFFFFFF  }
0x98: {  	s19 =	sld [smem:$0x3FDB];
	_ =	sdelay $0x1  }
0x99: {  	s4 =	simm.s32 $_scs_section_size  }
0x9a: {  	s5 =	simm.s32 $_size__tile_overlayer_lowered;
	s6 =	simm.s32 $_tile_overlayer_lowered  }
0x9b: {  	s22 =	simm.s32 $0x1BFF;
	s21 =	sshll.u32 s6, $0x1;
	s3 =	sadd.s32 s4, s19  }
0x9c: {  	s7 =	simm.s32 $0x0;
	s20 =	sshll.u32 s5, $0x1;
	s5 =	sadd.s32 s21, s3  }
0x9d: {  	[timem:s7], [sflag:s22] =	dma.local [hbm:s5], s20  }
0x9e: {  	_ =	swait.ge [sflag:s22], s20  }
0x9f: {  	s4 =	ssub.s32 $0x0, s20;
	[sflag:s22] =	ssyncset.done $0x0  }
0xa0: {  	[sflag:s22] =	ssyncadd.s32 s4;
	_ =	sdelay $0x1  }
0xa1: {  	s23 =	simm.s32 $0x1B8B  }
0xa2: {  	_ =	swait.ge [sflag:s23], $0x1  }
0xa3: {  	[sflag:s23] =	ssyncset.done $0x0  }
0xa4: {  	s25 =	simm.s32 $0x1B8E;
	s24 =	sld [smem:$0x3FFE];
	[sflag:s23] =	ssyncadd.s32 $0xFFFFFFFF  }
0xa5: {  	s26 =	simm.s32 $execute0_lowered;
	[smem:$0x3FD2] =	sst s25  }
0xa6: {  	s5 =	sshll.u32 s26, $0x1;
	_ =	strace $0x80000049;
	[dreg:$0x1] =	wrdreg $0xFFFFFFFF  }
0xa7: {  	s28 =	simm.s32 $_size_execute0_lowered;
	s3 =	sadd.s32 s3, s5;
	[dreg:$0x0] =	wrdreg $0x0  }
0xa8: {  	s5 =	sshll.u32 s28, $0x1;
	[dreg:$0x2] =	wrdreg s3  }
0xa9: {  	[dreg:$0x3] =	wrdreg s5  }
0xaa: {  	[dreg:$0x4] =	wrdreg $0xC0  }
0xab: {  	_ =	task [dreg:s7], $0x5FFFF  }
0xac: {  	[dreg:$0x1] =	wrdreg $0xFFFFFFFF  }
0xad: {  	[dreg:$0x0] =	wrdreg $0x60  }
0xae: {  	[dreg:$0x2] =	wrdreg s24  }
0xaf: {  	[dreg:$0x3] =	wrdreg s2  }
0xb0: {  	[dreg:$0x4] =	wrdreg $0x2A800  }
0xb1: {  	[dreg:$0x5] =	wrdreg $0x9  }
0xb2: {  	_ =	task.clear_ibuf [dreg:s7], $0x6FFFF;
	_ =	strace $0x90000049  }
0xb3: {  	s29 =	simm.s32 $0x9;
	_ =	strace $0x8000004B  }
0xb4: {  	_ =	swait.ge [sflag:s29], $0x1  }
0xb5: {  	[sflag:s29] =	ssyncadd.s32 $0xFFFFFFFF  }
0xb6: {  	_ =	strace $0x9000004B  }
0xb7: {  	_ =	sfence  }
0xb8: {  	s30 =	sld [smem:$0x0];
	_ =	sdelay $0x2  }
0xb9: {  	s31 =	sshll.u32 s1, $0xD;
	s1 =	sshrl.u32 s1, $0x2  }
0xba: {  	s3 =	sand.u32 $0x4000, s31;
	s1 =	sadd.s32 s1, s30  }
0xbb: {  	s0 =	sor.u32 s3, s0;
	s1 =	sshll.u32 s1, $0x11  }
0xbc: {  	s0 =	sor.u32 s1, s0  }
0xbd: {  	s0 =	sadd.s32 $0x8F2B, s0  }
0xbe: {  	[sflag:s0] =	ssyncadd.remote.s32 $0x1  }
0xbf: {  	_ =	sfence.sel $0xFFFF  }
0xc0: {  	[dreg:$0x0] =	wrdreg $0xFFFFFFFF;
	(pc) =	sbr.abs _section_cstart, $3  }
0xc1: {  	[dreg:$0x1] =	wrdreg $0xFFFFFFFF  }
0xc2: {  	_ =	task.clear_ibuf [dreg:s7], $0x2FFFF;
	_ =	strace $0x9FFFFFFF  }
0xc3: {  	(tm) =	ssettm $0x7FFFFFFF  }
tec
execute0_lowered:
.L_overlay_start_1:
0x0: {  	(tag) =	ssettag $0x1  }
0x1: {  	s0 =	rddreg [dreg:$0x0]  }
0x2: {  	s1 =	rddreg [dreg:$0x1]  }
0x3: {  	s2 =	rddreg [dreg:$0x2];
	s3 =	srdreg.scid;
	s4 =	simm.s32 $0x0  }
0x4: {  	s20 =	simm.s32 $0x280;
	s21 =	simm.s32 $0x2;
	s22 =	simm.s32 $0x80  }
0x5: {  	s23 =	simm.s32 $0x100;
	s24 =	simm.s32 $0x180;
	s25 =	simm.s32 $0x50  }
0x6: {  	s26 =	simm.s32 $0x200;
	s9 =	sand.u32 $0x1, s3;
	s3 =	stileid.u32  }
0x7: {  	s28 =	simm.s32 $0x1;
	[smem:$0x7FF] =	sst s4;
	s7 =	smul.u32 $0x140000, s9  }
0x8: {  	s5 =	sadd.s32 $0x1EE00, s0;
	s6 =	sadd.s32 $0x15000, s0;
	s8 =	smul.u32 $0x14000, s3  }
0x9: {  	s11 =	smul.u32 $0x50000, s3;
	s31 =	ssub.s32 $0x2, s9;
	s13 =	sshll.u32 s3, $0x1  }
0xa: {  	_ =	strace $0x8000004A;
	s12 =	sshrl.u32 s31, $0x1;
	s17 =	sor.u32 s9, s13  }
0xb: {  	s8 =	sadd.s32 s8, s7;
	s7 =	sadd.s32 $0xB200, s0;
	s11 =	sshrl.u32 s11, $0x2  }
0xc: {  	s19 =	ssub.s32 s31, s12;
	s17 =	smul.u32 $0x2710, s17;
	s10 =	sshrl.u32 s8, $0x3  }
0xd: {  	s8 =	sadd.s32 $0x1400, s0;
	s9 =	sadd.s32 s11, s2;
	s19 =	smax.u32 s19, $0x1  }
0xe: {  	s0 =	sadd.s32 s10, s0;
	s10 =	sadd.s32 $0x2800, s9;
	s11 =	sadd.s32 $0x5000, s9  }
0xf: {  	s12 =	sadd.s32 $0x7800, s9;
	s13 =	sadd.s32 $0xA000, s9;
	s14 =	sadd.s32 $0xC800, s9  }
0x10: {  	v0 =	vimm.f32 $0.0e+00;
	s15 =	sadd.s32 $0xF000, s9;
	s16 =	sadd.s32 $0x11800, s9;
	s18 =	sadd.s32 $0x2B7000, s0  }
.LBB2_1:
0x11: {  	s0 =	simm.s32 $0x0;
	s29 =	simm.s32 $0x200  }
.LBB2_2:
0x12: {  	p0 =	sne.s32 s29, $0x9E00;
	[tilespmem:s0+$0x2F0] =	vst v0  }
0x13: {  	[tilespmem:s0+$0x280] =	vst v0  }
0x14: {  	[tilespmem:s0+$0x290] =	vst v0  }
.Ltmp0:
0x15: {  	[tilespmem:s0+$0x2A0] =	vst v0;
	(pc) =	sbr.rel @p0 .LBB2_2-.Ltmp0, $4  }
0x16: {  	[tilespmem:s0+$0x2B0] =	vst v0  }
0x17: {  	[tilespmem:s0+$0x2C0] =	vst v0  }
0x18: {  	[tilespmem:s0+$0x2D0] =	vst v0  }
0x19: {  	[tilespmem:s0+$0x2E0] =	vst v0;
	s0 =	sshra.s32 s29, $0x2;
	s29 =	sadd.s32 $0x200, s29  }
0x1a: {  	[tilespmem:s0+$0x2F0] =	vst v0  }
0x1b: {  	[tilespmem:s0+$0x280] =	vst v0  }
0x1c: {  	[tilespmem:s0+$0x290] =	vst v0  }
0x1d: {  	[tilespmem:s0+$0x2A0] =	vst v0  }
0x1e: {  	[tilespmem:s0+$0x2B0] =	vst v0  }
0x1f: {  	[tilespmem:s0+$0x2C0] =	vst v0  }
0x20: {  	[tilespmem:s0+$0x2D0] =	vst v0  }
0x21: {  	[tilespmem:s0+$0x2E0] =	vst v0  }
0x22: {  	[spmem:s9] =	stream.linear.scatter [tilespmem:s20], [sflag:$0x2], $0x2800, $0x38;
	[tilespmem:$0x16A80] =	vst v63  }
0x23: {  	_ =	swait.ge [sflag:s21], $0x2800  }
0x24: {  	[sflag:s21] =	ssyncset.done $0x0  }
0x25: {  	[sflag:s21] =	ssyncadd.s32 $0xFFFFD800  }
0x26: {  	[spmem:s10] =	stream.linear.scatter [tilespmem:s20], [sflag:$0x2], $0x2800, $0x38;
	[tilespmem:$0x16A80] =	vst v63  }
0x27: {  	_ =	swait.ge [sflag:s21], $0x2800  }
0x28: {  	[sflag:s21] =	ssyncset.done $0x0  }
0x29: {  	[sflag:s21] =	ssyncadd.s32 $0xFFFFD800  }
0x2a: {  	[spmem:s11] =	stream.linear.scatter [tilespmem:s20], [sflag:$0x2], $0x2800, $0x38;
	[tilespmem:$0x16A80] =	vst v63  }
0x2b: {  	_ =	swait.ge [sflag:s21], $0x2800  }
0x2c: {  	[sflag:s21] =	ssyncset.done $0x0  }
0x2d: {  	[sflag:s21] =	ssyncadd.s32 $0xFFFFD800  }
0x2e: {  	[spmem:s12] =	stream.linear.scatter [tilespmem:s20], [sflag:$0x2], $0x2800, $0x38;
	[tilespmem:$0x16A80] =	vst v63  }
0x2f: {  	_ =	swait.ge [sflag:s21], $0x2800  }
0x30: {  	[sflag:s21] =	ssyncset.done $0x0  }
0x31: {  	[sflag:s21] =	ssyncadd.s32 $0xFFFFD800  }
0x32: {  	[spmem:s13] =	stream.linear.scatter [tilespmem:s20], [sflag:$0x2], $0x2800, $0x38;
	[tilespmem:$0x16A80] =	vst v63  }
0x33: {  	_ =	swait.ge [sflag:s21], $0x2800  }
0x34: {  	[sflag:s21] =	ssyncset.done $0x0  }
0x35: {  	[sflag:s21] =	ssyncadd.s32 $0xFFFFD800  }
0x36: {  	[spmem:s14] =	stream.linear.scatter [tilespmem:s20], [sflag:$0x2], $0x2800, $0x38;
	[tilespmem:$0x16A80] =	vst v63  }
0x37: {  	_ =	swait.ge [sflag:s21], $0x2800  }
0x38: {  	[sflag:s21] =	ssyncset.done $0x0  }
0x39: {  	[sflag:s21] =	ssyncadd.s32 $0xFFFFD800  }
0x3a: {  	[spmem:s15] =	stream.linear.scatter [tilespmem:s20], [sflag:$0x2], $0x2800, $0x38;
	[tilespmem:$0x16A80] =	vst v63  }
0x3b: {  	_ =	swait.ge [sflag:s21], $0x2800  }
0x3c: {  	[sflag:s21] =	ssyncset.done $0x0  }
0x3d: {  	[sflag:s21] =	ssyncadd.s32 $0xFFFFD800  }
0x3e: {  	[spmem:s16] =	stream.linear.scatter [tilespmem:s20], [sflag:$0x2], $0x2800, $0x38;
	[tilespmem:$0x16A80] =	vst v63  }
0x3f: {  	_ =	swait.ge [sflag:s21], $0x2800  }
0x40: {  	[sflag:s21] =	ssyncset.done $0x0  }
0x41: {  	[sflag:s21] =	ssyncadd.s32 $0xFFFFD800  }
0x42: {  	s29 =	simm.s32 $0x0;
	s30 =	simm.s32 $0x0;
	[bflag:$0x0] =	sbarrier.arrive $0xFFFF  }
.LBB2_4:
0x43: {  	s0 =	smul.u32 $0x50, s30;
	_ =	sdelay $0x1  }
0x44: {  	s0 =	sadd.s32 s17, s0  }
0x45: {  	s0 =	sshrl.u32 s0, $0x3  }
0x46: {  	s31 =	sadd.s32 s6, s0  }
0x47: {  	[tilespmem:s29], [sflag:$0x2] =	stream.linear.gather [hbm4b:s31+s29], $0x50, $0x38;
	[tilespmem:$0x16A80] =	vst v63  }
0x48: {  	_ =	swait.ge [sflag:s21], $0x50  }
0x49: {  	[sflag:s21] =	ssyncset.done $0x0  }
0x4a: {  	s31 =	sadd.s32 s7, s0;
	[sflag:s21] =	ssyncadd.s32 $0xFFFFFFB0  }
0x4b: {  	[tilespmem:s22], [sflag:$0x2] =	stream.linear.gather [hbm4b:s31+s29], $0x50, $0x38;
	[tilespmem:$0x16A80] =	vst v63  }
0x4c: {  	_ =	swait.ge [sflag:s21], $0x50  }
0x4d: {  	[sflag:s21] =	ssyncset.done $0x0  }
0x4e: {  	s31 =	sadd.s32 s1, s0;
	[sflag:s21] =	ssyncadd.s32 $0xFFFFFFB0  }
0x4f: {  	[tilespmem:s23], [sflag:$0x2] =	stream.linear.gather [hbm4b:s31+s29], $0x50, $0x38;
	[tilespmem:$0x16A80] =	vst v63  }
0x50: {  	_ =	swait.ge [sflag:s21], $0x50  }
0x51: {  	[sflag:s21] =	ssyncset.done $0x0  }
0x52: {  	s0 =	sadd.s32 s8, s0;
	[sflag:s21] =	ssyncadd.s32 $0xFFFFFFB0  }
0x53: {  	[tilespmem:s24], [sflag:$0x2] =	stream.linear.gather [hbm4b:s0+s29], $0x50, $0x38;
	[tilespmem:$0x16A80] =	vst v63  }
0x54: {  	_ =	swait.ge [sflag:s21], $0x50  }
0x55: {  	[sflag:s21] =	ssyncset.done $0x0  }
0x56: {  	[sflag:s21] =	ssyncadd.s32 $0xFFFFFFB0  }
0x57: {  	v1 =	vld [tilespmem:$0x100]  }
0x58: {  	v2 =	vld [tilespmem:$0x0]  }
0x59: {  	v3 =	vld [tilespmem:$0x110]  }
0x5a: {  	v4 =	vld [tilespmem:$0x10]  }
0x5b: {  	v5 =	vld [tilespmem:$0x120]  }
0x5c: {  	v6 =	vld [tilespmem:$0x20]  }
0x5d: {  	v7 =	vld [tilespmem:$0x130]  }
0x5e: {  	v8 =	vld [tilespmem:$0x140]  }
0x5f: {  	v9 =	vld [tilespmem:$0x30];
	v1 =	vmul.u32 $0x2710, v1  }
0x60: {  	v10 =	vld [tilespmem:$0x40];
	v3 =	vmul.u32 $0x2710, v3  }
0x61: {  	v1 =	vadd.s32 v2, v1;
	v2 =	vmul.u32 $0x2710, v5  }
0x62: {  	[tilespmem:$0x200] =	vst v1;
	v1 =	vadd.s32 v4, v3;
	v3 =	vmul.u32 $0x2710, v7  }
0x63: {  	[tilespmem:$0x210] =	vst v1;
	v1 =	vadd.s32 v6, v2;
	v2 =	vmul.u32 $0x2710, v8  }
0x64: {  	[tilespmem:$0x220] =	vst v1;
	v1 =	vadd.s32 v9, v3  }
0x65: {  	[tilespmem:$0x230] =	vst v1;
	v1 =	vadd.s32 v10, v2  }
0x66: {  	[tilespmem:$0x240] =	vst v1  }
0x67: {  	[tilespmem:s20], [sflag:$0x1] =	stream.indirect.gather [hbm4b:s5+s25], $0x80, s26, s25, $0xb8;
	[tilespmem:$0x16A80] =	vst v63  }
0x68: {  	_ =	swait.ge [sflag:s28], $0x2800  }
0x69: {  	[sflag:s28] =	ssyncset.done $0x0  }
0x6a: {  	s31 =	simm.s32 $0x0;
	[sflag:s28] =	ssyncadd.s32 $0xFFFFD800  }
.LBB2_5:
0x6b: {  	s0 =	sshll.u32 s31, $0x4  }
0x6c: {  	s0 =	sand.u32 $0x3FFFFFF0, s0  }
0x6d: {  	v1 =	vld [tilespmem:s0+$0x180];
	s0 =	sshll.u32 s31, $0xB  }
0x6e: {  	s0 =	sand.u32 $0x3FFFF800, s0  }
0x6f: {  	v2 =	vld [tilespmem:s0+$0x280]  }
0x70: {  	v3 =	vld [tilespmem:s0+$0x290]  }
0x71: {  	v4 =	vld [tilespmem:s0+$0x2A0]  }
0x72: {  	v6 =	vld [tilespmem:s0+$0x2B0];
	v5 =	vbroadcast v1, $0x0  }
0x73: {  	v7 =	vld [tilespmem:s0+$0x2C0]  }
0x74: {  	v8 =	vld [tilespmem:s0+$0x2D0];
	v2 =	vmul.f32 v5, v2  }
0x75: {  	v9 =	vld [tilespmem:s0+$0x2E0];
	v3 =	vmul.f32 v3, v5  }
0x76: {  	v34 =	vld [tilespmem:s0+$0x2F0];
	[tilespmem:s0+$0x280] =	vst v2;
	v2 =	vmul.f32 v4, v5  }
0x77: {  	v35 =	vld [tilespmem:s0+$0x300];
	[tilespmem:s0+$0x290] =	vst v3;
	v3 =	vmul.f32 v6, v5  }
0x78: {  	v36 =	vld [tilespmem:s0+$0x310];
	[tilespmem:s0+$0x2A0] =	vst v2;
	v2 =	vmul.f32 v7, v5  }
0x79: {  	v37 =	vld [tilespmem:s0+$0x320];
	[tilespmem:s0+$0x2B0] =	vst v3;
	v3 =	vmul.f32 v8, v5  }
0x7a: {  	v10 =	vld [tilespmem:s0+$0x330];
	v38 =	vbroadcast v1, $0x1;
	[tilespmem:s0+$0x2C0] =	vst v2;
	v2 =	vmul.f32 v9, v5  }
0x7b: {  	v39 =	vld [tilespmem:s0+$0x340];
	[tilespmem:s0+$0x2D0] =	vst v3;
	v3 =	vmul.f32 v34, v5  }
0x7c: {  	v40 =	vld [tilespmem:s0+$0x350];
	[tilespmem:s0+$0x2E0] =	vst v2;
	v2 =	vmul.f32 v35, v38  }
0x7d: {  	v41 =	vld [tilespmem:s0+$0x360];
	[tilespmem:s0+$0x2F0] =	vst v3;
	v3 =	vmul.f32 v36, v38  }
0x7e: {  	v42 =	vld [tilespmem:s0+$0x370];
	[tilespmem:s0+$0x300] =	vst v2;
	v2 =	vmul.f32 v37, v38  }
0x7f: {  	v43 =	vld [tilespmem:s0+$0x380];
	[tilespmem:s0+$0x310] =	vst v3;
	v3 =	vmul.f32 v10, v38  }
0x80: {  	v44 =	vld [tilespmem:s0+$0x390];
	[tilespmem:s0+$0x320] =	vst v2;
	v2 =	vmul.f32 v39, v38  }
0x81: {  	v45 =	vld [tilespmem:s0+$0x3A0];
	[tilespmem:s0+$0x330] =	vst v3;
	v3 =	vmul.f32 v40, v38  }
0x82: {  	v47 =	vld [tilespmem:s0+$0x3B0];
	v46 =	vbroadcast v1, $0x2;
	[tilespmem:s0+$0x340] =	vst v2;
	v2 =	vmul.f32 v41, v38  }
0x83: {  	v48 =	vld [tilespmem:s0+$0x3C0];
	[tilespmem:s0+$0x350] =	vst v3;
	v3 =	vmul.f32 v42, v38  }
0x84: {  	v49 =	vld [tilespmem:s0+$0x3D0];
	[tilespmem:s0+$0x360] =	vst v2;
	v2 =	vmul.f32 v43, v46  }
0x85: {  	v50 =	vld [tilespmem:s0+$0x3E0];
	[tilespmem:s0+$0x370] =	vst v3;
	v3 =	vmul.f32 v44, v46  }
0x86: {  	v51 =	vld [tilespmem:s0+$0x3F0];
	[tilespmem:s0+$0x380] =	vst v2;
	v2 =	vmul.f32 v45, v46  }
0x87: {  	v52 =	vld [tilespmem:s0+$0x400];
	[tilespmem:s0+$0x390] =	vst v3;
	v3 =	vmul.f32 v47, v46  }
0x88: {  	v53 =	vld [tilespmem:s0+$0x410];
	[tilespmem:s0+$0x3A0] =	vst v2;
	v2 =	vmul.f32 v48, v46  }
0x89: {  	v54 =	vld [tilespmem:s0+$0x420];
	[tilespmem:s0+$0x3B0] =	vst v3;
	v3 =	vmul.f32 v49, v46  }
0x8a: {  	v56 =	vld [tilespmem:s0+$0x430];
	v55 =	vbroadcast v1, $0x3;
	[tilespmem:s0+$0x3C0] =	vst v2;
	v2 =	vmul.f32 v50, v46  }
0x8b: {  	v57 =	vld [tilespmem:s0+$0x440];
	[tilespmem:s0+$0x3D0] =	vst v3;
	v3 =	vmul.f32 v51, v46  }
0x8c: {  	v58 =	vld [tilespmem:s0+$0x450];
	[tilespmem:s0+$0x3E0] =	vst v2;
	v2 =	vmul.f32 v52, v55  }
0x8d: {  	v59 =	vld [tilespmem:s0+$0x460];
	[tilespmem:s0+$0x3F0] =	vst v3;
	v3 =	vmul.f32 v53, v55  }
0x8e: {  	v60 =	vld [tilespmem:s0+$0x470];
	[tilespmem:s0+$0x400] =	vst v2;
	v2 =	vmul.f32 v54, v55  }
0x8f: {  	v61 =	vld [tilespmem:s0+$0x480];
	[tilespmem:s0+$0x410] =	vst v3;
	v3 =	vmul.f32 v56, v55  }
0x90: {  	v62 =	vld [tilespmem:s0+$0x490];
	[tilespmem:s0+$0x420] =	vst v2;
	v2 =	vmul.f32 v57, v55  }
0x91: {  	v63 =	vld [tilespmem:s0+$0x4A0];
	[tilespmem:s0+$0x430] =	vst v3;
	v3 =	vmul.f32 v58, v55  }
0x92: {  	v13 =	vld [tilespmem:s0+$0x4B0];
	v12 =	vbroadcast v1, $0x4;
	[tilespmem:s0+$0x440] =	vst v2;
	v2 =	vmul.f32 v59, v55  }
0x93: {  	v14 =	vld [tilespmem:s0+$0x4C0];
	[tilespmem:s0+$0x450] =	vst v3;
	v3 =	vmul.f32 v60, v55  }
0x94: {  	v15 =	vld [tilespmem:s0+$0x4D0];
	[tilespmem:s0+$0x460] =	vst v2;
	v2 =	vmul.f32 v61, v12  }
0x95: {  	v16 =	vld [tilespmem:s0+$0x4E0];
	[tilespmem:s0+$0x470] =	vst v3;
	v3 =	vmul.f32 v62, v12  }
0x96: {  	v17 =	vld [tilespmem:s0+$0x4F0];
	[tilespmem:s0+$0x480] =	vst v2;
	v2 =	vmul.f32 v63, v12  }
0x97: {  	v18 =	vld [tilespmem:s0+$0x500];
	[tilespmem:s0+$0x490] =	vst v3;
	v3 =	vmul.f32 v13, v12  }
0x98: {  	v19 =	vld [tilespmem:s0+$0x510];
	[tilespmem:s0+$0x4A0] =	vst v2;
	v2 =	vmul.f32 v14, v12  }
0x99: {  	v20 =	vld [tilespmem:s0+$0x520];
	[tilespmem:s0+$0x4B0] =	vst v3;
	v3 =	vmul.f32 v15, v12  }
0x9a: {  	v22 =	vld [tilespmem:s0+$0x530];
	v21 =	vbroadcast v1, $0x5;
	[tilespmem:s0+$0x4C0] =	vst v2;
	v2 =	vmul.f32 v16, v12  }
0x9b: {  	v23 =	vld [tilespmem:s0+$0x540];
	[tilespmem:s0+$0x4D0] =	vst v3;
	v3 =	vmul.f32 v17, v12  }
0x9c: {  	v24 =	vld [tilespmem:s0+$0x550];
	[tilespmem:s0+$0x4E0] =	vst v2;
	v2 =	vmul.f32 v18, v21  }
0x9d: {  	v25 =	vld [tilespmem:s0+$0x560];
	[tilespmem:s0+$0x4F0] =	vst v3;
	v3 =	vmul.f32 v19, v21  }
0x9e: {  	v26 =	vld [tilespmem:s0+$0x570];
	[tilespmem:s0+$0x500] =	vst v2;
	v2 =	vmul.f32 v20, v21  }
0x9f: {  	v27 =	vld [tilespmem:s0+$0x580];
	[tilespmem:s0+$0x510] =	vst v3;
	v3 =	vmul.f32 v22, v21  }
0xa0: {  	v28 =	vld [tilespmem:s0+$0x590];
	[tilespmem:s0+$0x520] =	vst v2;
	v2 =	vmul.f32 v23, v21  }
0xa1: {  	v29 =	vld [tilespmem:s0+$0x5A0];
	[tilespmem:s0+$0x530] =	vst v3;
	v3 =	vmul.f32 v24, v21  }
0xa2: {  	v31 =	vld [tilespmem:s0+$0x5B0];
	v30 =	vbroadcast v1, $0x6;
	[tilespmem:s0+$0x540] =	vst v2;
	v2 =	vmul.f32 v25, v21  }
0xa3: {  	v32 =	vld [tilespmem:s0+$0x5C0];
	[tilespmem:s0+$0x550] =	vst v3;
	v3 =	vmul.f32 v26, v21  }
0xa4: {  	v33 =	vld [tilespmem:s0+$0x5D0];
	[tilespmem:s0+$0x560] =	vst v2;
	v2 =	vmul.f32 v27, v30  }
0xa5: {  	v34 =	vld [tilespmem:s0+$0x5E0];
	[tilespmem:s0+$0x570] =	vst v3;
	v3 =	vmul.f32 v28, v30  }
0xa6: {  	v35 =	vld [tilespmem:s0+$0x5F0];
	[tilespmem:s0+$0x580] =	vst v2;
	v2 =	vmul.f32 v29, v30  }
0xa7: {  	v36 =	vld [tilespmem:s0+$0x600];
	[tilespmem:s0+$0x590] =	vst v3;
	v3 =	vmul.f32 v31, v30  }
0xa8: {  	v37 =	vld [tilespmem:s0+$0x610];
	[tilespmem:s0+$0x5A0] =	vst v2;
	v2 =	vmul.f32 v32, v30  }
0xa9: {  	v38 =	vld [tilespmem:s0+$0x620];
	[tilespmem:s0+$0x5B0] =	vst v3;
	v3 =	vmul.f32 v33, v30  }
0xaa: {  	v39 =	vbroadcast v1, $0x7;
	v40 =	vld [tilespmem:s0+$0x630];
	[tilespmem:s0+$0x5C0] =	vst v2;
	v2 =	vmul.f32 v34, v30  }
0xab: {  	v41 =	vld [tilespmem:s0+$0x640];
	[tilespmem:s0+$0x5D0] =	vst v3;
	v3 =	vmul.f32 v35, v30  }
0xac: {  	v42 =	vld [tilespmem:s0+$0x650];
	[tilespmem:s0+$0x5E0] =	vst v2;
	v2 =	vmul.f32 v36, v39  }
0xad: {  	v43 =	vld [tilespmem:s0+$0x660];
	[tilespmem:s0+$0x5F0] =	vst v3;
	v3 =	vmul.f32 v37, v39  }
0xae: {  	v44 =	vld [tilespmem:s0+$0x670];
	[tilespmem:s0+$0x600] =	vst v2;
	v2 =	vmul.f32 v38, v39  }
0xaf: {  	v45 =	vld [tilespmem:s0+$0x680];
	[tilespmem:s0+$0x610] =	vst v3;
	v3 =	vmul.f32 v40, v39  }
0xb0: {  	v46 =	vld [tilespmem:s0+$0x690];
	[tilespmem:s0+$0x620] =	vst v2;
	v2 =	vmul.f32 v41, v39  }
0xb1: {  	v47 =	vld [tilespmem:s0+$0x6A0];
	[tilespmem:s0+$0x630] =	vst v3;
	v3 =	vmul.f32 v42, v39  }
0xb2: {  	v48 =	vbroadcast v1, $0x8;
	v49 =	vld [tilespmem:s0+$0x6B0];
	[tilespmem:s0+$0x640] =	vst v2;
	v2 =	vmul.f32 v43, v39  }
0xb3: {  	v50 =	vld [tilespmem:s0+$0x6C0];
	[tilespmem:s0+$0x650] =	vst v3;
	v3 =	vmul.f32 v44, v39  }
0xb4: {  	v51 =	vld [tilespmem:s0+$0x6D0];
	[tilespmem:s0+$0x660] =	vst v2;
	v2 =	vmul.f32 v45, v48  }
0xb5: {  	v52 =	vld [tilespmem:s0+$0x6E0];
	[tilespmem:s0+$0x670] =	vst v3;
	v3 =	vmul.f32 v46, v48  }
0xb6: {  	v53 =	vld [tilespmem:s0+$0x6F0];
	[tilespmem:s0+$0x680] =	vst v2;
	v2 =	vmul.f32 v47, v48  }
0xb7: {  	v54 =	vld [tilespmem:s0+$0x700];
	[tilespmem:s0+$0x690] =	vst v3;
	v3 =	vmul.f32 v49, v48  }
0xb8: {  	v55 =	vld [tilespmem:s0+$0x710];
	[tilespmem:s0+$0x6A0] =	vst v2;
	v2 =	vmul.f32 v50, v48  }
0xb9: {  	v56 =	vld [tilespmem:s0+$0x720];
	[tilespmem:s0+$0x6B0] =	vst v3;
	v3 =	vmul.f32 v51, v48  }
0xba: {  	v57 =	vbroadcast v1, $0x9;
	v58 =	vld [tilespmem:s0+$0x730];
	[tilespmem:s0+$0x6C0] =	vst v2;
	v2 =	vmul.f32 v52, v48  }
0xbb: {  	v59 =	vld [tilespmem:s0+$0x740];
	[tilespmem:s0+$0x6D0] =	vst v3;
	v3 =	vmul.f32 v53, v48  }
0xbc: {  	v60 =	vld [tilespmem:s0+$0x750];
	[tilespmem:s0+$0x6E0] =	vst v2;
	v2 =	vmul.f32 v54, v57  }
0xbd: {  	v61 =	vld [tilespmem:s0+$0x760];
	[tilespmem:s0+$0x6F0] =	vst v3;
	v3 =	vmul.f32 v55, v57  }
0xbe: {  	v62 =	vld [tilespmem:s0+$0x770];
	[tilespmem:s0+$0x700] =	vst v2;
	v2 =	vmul.f32 v56, v57  }
0xbf: {  	v63 =	vld [tilespmem:s0+$0x780];
	[tilespmem:s0+$0x710] =	vst v3;
	v3 =	vmul.f32 v58, v57  }
0xc0: {  	v12 =	vld [tilespmem:s0+$0x790];
	[tilespmem:s0+$0x720] =	vst v2;
	v2 =	vmul.f32 v59, v57  }
0xc1: {  	v13 =	vld [tilespmem:s0+$0x7A0];
	[tilespmem:s0+$0x730] =	vst v3;
	v3 =	vmul.f32 v60, v57  }
0xc2: {  	v14 =	vbroadcast v1, $0xA;
	v15 =	vld [tilespmem:s0+$0x7B0];
	[tilespmem:s0+$0x740] =	vst v2;
	v2 =	vmul.f32 v61, v57  }
0xc3: {  	v16 =	vld [tilespmem:s0+$0x7C0];
	[tilespmem:s0+$0x750] =	vst v3;
	v3 =	vmul.f32 v62, v57  }
0xc4: {  	v17 =	vld [tilespmem:s0+$0x7D0];
	[tilespmem:s0+$0x760] =	vst v2;
	v2 =	vmul.f32 v63, v14  }
0xc5: {  	v18 =	vld [tilespmem:s0+$0x7E0];
	[tilespmem:s0+$0x770] =	vst v3;
	v3 =	vmul.f32 v12, v14  }
0xc6: {  	v19 =	vld [tilespmem:s0+$0x7F0];
	[tilespmem:s0+$0x780] =	vst v2;
	v2 =	vmul.f32 v13, v14  }
0xc7: {  	v20 =	vld [tilespmem:s0+$0x800];
	[tilespmem:s0+$0x790] =	vst v3;
	v3 =	vmul.f32 v15, v14  }
0xc8: {  	v21 =	vld [tilespmem:s0+$0x810];
	[tilespmem:s0+$0x7A0] =	vst v2;
	v2 =	vmul.f32 v16, v14  }
0xc9: {  	v22 =	vld [tilespmem:s0+$0x820];
	[tilespmem:s0+$0x7B0] =	vst v3;
	v3 =	vmul.f32 v17, v14  }
0xca: {  	v23 =	vbroadcast v1, $0xB;
	v24 =	vld [tilespmem:s0+$0x830];
	[tilespmem:s0+$0x7C0] =	vst v2;
	v2 =	vmul.f32 v18, v14  }
0xcb: {  	v25 =	vld [tilespmem:s0+$0x840];
	[tilespmem:s0+$0x7D0] =	vst v3;
	v3 =	vmul.f32 v19, v14  }
0xcc: {  	v26 =	vld [tilespmem:s0+$0x850];
	[tilespmem:s0+$0x7E0] =	vst v2;
	v2 =	vmul.f32 v20, v23  }
0xcd: {  	v27 =	vld [tilespmem:s0+$0x860];
	[tilespmem:s0+$0x7F0] =	vst v3;
	v3 =	vmul.f32 v21, v23  }
0xce: {  	v28 =	vld [tilespmem:s0+$0x870];
	[tilespmem:s0+$0x800] =	vst v2;
	v2 =	vmul.f32 v22, v23  }
0xcf: {  	v29 =	vld [tilespmem:s0+$0x880];
	[tilespmem:s0+$0x810] =	vst v3;
	v3 =	vmul.f32 v24, v23  }
0xd0: {  	v30 =	vld [tilespmem:s0+$0x890];
	[tilespmem:s0+$0x820] =	vst v2;
	v2 =	vmul.f32 v25, v23  }
0xd1: {  	v31 =	vld [tilespmem:s0+$0x8A0];
	[tilespmem:s0+$0x830] =	vst v3;
	v3 =	vmul.f32 v26, v23  }
0xd2: {  	v32 =	vbroadcast v1, $0xC;
	v33 =	vld [tilespmem:s0+$0x8B0];
	[tilespmem:s0+$0x840] =	vst v2;
	v2 =	vmul.f32 v27, v23  }
0xd3: {  	v34 =	vld [tilespmem:s0+$0x8C0];
	[tilespmem:s0+$0x850] =	vst v3;
	v3 =	vmul.f32 v28, v23  }
0xd4: {  	v35 =	vld [tilespmem:s0+$0x8D0];
	[tilespmem:s0+$0x860] =	vst v2;
	v2 =	vmul.f32 v29, v32  }
0xd5: {  	v36 =	vld [tilespmem:s0+$0x8E0];
	[tilespmem:s0+$0x870] =	vst v3;
	v3 =	vmul.f32 v30, v32  }
0xd6: {  	v37 =	vld [tilespmem:s0+$0x8F0];
	[tilespmem:s0+$0x880] =	vst v2;
	v2 =	vmul.f32 v31, v32  }
0xd7: {  	v38 =	vld [tilespmem:s0+$0x900];
	[tilespmem:s0+$0x890] =	vst v3;
	v3 =	vmul.f32 v33, v32  }
0xd8: {  	v39 =	vld [tilespmem:s0+$0x910];
	[tilespmem:s0+$0x8A0] =	vst v2;
	v2 =	vmul.f32 v34, v32  }
0xd9: {  	v40 =	vld [tilespmem:s0+$0x920];
	[tilespmem:s0+$0x8B0] =	vst v3;
	v3 =	vmul.f32 v35, v32  }
0xda: {  	v41 =	vbroadcast v1, $0xD;
	v42 =	vld [tilespmem:s0+$0x930];
	[tilespmem:s0+$0x8C0] =	vst v2;
	v2 =	vmul.f32 v36, v32  }
0xdb: {  	v43 =	vld [tilespmem:s0+$0x940];
	[tilespmem:s0+$0x8D0] =	vst v3;
	v3 =	vmul.f32 v37, v32  }
0xdc: {  	v44 =	vld [tilespmem:s0+$0x950];
	[tilespmem:s0+$0x8E0] =	vst v2;
	v2 =	vmul.f32 v38, v41  }
0xdd: {  	v45 =	vld [tilespmem:s0+$0x960];
	[tilespmem:s0+$0x8F0] =	vst v3;
	v3 =	vmul.f32 v39, v41  }
0xde: {  	v46 =	vld [tilespmem:s0+$0x970];
	[tilespmem:s0+$0x900] =	vst v2;
	v2 =	vmul.f32 v40, v41  }
0xdf: {  	v47 =	vld [tilespmem:s0+$0x980];
	[tilespmem:s0+$0x910] =	vst v3;
	v3 =	vmul.f32 v42, v41  }
0xe0: {  	v48 =	vld [tilespmem:s0+$0x990];
	[tilespmem:s0+$0x920] =	vst v2;
	v2 =	vmul.f32 v43, v41  }
0xe1: {  	v49 =	vld [tilespmem:s0+$0x9A0];
	[tilespmem:s0+$0x930] =	vst v3;
	v3 =	vmul.f32 v44, v41  }
0xe2: {  	v50 =	vbroadcast v1, $0xE;
	v51 =	vld [tilespmem:s0+$0x9B0];
	[tilespmem:s0+$0x940] =	vst v2;
	v2 =	vmul.f32 v45, v41  }
0xe3: {  	v52 =	vld [tilespmem:s0+$0x9C0];
	[tilespmem:s0+$0x950] =	vst v3;
	v3 =	vmul.f32 v46, v41  }
0xe4: {  	v53 =	vld [tilespmem:s0+$0x9D0];
	[tilespmem:s0+$0x960] =	vst v2;
	v2 =	vmul.f32 v47, v50  }
0xe5: {  	v54 =	vld [tilespmem:s0+$0x9E0];
	[tilespmem:s0+$0x970] =	vst v3;
	v3 =	vmul.f32 v48, v50  }
0xe6: {  	v55 =	vld [tilespmem:s0+$0x9F0];
	[tilespmem:s0+$0x980] =	vst v2;
	v2 =	vmul.f32 v49, v50  }
0xe7: {  	v56 =	vld [tilespmem:s0+$0xA00];
	[tilespmem:s0+$0x990] =	vst v3;
	v3 =	vmul.f32 v51, v50  }
0xe8: {  	v57 =	vld [tilespmem:s0+$0xA10];
	[tilespmem:s0+$0x9A0] =	vst v2;
	v2 =	vmul.f32 v52, v50  }
0xe9: {  	v58 =	vld [tilespmem:s0+$0xA20];
	[tilespmem:s0+$0x9B0] =	vst v3;
	v3 =	vmul.f32 v53, v50  }
0xea: {  	v1 =	vbroadcast v1, $0xF;
	v59 =	vld [tilespmem:s0+$0xA30];
	[tilespmem:s0+$0x9C0] =	vst v2;
	v2 =	vmul.f32 v54, v50  }
0xeb: {  	v60 =	vld [tilespmem:s0+$0xA40];
	[tilespmem:s0+$0x9D0] =	vst v3;
	v3 =	vmul.f32 v55, v50  }
0xec: {  	v61 =	vld [tilespmem:s0+$0xA50];
	[tilespmem:s0+$0x9E0] =	vst v2;
	v2 =	vmul.f32 v56, v1  }
0xed: {  	v62 =	vld [tilespmem:s0+$0xA60];
	[tilespmem:s0+$0x9F0] =	vst v3;
	v3 =	vmul.f32 v57, v1  }
0xee: {  	v63 =	vld [tilespmem:s0+$0xA70];
	[tilespmem:s0+$0xA00] =	vst v2;
	v2 =	vmul.f32 v58, v1  }
0xef: {  	[tilespmem:s0+$0xA10] =	vst v3;
	v3 =	vmul.f32 v59, v1  }
0xf0: {  	p0 =	sne.s32 s31, $0x4;
	[tilespmem:s0+$0xA20] =	vst v2;
	v2 =	vmul.f32 v60, v1  }
.Ltmp1:
0xf1: {  	[tilespmem:s0+$0xA30] =	vst v3;
	v3 =	vmul.f32 v61, v1;
	(pc) =	sbr.rel @p0 .LBB2_5-.Ltmp1, $4  }
0xf2: {  	[tilespmem:s0+$0xA40] =	vst v2;
	v2 =	vmul.f32 v62, v1  }
0xf3: {  	[tilespmem:s0+$0xA50] =	vst v3;
	v1 =	vmul.f32 v63, v1  }
0xf4: {  	[tilespmem:s0+$0xA60] =	vst v2  }
0xf5: {  	s31 =	sadd.s32 $0x1, s31;
	[tilespmem:s0+$0xA70] =	vst v1  }
0xf6: {  	s30 =	sadd.s32 $0x1, s30  }
0xf7: {  	p0 =	sne.s32 s30, $0x7D  }
.Ltmp2:
0xf8: {  	_ = 	snop;
	(pc) =	sbr.rel @p0 .LBB2_4-.Ltmp2, $4  }
0xf9: {  	[spmem:s2] =	stream.indirect.scatter.add.f32 [tilespmem:s20], [sflag:$0x2], $0x80, s22, s25, $0xb8;
	[tilespmem:$0x16A80] =	vst v63  }
0xfa: {  	_ =	swait.ge [sflag:s21], $0x2800  }
0xfb: {  	[sflag:s21] =	ssyncset.done $0x0  }
0xfc: {  	[sflag:s21] =	ssyncadd.s32 $0xFFFFD800  }
0xfd: {  	s4 =	sadd.s32 $0x1, s4  }
0xfe: {  	s0 =	sshll.u32 s3, $0x6;
	[bflag:$0x0] =	sbarrier.arrive $0xFFFF;
	p0 =	sne.s32 s4, s19  }
.Ltmp3:
0xff: {  	s29 =	sshrl.u32 s9, $0x3;
	s0 =	sor.u32 $0x1C02, s0;
	(pc) =	sbr.rel @p0 .LBB2_1-.Ltmp3, $4  }
0x100: {  	[hbm:s18], [sflag:s0] =	dma.local [spmem:s29], $0x2800  }
0x101: {  	_ =	swait.ge [sflag:s21], $0x2800  }
0x102: {  	[sflag:s21] =	ssyncset.done $0x0  }
0x103: {  	[sflag:s21] =	ssyncadd.s32 $0xFFFFD800  }
0x104: {  	_ =	sfence.sel $0x180000  }
0x105: {  	[bflag:$0x0] =	sbarrier.arrive $0xFFFF  }
0x106: {  	_ =	strace $0x9000004A  }
0x107: {  	[bflag:$0x2] =	sbarrier.arrive $0xFFFF  }
0x108: {  	p0 =	sne.s32 s3, $0x0;
	s0 =	rddreg [dreg:$0x3]  }
0x109: {  	s0 =	sadd.s32 @!p0 $0x100000, s0  }
0x10a: {  	[sflag:s0] =	ssyncadd.tile.s32 @!p0 $0x1;
	_ =	shalt  }
.Lfunc_end2:
_tile_overlayer_lowered:
.L_overlay_start_2:
0x10b: {  	(tag) =	ssettag $0x2  }
0x10c: {  	s0 =	rddreg [dreg:$0x0];
	s2 =	stileid.u32  }
0x10d: {  	s1 =	rddreg [dreg:$0x1];
	p0 =	sne.s32 s2, $0x0  }
0x10e: {  	s3 =	rddreg [dreg:$0x2];
	[bflag:$0x3] =	sbarrier.arrive $0xFFFF;
	s2 =	simm.s32 @!p0 $0x1C02  }
0x10f: {  	[timem:s3], [sflag:s2] =	dma.local @!p0 [hbm:s0], s1  }
0x110: {  	s0 =	simm.s32 @!p0 $0x2  }
0x111: {  	_ =	swait.ge @!p0 [sflag:s0], s1  }
0x112: {  	s1 =	ssub.s32 @!p0 $0x0, s1;
	[sflag:s0] =	ssyncset.done @!p0 $0x0  }
0x113: {  	[sflag:s0] =	ssyncadd.s32 @!p0 s1  }
0x114: {  	[bflag:$0x3] =	sbarrier.arrive $0xFFFF  }
0x115: {  	_ =	shalt  }

</sc_bundles>
